<compile_context>
chip_gen: v7x
topology: tpu7x:2x2x1
jax: 0.10.2.dev20260603
libtpu: 0.0.44.dev20260713+nightly
codegen_flags: <defaults>
</compile_context>

<pallas_src>
import functools

import jax
import jax.numpy as jnp
from jax import lax
from jax.experimental import pallas as pl
from jax.experimental.pallas import tpu as pltpu
from jax.experimental.pallas import tpu_sc as plsc

N = 10000
E = 320000
D_IN = 128
D_HID = 16
D_OUT = 40

NC = 2
NS = 16
NW = NC * NS

B = 80
CH = E // B // NW
N_ACC = 10240
RPT = N_ACC // NS
W = 5
NWAVES = CH // W


def _rsqrt16(d):
    i = plsc.bitcast(d, jnp.int32)
    i = jnp.int32(0x5F3759DF) - (i >> 1)
    y = plsc.bitcast(i, jnp.float32)
    for _ in range(3):
        y = y * (1.5 - 0.5 * d * y * y)
    return y


def _splat(vec_ref, j):
    return plsc.load_gather(vec_ref, [jnp.full((16,), 0, jnp.int32) + j])


def _edge_pass(src_v, dst_v, rows_v, g_src, acc_sh, sems):
    for k in range(W):
        pltpu.async_copy(g_src.at[src_v.at[pl.ds(k * B, B)]], rows_v.at[k], sems[k])

    def group(gi, _):
        for k in range(W):
            j = gi * W + k
            pltpu.make_async_copy(
                g_src.at[src_v.at[pl.ds(j * B, B)]], rows_v.at[k], sems[k]
            ).wait()
            pltpu.sync_copy(rows_v.at[k], acc_sh.at[dst_v.at[j]], add=True)
            jn = j + W

            @pl.when(jn < CH)
            def _():
                pltpu.async_copy(g_src.at[src_v.at[pl.ds(jn * B, B)]], rows_v.at[k], sems[k])
        return 0

    lax.fori_loop(0, NWAVES, group, 0)


@functools.lru_cache(maxsize=None)
def _sc_kernels():
    mesh = plsc.VectorSubcoreMesh(
        core_axis_name="c", subcore_axis_name="s", num_cores=NC, num_subcores=NS
    )

    @functools.partial(
        pl.kernel,
        out_type=[
            jax.ShapeDtypeStruct((N_ACC,), jnp.float32),
            jax.ShapeDtypeStruct((N_ACC,), jnp.float32),
        ],
        mesh=mesh,
        scratch_types=[
            pltpu.VMEM((CH, B), jnp.int32),
            pltpu.VMEM((B,), jnp.float32),
            pltpu.VMEM((RPT,), jnp.float32),
            pltpu.VMEM_SHARED((N_ACC,), jnp.float32),
            pltpu.SemaphoreType.DMA,
        ],
    )
    def deg_kernel(dst_hbm, zero_hbm, out0_hbm, out1_hbm, dst_v, ones_v, slab_v, acc_sh, sem):
        cid = lax.axis_index("c")
        sid = lax.axis_index("s")
        wid = sid * NC + cid

        @pl.when(sid == 0)
        def _():
            pltpu.sync_copy(zero_hbm, acc_sh)

        for i in range(B // 16):
            ones_v[pl.ds(i * 16, 16)] = jnp.full((16,), 1.0, jnp.float32)
        pltpu.sync_copy(dst_hbm.at[wid], dst_v)
        plsc.subcore_barrier()

        def body(j, _):
            pltpu.async_copy(ones_v, acc_sh.at[dst_v.at[j]], sem, add=True)
            return 0

        lax.fori_loop(0, CH, body, 0)

        def drain(j, _):
            pltpu.make_async_copy(ones_v, acc_sh.at[dst_v.at[j]], sem).wait()
            return 0

        lax.fori_loop(0, CH, drain, 0)
        plsc.subcore_barrier()

        pltpu.sync_copy(acc_sh.at[pl.ds(sid * RPT, RPT)], slab_v)

        @pl.when(cid == 0)
        def _():
            pltpu.sync_copy(slab_v, out0_hbm.at[pl.ds(sid * RPT, RPT)])

        @pl.when(cid == 1)
        def _():
            pltpu.sync_copy(slab_v, out1_hbm.at[pl.ds(sid * RPT, RPT)])

    @functools.partial(
        pl.kernel,
        out_type=[
            jax.ShapeDtypeStruct((NC, N_ACC, D_HID), jnp.float32),
            jax.ShapeDtypeStruct((NC, N_ACC, D_HID), jnp.float32),
            jax.ShapeDtypeStruct((N_ACC,), jnp.float32),
        ],
        mesh=mesh,
        scratch_types=[
            pltpu.VMEM((CH * B,), jnp.int32),
            pltpu.VMEM((CH, B), jnp.int32),
            pltpu.VMEM((W, B, D_HID), jnp.float32),
            pltpu.VMEM((RPT, D_HID), jnp.float32),
            pltpu.VMEM((RPT,), jnp.float32),
            pltpu.VMEM((RPT,), jnp.float32),
            pltpu.VMEM((RPT,), jnp.float32),
            pltpu.VMEM_SHARED((N_ACC, D_HID), jnp.float32),
        ]
        + [pltpu.SemaphoreType.DMA] * W,
        compiler_params=pltpu.CompilerParams(use_tc_tiling_on_sc=False, needs_layout_passes=False),
    )
    def agg1_kernel(
        src_hbm, dst_hbm, h1_hbm, p0_hbm, p1_hbm, zero_hbm,
        q_hbm, g1_hbm, dinv_hbm,
        src_v, dst_v, rows_v, slab_v, p0_v, p1_v, dinv_v, acc_sh, *sems,
    ):
        cid = lax.axis_index("c")
        sid = lax.axis_index("s")
        wid = sid * NC + cid
        base = sid * RPT

        @pl.when(sid == 0)
        def _():
            pltpu.sync_copy(zero_hbm, acc_sh)

        pltpu.sync_copy(src_hbm.at[pl.ds(wid * CH * B, CH * B)], src_v)
        pltpu.sync_copy(dst_hbm.at[wid], dst_v)
        pltpu.sync_copy(p0_hbm.at[pl.ds(base, RPT)], p0_v)
        pltpu.sync_copy(p1_hbm.at[pl.ds(base, RPT)], p1_v)
        pltpu.sync_copy(h1_hbm.at[pl.ds(base, RPT)], slab_v)

        def dinv_blk(i, _):
            d = p0_v[pl.ds(i * 16, 16)] + p1_v[pl.ds(i * 16, 16)] + 1.0
            dinv_v[pl.ds(i * 16, 16)] = _rsqrt16(d)
            return 0

        lax.fori_loop(0, RPT // 16, dinv_blk, 0)

        def scale_row(j, _):
            slab_v[j] = slab_v[j] * _splat(dinv_v, j)
            return 0

        lax.fori_loop(0, RPT, scale_row, 0)

        pltpu.sync_copy(slab_v, g1_hbm.at[cid, pl.ds(base, RPT)])

        @pl.when(cid == 0)
        def _():
            pltpu.sync_copy(dinv_v, dinv_hbm.at[pl.ds(base, RPT)])

        plsc.subcore_barrier()
        _edge_pass(src_v, dst_v, rows_v, g1_hbm.at[cid], acc_sh, sems)
        plsc.subcore_barrier()

        pltpu.sync_copy(acc_sh.at[pl.ds(base, RPT)], slab_v)
        pltpu.sync_copy(slab_v, q_hbm.at[cid, pl.ds(base, RPT)])

    @functools.partial(
        pl.kernel,
        out_type=[
            jax.ShapeDtypeStruct((NC, N_ACC, D_HID), jnp.float32),
            jax.ShapeDtypeStruct((NC, N_ACC, D_HID), jnp.float32),
        ],
        mesh=mesh,
        scratch_types=[
            pltpu.VMEM((CH * B,), jnp.int32),
            pltpu.VMEM((CH, B), jnp.int32),
            pltpu.VMEM((W, B, D_HID), jnp.float32),
            pltpu.VMEM((RPT, D_HID), jnp.float32),
            pltpu.VMEM((RPT, D_HID), jnp.float32),
            pltpu.VMEM((RPT, D_HID), jnp.float32),
            pltpu.VMEM((RPT,), jnp.float32),
            pltpu.VMEM((16,), jnp.float32),
            pltpu.VMEM_SHARED((N_ACC, D_HID), jnp.float32),
        ]
        + [pltpu.SemaphoreType.DMA] * W,
        compiler_params=pltpu.CompilerParams(use_tc_tiling_on_sc=False, needs_layout_passes=False),
    )
    def agg2_kernel(
        src_hbm, dst_hbm, q_hbm, g1_hbm, dinv_hbm, b1_hbm, zero_hbm,
        r_hbm, g2_hbm,
        src_v, dst_v, rows_v, slab_v, q0_v, q1_v, dinv_v, b1_v, acc_sh, *sems,
    ):
        cid = lax.axis_index("c")
        sid = lax.axis_index("s")
        wid = sid * NC + cid
        base = sid * RPT

        @pl.when(sid == 0)
        def _():
            pltpu.sync_copy(zero_hbm, acc_sh)

        pltpu.sync_copy(src_hbm.at[pl.ds(wid * CH * B, CH * B)], src_v)
        pltpu.sync_copy(dst_hbm.at[wid], dst_v)
        pltpu.sync_copy(q_hbm.at[0, pl.ds(base, RPT)], q0_v)
        pltpu.sync_copy(q_hbm.at[1, pl.ds(base, RPT)], q1_v)
        pltpu.sync_copy(g1_hbm.at[cid, pl.ds(base, RPT)], slab_v)
        pltpu.sync_copy(dinv_hbm.at[pl.ds(base, RPT)], dinv_v)
        pltpu.sync_copy(b1_hbm, b1_v)
        bias = b1_v[...]

        def relu_row(j, _):
            d = _splat(dinv_v, j)
            s = (q0_v[j] + q1_v[j] + slab_v[j]) * d + bias
            slab_v[j] = jnp.maximum(s, 0.0) * d
            return 0

        lax.fori_loop(0, RPT, relu_row, 0)

        pltpu.sync_copy(slab_v, g2_hbm.at[cid, pl.ds(base, RPT)])
        plsc.subcore_barrier()
        _edge_pass(src_v, dst_v, rows_v, g2_hbm.at[cid], acc_sh, sems)
        plsc.subcore_barrier()

        pltpu.sync_copy(acc_sh.at[pl.ds(base, RPT)], slab_v)
        pltpu.sync_copy(slab_v, r_hbm.at[cid, pl.ds(base, RPT)])

    return deg_kernel, agg1_kernel, agg2_kernel


def _mm1_body(x_ref, w_ref, h_ref):
    h_ref[:N, :] = jnp.dot(x_ref[...], w_ref[...], preferred_element_type=jnp.float32)
    h_ref[N:, :] = jnp.zeros((N_ACC - N, D_HID), jnp.float32)


def _mm2_body(r_ref, g2_ref, dinv_ref, w_ref, b_ref, out_ref):
    a = (r_ref[0, :N, :] + r_ref[1, :N, :] + g2_ref[0, :N, :]) * dinv_ref[...][:N, None]
    out_ref[...] = (
        jnp.dot(a, w_ref[...], preferred_element_type=jnp.float32)
        + b_ref[...][None, :]
    )


def kernel(x, edge_index, W1, b1, W2, b2):
    src = edge_index[0].astype(jnp.int32)
    dst = edge_index[1].astype(jnp.int32).reshape(NW, CH, B)
    z1 = jnp.zeros((N_ACC,), jnp.float32)
    z16 = jnp.zeros((N_ACC, D_HID), jnp.float32)
    _deg_kernel, _agg1_kernel, _agg2_kernel = _sc_kernels()

    h1 = pl.pallas_call(
        _mm1_body,
        out_shape=jax.ShapeDtypeStruct((N_ACC, D_HID), jnp.float32),
    )(x, W1)

    p0, p1 = _deg_kernel(dst, z1)
    q, g1, dinv = _agg1_kernel(src, dst, h1, p0, p1, z16)
    r, g2 = _agg2_kernel(src, dst, q, g1, dinv, b1, z16)

    out = pl.pallas_call(
        _mm2_body,
        out_shape=jax.ShapeDtypeStruct((N, D_OUT), jnp.float32),
    )(r, g2, dinv, W2, b2)
    return out

# --- scband reference (transcript-rebuilt; emitter-appended) ---
"""Pipeline reference for scband-gcn-309237645923 (READ-ONLY COPY).

The authoritative reference and input builder live on the scoring server;
editing this copy changes nothing except your own understanding.
"""

import jax, jax.numpy as jnp
import numpy as np

N_NODES = 10000
N_EDGES = 320000
D_IN = 128
D_HID = 16
D_OUT = 40


def setup_inputs(seed: int = 0) -> dict:
    key = jax.random.key(seed)
    k_x, k_e, k_w1, k_b1, k_w2, k_b2 = (jax.random.fold_in(key, i) for i in range(6))
    x = jax.random.normal(k_x, (N_NODES, D_IN), dtype=jnp.float32)
    edge_index = jax.random.randint(k_e, (2, N_EDGES), 0, N_NODES, dtype=jnp.int64)
    # Glorot-style init for GCNConv weights
    W1 = jax.random.normal(k_w1, (D_IN, D_HID), dtype=jnp.float32) * (1.0 / np.sqrt(D_IN))
    b1 = jnp.zeros((D_HID,), dtype=jnp.float32)
    W2 = jax.random.normal(k_w2, (D_HID, D_OUT), dtype=jnp.float32) * (1.0 / np.sqrt(D_HID))
    b2 = jnp.zeros((D_OUT,), dtype=jnp.float32)
    return {"x": x, "edge_index": edge_index, "W1": W1, "b1": b1, "W2": W2, "b2": b2}


def _gcn_conv(x, edge_index, W, b):
    # Faithful GCNConv: add self-loops, symmetric normalization D^-1/2 A_hat D^-1/2, then XW aggregation.
    N = x.shape[0]
    loop = jnp.arange(N, dtype=edge_index.dtype)
    src = jnp.concatenate([edge_index[0], loop])
    dst = jnp.concatenate([edge_index[1], loop])
    deg = jnp.zeros((N,), dtype=jnp.float32).at[dst].add(1.0)
    deg_inv_sqrt = jnp.where(deg > 0, jax.lax.rsqrt(jnp.maximum(deg, 1e-12)), 0.0)
    norm = deg_inv_sqrt[src] * deg_inv_sqrt[dst]
    h = x @ W
    msg = h[src] * norm[:, None]
    out = jnp.zeros((N, h.shape[1]), dtype=h.dtype).at[dst].add(msg)
    return out + b


def reference(x, edge_index, W1, b1, W2, b2):
    h = _gcn_conv(x, edge_index, W1, b1)
    h = jax.nn.relu(h)
    out = _gcn_conv(h, edge_index, W2, b2)
    return out

if __name__ == "__main__":
    import jax
    _d = setup_inputs()
    print(jax.jit(kernel)(*tuple(_d.values())))

</pallas_src>

<mosaic_0001>
#map = affine_map<(d0, d1) -> (0)>
#map1 = affine_map<(d0, d1) -> (0, 0, 0)>
#map2 = affine_map<(d0, d1) -> (0, 0)>
module attributes {stable_mosaic.version = 14 : i64} {
  func.func @agg1_kernel(%arg0: i32, %arg1: i32, %arg2: memref<320000xi32, #tpu.memory_space<hbm>>, %arg3: memref<32x125x80xi32, #tpu.memory_space<hbm>>, %arg4: memref<10240x16xf32, #tpu.memory_space<hbm>>, %arg5: memref<10240xf32, #tpu.memory_space<hbm>>, %arg6: memref<10240xf32, #tpu.memory_space<hbm>>, %arg7: memref<10240x16xf32, #tpu.memory_space<hbm>>, %arg8: memref<2x10240x16xf32, #tpu.memory_space<hbm>>, %arg9: memref<2x10240x16xf32, #tpu.memory_space<hbm>>, %arg10: memref<10240xf32, #tpu.memory_space<hbm>>, %arg11: memref<10000xi32, #tpu.memory_space<vmem>>, %arg12: memref<125x80xi32, #tpu.memory_space<vmem>>, %arg13: memref<5x80x16xf32, #tpu.memory_space<vmem>>, %arg14: memref<640x16xf32, #tpu.memory_space<vmem>>, %arg15: memref<640xf32, #tpu.memory_space<vmem>>, %arg16: memref<640xf32, #tpu.memory_space<vmem>>, %arg17: memref<640xf32, #tpu.memory_space<vmem>>, %arg18: memref<10240x16xf32, #tpu.memory_space<vmem_shared>>, %arg19: memref<!tpu.dma_semaphore, #tpu.memory_space<semaphore_mem>>, %arg20: memref<!tpu.dma_semaphore, #tpu.memory_space<semaphore_mem>>, %arg21: memref<!tpu.dma_semaphore, #tpu.memory_space<semaphore_mem>>, %arg22: memref<!tpu.dma_semaphore, #tpu.memory_space<semaphore_mem>>, %arg23: memref<!tpu.dma_semaphore, #tpu.memory_space<semaphore_mem>>) attributes {dimension_semantics = [#tpu.dimension_semantics<core_parallel>, #tpu.dimension_semantics<subcore_parallel>], iteration_bounds = array<i64: 2, 16>, scalar_prefetch = 0 : i64, scratch_operands = 13 : i64, tpu.core_type = #tpu.core_type<sc_vector_subcore>, window_params = [{transform_indices = #map}, {transform_indices = #map1}, {transform_indices = #map2}, {transform_indices = #map}, {transform_indices = #map}, {transform_indices = #map2}, {transform_indices = #map1}, {transform_indices = #map1}, {transform_indices = #map}]} {
    %mul3A = arith.constant 2 : i32
    %mul3A_0 = arith.muli %arg1, %mul3A : i32
    %add3A = arith.addi %mul3A_0, %arg0 : i32
    %mul3A_1 = arith.constant 640 : i32
    %mul3A_2 = arith.muli %arg1, %mul3A_1 : i32
    %eq3A = arith.constant 0 : i32
    %eq3A_3 = arith.cmpi eq, %arg1, %eq3A : i32
    %convert_element_type3A = arith.extui %eq3A_3 : i1 to i32
    %cond3A = arith.constant 0 : i32
    %cond3A_4 = arith.cmpi ne, %convert_element_type3A, %cond3A : i32
    scf.if %cond3A_4 {
      "tpu.region"() ({
        %run_scoped3A = tpu.sem_alloc : memref<!tpu.dma_semaphore, #tpu.memory_space<semaphore_mem>>
        tpu.enqueue_dma source(%arg7 : memref<10240x16xf32, #tpu.memory_space<hbm>>) target(%arg18 : memref<10240x16xf32, #tpu.memory_space<vmem_shared>>) target_semaphore(%run_scoped3A : memref<!tpu.dma_semaphore, #tpu.memory_space<semaphore_mem>>)
        tpu.wait_dma2 semaphore(%run_scoped3A : memref<!tpu.dma_semaphore, #tpu.memory_space<semaphore_mem>>) src(%arg7 : memref<10240x16xf32, #tpu.memory_space<hbm>>) dst(%arg18 : memref<10240x16xf32, #tpu.memory_space<vmem_shared>>)
        tpu.yield
      }) : () -> ()
    } else {
    }
    %mul3A_5 = arith.constant 125 : i32
    %mul3A_6 = arith.muli %add3A, %mul3A_5 : i32
    %mul3A_7 = arith.constant 80 : i32
    %mul3A_8 = arith.muli %mul3A_6, %mul3A_7 : i32
    "tpu.region"() ({
      %run_scoped3A = tpu.sem_alloc : memref<!tpu.dma_semaphore, #tpu.memory_space<semaphore_mem>>
      %dma_start3A_104 = tpu.memref_slice %arg2[%mul3A_8] : memref<320000xi32, #tpu.memory_space<hbm>> -> memref<10000xi32, #tpu.memory_space<hbm>>
      %dma_start3A_105 = tpu.memref_slice %arg2[%mul3A_8] : memref<320000xi32, #tpu.memory_space<hbm>> -> memref<10000xi32, #tpu.memory_space<hbm>>
      tpu.enqueue_dma source(%dma_start3A_105 : memref<10000xi32, #tpu.memory_space<hbm>>) target(%arg11 : memref<10000xi32, #tpu.memory_space<vmem>>) target_semaphore(%run_scoped3A : memref<!tpu.dma_semaphore, #tpu.memory_space<semaphore_mem>>)
      %dma_wait3A = tpu.memref_slice %arg2[%mul3A_8] : memref<320000xi32, #tpu.memory_space<hbm>> -> memref<10000xi32, #tpu.memory_space<hbm>>
      %dma_wait3A_106 = tpu.memref_slice %arg2[%mul3A_8] : memref<320000xi32, #tpu.memory_space<hbm>> -> memref<10000xi32, #tpu.memory_space<hbm>>
      tpu.wait_dma2 semaphore(%run_scoped3A : memref<!tpu.dma_semaphore, #tpu.memory_space<semaphore_mem>>) src(%dma_wait3A_106 : memref<10000xi32, #tpu.memory_space<hbm>>) dst(%arg11 : memref<10000xi32, #tpu.memory_space<vmem>>)
      tpu.yield
    }) : () -> ()
    "tpu.region"() ({
      %run_scoped3A = tpu.sem_alloc : memref<!tpu.dma_semaphore, #tpu.memory_space<semaphore_mem>>
      %dma_start3A_104 = arith.constant 0 : i32
      %dma_start3A_105 = arith.constant 0 : i32
      %dma_start3A_106 = tpu.memref_slice %arg3[%add3A, %dma_start3A_104, %dma_start3A_105] : memref<32x125x80xi32, #tpu.memory_space<hbm>> -> memref<1x125x80xi32, #tpu.memory_space<hbm>>
      %dma_start3A_107 = tpu.memref_squeeze %dma_start3A_106 : memref<1x125x80xi32, #tpu.memory_space<hbm>> -> memref<125x80xi32, #tpu.memory_space<hbm>>
      %dma_start3A_108 = arith.constant 0 : i32
      %dma_start3A_109 = arith.constant 0 : i32
      %dma_start3A_110 = tpu.memref_slice %arg3[%add3A, %dma_start3A_108, %dma_start3A_109] : memref<32x125x80xi32, #tpu.memory_space<hbm>> -> memref<1x125x80xi32, #tpu.memory_space<hbm>>
      %dma_start3A_111 = tpu.memref_squeeze %dma_start3A_110 : memref<1x125x80xi32, #tpu.memory_space<hbm>> -> memref<125x80xi32, #tpu.memory_space<hbm>>
      tpu.enqueue_dma source(%dma_start3A_111 : memref<125x80xi32, #tpu.memory_space<hbm>>) target(%arg12 : memref<125x80xi32, #tpu.memory_space<vmem>>) target_semaphore(%run_scoped3A : memref<!tpu.dma_semaphore, #tpu.memory_space<semaphore_mem>>)
      %dma_wait3A = arith.constant 0 : i32
      %dma_wait3A_112 = arith.constant 0 : i32
      %dma_wait3A_113 = tpu.memref_slice %arg3[%add3A, %dma_wait3A, %dma_wait3A_112] : memref<32x125x80xi32, #tpu.memory_space<hbm>> -> memref<1x125x80xi32, #tpu.memory_space<hbm>>
      %dma_wait3A_114 = tpu.memref_squeeze %dma_wait3A_113 : memref<1x125x80xi32, #tpu.memory_space<hbm>> -> memref<125x80xi32, #tpu.memory_space<hbm>>
      %dma_wait3A_115 = arith.constant 0 : i32
      %dma_wait3A_116 = arith.constant 0 : i32
      %dma_wait3A_117 = tpu.memref_slice %arg3[%add3A, %dma_wait3A_115, %dma_wait3A_116] : memref<32x125x80xi32, #tpu.memory_space<hbm>> -> memref<1x125x80xi32, #tpu.memory_space<hbm>>
      %dma_wait3A_118 = tpu.memref_squeeze %dma_wait3A_117 : memref<1x125x80xi32, #tpu.memory_space<hbm>> -> memref<125x80xi32, #tpu.memory_space<hbm>>
      tpu.wait_dma2 semaphore(%run_scoped3A : memref<!tpu.dma_semaphore, #tpu.memory_space<semaphore_mem>>) src(%dma_wait3A_118 : memref<125x80xi32, #tpu.memory_space<hbm>>) dst(%arg12 : memref<125x80xi32, #tpu.memory_space<vmem>>)
      tpu.yield
    }) : () -> ()
    "tpu.region"() ({
      %run_scoped3A = tpu.sem_alloc : memref<!tpu.dma_semaphore, #tpu.memory_space<semaphore_mem>>
      %dma_start3A_104 = tpu.memref_slice %arg5[%mul3A_2] : memref<10240xf32, #tpu.memory_space<hbm>> -> memref<640xf32, #tpu.memory_space<hbm>>
      %dma_start3A_105 = tpu.memref_slice %arg5[%mul3A_2] : memref<10240xf32, #tpu.memory_space<hbm>> -> memref<640xf32, #tpu.memory_space<hbm>>
      tpu.enqueue_dma source(%dma_start3A_105 : memref<640xf32, #tpu.memory_space<hbm>>) target(%arg15 : memref<640xf32, #tpu.memory_space<vmem>>) target_semaphore(%run_scoped3A : memref<!tpu.dma_semaphore, #tpu.memory_space<semaphore_mem>>)
      %dma_wait3A = tpu.memref_slice %arg5[%mul3A_2] : memref<10240xf32, #tpu.memory_space<hbm>> -> memref<640xf32, #tpu.memory_space<hbm>>
      %dma_wait3A_106 = tpu.memref_slice %arg5[%mul3A_2] : memref<10240xf32, #tpu.memory_space<hbm>> -> memref<640xf32, #tpu.memory_space<hbm>>
      tpu.wait_dma2 semaphore(%run_scoped3A : memref<!tpu.dma_semaphore, #tpu.memory_space<semaphore_mem>>) src(%dma_wait3A_106 : memref<640xf32, #tpu.memory_space<hbm>>) dst(%arg15 : memref<640xf32, #tpu.memory_space<vmem>>)
      tpu.yield
    }) : () -> ()
    "tpu.region"() ({
      %run_scoped3A = tpu.sem_alloc : memref<!tpu.dma_semaphore, #tpu.memory_space<semaphore_mem>>
      %dma_start3A_104 = tpu.memref_slice %arg6[%mul3A_2] : memref<10240xf32, #tpu.memory_space<hbm>> -> memref<640xf32, #tpu.memory_space<hbm>>
      %dma_start3A_105 = tpu.memref_slice %arg6[%mul3A_2] : memref<10240xf32, #tpu.memory_space<hbm>> -> memref<640xf32, #tpu.memory_space<hbm>>
      tpu.enqueue_dma source(%dma_start3A_105 : memref<640xf32, #tpu.memory_space<hbm>>) target(%arg16 : memref<640xf32, #tpu.memory_space<vmem>>) target_semaphore(%run_scoped3A : memref<!tpu.dma_semaphore, #tpu.memory_space<semaphore_mem>>)
      %dma_wait3A = tpu.memref_slice %arg6[%mul3A_2] : memref<10240xf32, #tpu.memory_space<hbm>> -> memref<640xf32, #tpu.memory_space<hbm>>
      %dma_wait3A_106 = tpu.memref_slice %arg6[%mul3A_2] : memref<10240xf32, #tpu.memory_space<hbm>> -> memref<640xf32, #tpu.memory_space<hbm>>
      tpu.wait_dma2 semaphore(%run_scoped3A : memref<!tpu.dma_semaphore, #tpu.memory_space<semaphore_mem>>) src(%dma_wait3A_106 : memref<640xf32, #tpu.memory_space<hbm>>) dst(%arg16 : memref<640xf32, #tpu.memory_space<vmem>>)
      tpu.yield
    }) : () -> ()
    "tpu.region"() ({
      %run_scoped3A = tpu.sem_alloc : memref<!tpu.dma_semaphore, #tpu.memory_space<semaphore_mem>>
      %dma_start3A_104 = arith.constant 0 : i32
      %dma_start3A_105 = tpu.memref_slice %arg4[%mul3A_2, %dma_start3A_104] : memref<10240x16xf32, #tpu.memory_space<hbm>> -> memref<640x16xf32, #tpu.memory_space<hbm>>
      %dma_start3A_106 = arith.constant 0 : i32
      %dma_start3A_107 = tpu.memref_slice %arg4[%mul3A_2, %dma_start3A_106] : memref<10240x16xf32, #tpu.memory_space<hbm>> -> memref<640x16xf32, #tpu.memory_space<hbm>>
      tpu.enqueue_dma source(%dma_start3A_107 : memref<640x16xf32, #tpu.memory_space<hbm>>) target(%arg14 : memref<640x16xf32, #tpu.memory_space<vmem>>) target_semaphore(%run_scoped3A : memref<!tpu.dma_semaphore, #tpu.memory_space<semaphore_mem>>)
      %dma_wait3A = arith.constant 0 : i32
      %dma_wait3A_108 = tpu.memref_slice %arg4[%mul3A_2, %dma_wait3A] : memref<10240x16xf32, #tpu.memory_space<hbm>> -> memref<640x16xf32, #tpu.memory_space<hbm>>
      %dma_wait3A_109 = arith.constant 0 : i32
      %dma_wait3A_110 = tpu.memref_slice %arg4[%mul3A_2, %dma_wait3A_109] : memref<10240x16xf32, #tpu.memory_space<hbm>> -> memref<640x16xf32, #tpu.memory_space<hbm>>
      tpu.wait_dma2 semaphore(%run_scoped3A : memref<!tpu.dma_semaphore, #tpu.memory_space<semaphore_mem>>) src(%dma_wait3A_110 : memref<640x16xf32, #tpu.memory_space<hbm>>) dst(%arg14 : memref<640x16xf32, #tpu.memory_space<vmem>>)
      tpu.yield
    }) : () -> ()
    %scan3A = arith.constant 0 : i32
    %scan3A_9 = arith.constant 0 : i32
    %scan3A_10 = arith.constant 40 : i32
    %scan3A_11 = arith.addi %scan3A_9, %scan3A_10 : i32
    %scan3A_12 = arith.constant 1 : i32
    %scan3A_13 = scf.for %scan3A_104 = %scan3A_9 to %scan3A_11 step %scan3A_12 iter_args(%scan3A_105 = %scan3A) -> (i32)  : i32 {
      %mul3A_106 = arith.constant 16 : i32
      %mul3A_107 = arith.muli %scan3A_104, %mul3A_106 : i32
      %get3A = arith.index_cast %mul3A_107 : i32 to index
      %get3A_108 = tpu.vector_load %arg15[%get3A] {strides = array<i32>} : memref<640xf32, #tpu.memory_space<vmem>>, vector<16xf32>,
      %mul3A_109 = arith.constant 16 : i32
      %mul3A_110 = arith.muli %scan3A_104, %mul3A_109 : i32
      %get3A_111 = arith.index_cast %mul3A_110 : i32 to index
      %get3A_112 = tpu.vector_load %arg16[%get3A_111] {strides = array<i32>} : memref<640xf32, #tpu.memory_space<vmem>>, vector<16xf32>,
      %add3A_113 = arith.addf %get3A_108, %get3A_112 : vector<16xf32>
      %add3A_114 = arith.constant 1.000000e+00 : f32
      %add3A_115 = vector.broadcast %add3A_114 : f32 to vector<16xf32>
      %add3A_116 = arith.addf %add3A_113, %add3A_115 : vector<16xf32>
      %bitcast3A = vector.bitcast %add3A_116 : vector<16xf32> to vector<16xi32>
      %shift_right_arithmetic3A = arith.constant 1 : i32
      %shift_right_arithmetic3A_117 = vector.broadcast %shift_right_arithmetic3A : i32 to vector<16xi32>
      %shift_right_arithmetic3A_118 = arith.shrsi %bitcast3A, %shift_right_arithmetic3A_117 : vector<16xi32>
      %sub3A = arith.constant 1597463007 : i32
      %sub3A_119 = vector.broadcast %sub3A : i32 to vector<16xi32>
      %sub3A_120 = arith.subi %sub3A_119, %shift_right_arithmetic3A_118 : vector<16xi32>
      %bitcast3A_121 = vector.bitcast %sub3A_120 : vector<16xi32> to vector<16xf32>
      %mul3A_122 = arith.constant 5.000000e-01 : f32
      %mul3A_123 = vector.broadcast %mul3A_122 : f32 to vector<16xf32>
      %mul3A_124 = arith.mulf %mul3A_123, %add3A_116 : vector<16xf32>
      %mul3A_125 = arith.mulf %mul3A_124, %bitcast3A_121 : vector<16xf32>
      %mul3A_126 = arith.mulf %mul3A_125, %bitcast3A_121 : vector<16xf32>
      %sub3A_127 = arith.constant 1.500000e+00 : f32
      %sub3A_128 = vector.broadcast %sub3A_127 : f32 to vector<16xf32>
      %sub3A_129 = arith.subf %sub3A_128, %mul3A_126 : vector<16xf32>
      %mul3A_130 = arith.mulf %bitcast3A_121, %sub3A_129 : vector<16xf32>
      %mul3A_131 = arith.constant 5.000000e-01 : f32
      %mul3A_132 = vector.broadcast %mul3A_131 : f32 to vector<16xf32>
      %mul3A_133 = arith.mulf %mul3A_132, %add3A_116 : vector<16xf32>
      %mul3A_134 = arith.mulf %mul3A_133, %mul3A_130 : vector<16xf32>
      %mul3A_135 = arith.mulf %mul3A_134, %mul3A_130 : vector<16xf32>
      %sub3A_136 = arith.constant 1.500000e+00 : f32
      %sub3A_137 = vector.broadcast %sub3A_136 : f32 to vector<16xf32>
      %sub3A_138 = arith.subf %sub3A_137, %mul3A_135 : vector<16xf32>
      %mul3A_139 = arith.mulf %mul3A_130, %sub3A_138 : vector<16xf32>
      %mul3A_140 = arith.constant 5.000000e-01 : f32
      %mul3A_141 = vector.broadcast %mul3A_140 : f32 to vector<16xf32>
      %mul3A_142 = arith.mulf %mul3A_141, %add3A_116 : vector<16xf32>
      %mul3A_143 = arith.mulf %mul3A_142, %mul3A_139 : vector<16xf32>
      %mul3A_144 = arith.mulf %mul3A_143, %mul3A_139 : vector<16xf32>
      %sub3A_145 = arith.constant 1.500000e+00 : f32
      %sub3A_146 = vector.broadcast %sub3A_145 : f32 to vector<16xf32>
      %sub3A_147 = arith.subf %sub3A_146, %mul3A_144 : vector<16xf32>
      %mul3A_148 = arith.mulf %mul3A_139, %sub3A_147 : vector<16xf32>
      %mul3A_149 = arith.constant 16 : i32
      %mul3A_150 = arith.muli %scan3A_104, %mul3A_149 : i32
      %swap3A = arith.index_cast %mul3A_150 : i32 to index
      %swap3A_151 = tpu.vector_load %arg17[%swap3A] {strides = array<i32>} : memref<640xf32, #tpu.memory_space<vmem>>, vector<16xf32>,
      tpu.vector_store %arg17[%swap3A], %mul3A_148 {strides = array<i32>} : memref<640xf32, #tpu.memory_space<vmem>>, vector<16xf32>,
      %scan3A_152 = arith.constant 0 : i32
      scf.yield %scan3A_152 : i32
    }
    %scan3A_14 = arith.constant 40 : i32
    %scan3A_15 = arith.constant 0 : i32
    %scan3A_16 = arith.constant 0 : i32
    %scan3A_17 = arith.constant 640 : i32
    %scan3A_18 = arith.addi %scan3A_16, %scan3A_17 : i32
    %scan3A_19 = arith.constant 1 : i32
    %scan3A_20 = scf.for %scan3A_104 = %scan3A_16 to %scan3A_18 step %scan3A_19 iter_args(%scan3A_105 = %scan3A_15) -> (i32)  : i32 {
      %get3A = arith.index_cast %scan3A_104 : i32 to index
      %get3A_106 = arith.constant 0 : index
      %get3A_107 = tpu.vector_load %arg14[%get3A, %get3A_106] {strides = array<i32>} : memref<640x16xf32, #tpu.memory_space<vmem>>, vector<16xf32>,
      %broadcast_in_dim3A = arith.constant 0 : i32
      %broadcast_in_dim3A_108 = vector.broadcast %broadcast_in_dim3A : i32 to vector<16xi32>
      %add3A_109 = vector.broadcast %scan3A_104 : i32 to vector<16xi32>
      %add3A_110 = arith.addi %broadcast_in_dim3A_108, %add3A_109 : vector<16xi32>
      %gather3A = tpu.vector_load_idx %arg17[%add3A_110] : memref<640xf32, #tpu.memory_space<vmem>>[vector<16xi32>], vector<16xf32>,
      %mul3A_111 = arith.mulf %get3A_107, %gather3A : vector<16xf32>
      %swap3A = arith.index_cast %scan3A_104 : i32 to index
      %swap3A_112 = arith.constant 0 : index
      %swap3A_113 = tpu.vector_load %arg14[%swap3A, %swap3A_112] {strides = array<i32>} : memref<640x16xf32, #tpu.memory_space<vmem>>, vector<16xf32>,
      tpu.vector_store %arg14[%swap3A, %swap3A_112], %mul3A_111 {strides = array<i32>} : memref<640x16xf32, #tpu.memory_space<vmem>>, vector<16xf32>,
      %scan3A_114 = arith.constant 0 : i32
      scf.yield %scan3A_114 : i32
    }
    %scan3A_21 = arith.constant 640 : i32
    "tpu.region"() ({
      %run_scoped3A = tpu.sem_alloc : memref<!tpu.dma_semaphore, #tpu.memory_space<semaphore_mem>>
      %dma_start3A_104 = arith.constant 0 : i32
      %dma_start3A_105 = tpu.memref_slice %arg9[%arg0, %mul3A_2, %dma_start3A_104] : memref<2x10240x16xf32, #tpu.memory_space<hbm>> -> memref<1x640x16xf32, #tpu.memory_space<hbm>>
      %dma_start3A_106 = tpu.memref_squeeze %dma_start3A_105 : memref<1x640x16xf32, #tpu.memory_space<hbm>> -> memref<640x16xf32, #tpu.memory_space<hbm>>
      %dma_start3A_107 = arith.constant 0 : i32
      %dma_start3A_108 = tpu.memref_slice %arg9[%arg0, %mul3A_2, %dma_start3A_107] : memref<2x10240x16xf32, #tpu.memory_space<hbm>> -> memref<1x640x16xf32, #tpu.memory_space<hbm>>
      %dma_start3A_109 = tpu.memref_squeeze %dma_start3A_108 : memref<1x640x16xf32, #tpu.memory_space<hbm>> -> memref<640x16xf32, #tpu.memory_space<hbm>>
      tpu.enqueue_dma source(%arg14 : memref<640x16xf32, #tpu.memory_space<vmem>>) target(%dma_start3A_109 : memref<640x16xf32, #tpu.memory_space<hbm>>) target_semaphore(%run_scoped3A : memref<!tpu.dma_semaphore, #tpu.memory_space<semaphore_mem>>)
      %dma_wait3A = arith.constant 0 : i32
      %dma_wait3A_110 = tpu.memref_slice %arg9[%arg0, %mul3A_2, %dma_wait3A] : memref<2x10240x16xf32, #tpu.memory_space<hbm>> -> memref<1x640x16xf32, #tpu.memory_space<hbm>>
      %dma_wait3A_111 = tpu.memref_squeeze %dma_wait3A_110 : memref<1x640x16xf32, #tpu.memory_space<hbm>> -> memref<640x16xf32, #tpu.memory_space<hbm>>
      %dma_wait3A_112 = arith.constant 0 : i32
      %dma_wait3A_113 = tpu.memref_slice %arg9[%arg0, %mul3A_2, %dma_wait3A_112] : memref<2x10240x16xf32, #tpu.memory_space<hbm>> -> memref<1x640x16xf32, #tpu.memory_space<hbm>>
      %dma_wait3A_114 = tpu.memref_squeeze %dma_wait3A_113 : memref<1x640x16xf32, #tpu.memory_space<hbm>> -> memref<640x16xf32, #tpu.memory_space<hbm>>
      tpu.wait_dma2 semaphore(%run_scoped3A : memref<!tpu.dma_semaphore, #tpu.memory_space<semaphore_mem>>) src(%arg14 : memref<640x16xf32, #tpu.memory_space<vmem>>) dst(%dma_wait3A_114 : memref<640x16xf32, #tpu.memory_space<hbm>>)
      tpu.yield
    }) : () -> ()
    %eq3A_22 = arith.constant 0 : i32
    %eq3A_23 = arith.cmpi eq, %arg0, %eq3A_22 : i32
    %convert_element_type3A_24 = arith.extui %eq3A_23 : i1 to i32
    %cond3A_25 = arith.constant 0 : i32
    %cond3A_26 = arith.cmpi ne, %convert_element_type3A_24, %cond3A_25 : i32
    scf.if %cond3A_26 {
      "tpu.region"() ({
        %run_scoped3A = tpu.sem_alloc : memref<!tpu.dma_semaphore, #tpu.memory_space<semaphore_mem>>
        %dma_start3A_104 = tpu.memref_slice %arg10[%mul3A_2] : memref<10240xf32, #tpu.memory_space<hbm>> -> memref<640xf32, #tpu.memory_space<hbm>>
        %dma_start3A_105 = tpu.memref_slice %arg10[%mul3A_2] : memref<10240xf32, #tpu.memory_space<hbm>> -> memref<640xf32, #tpu.memory_space<hbm>>
        tpu.enqueue_dma source(%arg17 : memref<640xf32, #tpu.memory_space<vmem>>) target(%dma_start3A_105 : memref<640xf32, #tpu.memory_space<hbm>>) target_semaphore(%run_scoped3A : memref<!tpu.dma_semaphore, #tpu.memory_space<semaphore_mem>>)
        %dma_wait3A = tpu.memref_slice %arg10[%mul3A_2] : memref<10240xf32, #tpu.memory_space<hbm>> -> memref<640xf32, #tpu.memory_space<hbm>>
        %dma_wait3A_106 = tpu.memref_slice %arg10[%mul3A_2] : memref<10240xf32, #tpu.memory_space<hbm>> -> memref<640xf32, #tpu.memory_space<hbm>>
        tpu.wait_dma2 semaphore(%run_scoped3A : memref<!tpu.dma_semaphore, #tpu.memory_space<semaphore_mem>>) src(%arg17 : memref<640xf32, #tpu.memory_space<vmem>>) dst(%dma_wait3A_106 : memref<640xf32, #tpu.memory_space<hbm>>)
        tpu.yield
      }) : () -> ()
    } else {
    }
    %barrier3A = arith.constant 0 : index
    tpu.barrier barrier_id(%barrier3A)
    %dma_start3A = arith.constant 0 : i32
    %dma_start3A_27 = arith.constant 0 : i32
    %dma_start3A_28 = arith.constant 0 : i32
    %dma_start3A_29 = tpu.memref_slice %arg13[%dma_start3A, %dma_start3A_27, %dma_start3A_28] : memref<5x80x16xf32, #tpu.memory_space<vmem>> -> memref<1x80x16xf32, #tpu.memory_space<vmem>>
    %dma_start3A_30 = tpu.memref_squeeze %dma_start3A_29 : memref<1x80x16xf32, #tpu.memory_space<vmem>> -> memref<80x16xf32, #tpu.memory_space<vmem>>
    %dma_start3A_31 = arith.constant 0 : i32
    %dma_start3A_32 = tpu.memref_slice %arg11[%dma_start3A_31] : memref<10000xi32, #tpu.memory_space<vmem>> -> memref<80xi32, #tpu.memory_space<vmem>>
    %dma_start3A_33 = arith.constant 0 : i32
    %dma_start3A_34 = arith.constant 0 : i32
    %dma_start3A_35 = tpu.memref_slice %arg9[%arg0, %dma_start3A_33, %dma_start3A_34] : memref<2x10240x16xf32, #tpu.memory_space<hbm>> -> memref<1x10240x16xf32, #tpu.memory_space<hbm>>
    %dma_start3A_36 = tpu.memref_squeeze %dma_start3A_35 : memref<1x10240x16xf32, #tpu.memory_space<hbm>> -> memref<10240x16xf32, #tpu.memory_space<hbm>>
    %dma_start3A_37 = arith.constant 0 : i32
    %dma_start3A_38 = arith.constant 0 : i32
    %dma_start3A_39 = tpu.memref_slice %dma_start3A_36[%dma_start3A_37, %dma_start3A_38] : memref<10240x16xf32, #tpu.memory_space<hbm>> -> memref<10240x16xf32, #tpu.memory_space<hbm>>
    tpu.enqueue_indirect_dma source(%dma_start3A_39 : memref<10240x16xf32, #tpu.memory_space<hbm>>) target(%dma_start3A_30 : memref<80x16xf32, #tpu.memory_space<vmem>>) offsets(%dma_start3A_32 : memref<80xi32, #tpu.memory_space<vmem>>) semaphore(%arg19 : memref<!tpu.dma_semaphore, #tpu.memory_space<semaphore_mem>>)
    %dma_start3A_40 = arith.constant 1 : i32
    %dma_start3A_41 = arith.constant 0 : i32
    %dma_start3A_42 = arith.constant 0 : i32
    %dma_start3A_43 = tpu.memref_slice %arg13[%dma_start3A_40, %dma_start3A_41, %dma_start3A_42] : memref<5x80x16xf32, #tpu.memory_space<vmem>> -> memref<1x80x16xf32, #tpu.memory_space<vmem>>
    %dma_start3A_44 = tpu.memref_squeeze %dma_start3A_43 : memref<1x80x16xf32, #tpu.memory_space<vmem>> -> memref<80x16xf32, #tpu.memory_space<vmem>>
    %dma_start3A_45 = arith.constant 80 : i32
    %dma_start3A_46 = tpu.memref_slice %arg11[%dma_start3A_45] : memref<10000xi32, #tpu.memory_space<vmem>> -> memref<80xi32, #tpu.memory_space<vmem>>
    %dma_start3A_47 = arith.constant 0 : i32
    %dma_start3A_48 = arith.constant 0 : i32
    %dma_start3A_49 = tpu.memref_slice %arg9[%arg0, %dma_start3A_47, %dma_start3A_48] : memref<2x10240x16xf32, #tpu.memory_space<hbm>> -> memref<1x10240x16xf32, #tpu.memory_space<hbm>>
    %dma_start3A_50 = tpu.memref_squeeze %dma_start3A_49 : memref<1x10240x16xf32, #tpu.memory_space<hbm>> -> memref<10240x16xf32, #tpu.memory_space<hbm>>
    %dma_start3A_51 = arith.constant 0 : i32
    %dma_start3A_52 = arith.constant 0 : i32
    %dma_start3A_53 = tpu.memref_slice %dma_start3A_50[%dma_start3A_51, %dma_start3A_52] : memref<10240x16xf32, #tpu.memory_space<hbm>> -> memref<10240x16xf32, #tpu.memory_space<hbm>>
    tpu.enqueue_indirect_dma source(%dma_start3A_53 : memref<10240x16xf32, #tpu.memory_space<hbm>>) target(%dma_start3A_44 : memref<80x16xf32, #tpu.memory_space<vmem>>) offsets(%dma_start3A_46 : memref<80xi32, #tpu.memory_space<vmem>>) semaphore(%arg20 : memref<!tpu.dma_semaphore, #tpu.memory_space<semaphore_mem>>)
    %dma_start3A_54 = arith.constant 2 : i32
    %dma_start3A_55 = arith.constant 0 : i32
    %dma_start3A_56 = arith.constant 0 : i32
    %dma_start3A_57 = tpu.memref_slice %arg13[%dma_start3A_54, %dma_start3A_55, %dma_start3A_56] : memref<5x80x16xf32, #tpu.memory_space<vmem>> -> memref<1x80x16xf32, #tpu.memory_space<vmem>>
    %dma_start3A_58 = tpu.memref_squeeze %dma_start3A_57 : memref<1x80x16xf32, #tpu.memory_space<vmem>> -> memref<80x16xf32, #tpu.memory_space<vmem>>
    %dma_start3A_59 = arith.constant 160 : i32
    %dma_start3A_60 = tpu.memref_slice %arg11[%dma_start3A_59] : memref<10000xi32, #tpu.memory_space<vmem>> -> memref<80xi32, #tpu.memory_space<vmem>>
    %dma_start3A_61 = arith.constant 0 : i32
    %dma_start3A_62 = arith.constant 0 : i32
    %dma_start3A_63 = tpu.memref_slice %arg9[%arg0, %dma_start3A_61, %dma_start3A_62] : memref<2x10240x16xf32, #tpu.memory_space<hbm>> -> memref<1x10240x16xf32, #tpu.memory_space<hbm>>
    %dma_start3A_64 = tpu.memref_squeeze %dma_start3A_63 : memref<1x10240x16xf32, #tpu.memory_space<hbm>> -> memref<10240x16xf32, #tpu.memory_space<hbm>>
    %dma_start3A_65 = arith.constant 0 : i32
    %dma_start3A_66 = arith.constant 0 : i32
    %dma_start3A_67 = tpu.memref_slice %dma_start3A_64[%dma_start3A_65, %dma_start3A_66] : memref<10240x16xf32, #tpu.memory_space<hbm>> -> memref<10240x16xf32, #tpu.memory_space<hbm>>
    tpu.enqueue_indirect_dma source(%dma_start3A_67 : memref<10240x16xf32, #tpu.memory_space<hbm>>) target(%dma_start3A_58 : memref<80x16xf32, #tpu.memory_space<vmem>>) offsets(%dma_start3A_60 : memref<80xi32, #tpu.memory_space<vmem>>) semaphore(%arg21 : memref<!tpu.dma_semaphore, #tpu.memory_space<semaphore_mem>>)
    %dma_start3A_68 = arith.constant 3 : i32
    %dma_start3A_69 = arith.constant 0 : i32
    %dma_start3A_70 = arith.constant 0 : i32
    %dma_start3A_71 = tpu.memref_slice %arg13[%dma_start3A_68, %dma_start3A_69, %dma_start3A_70] : memref<5x80x16xf32, #tpu.memory_space<vmem>> -> memref<1x80x16xf32, #tpu.memory_space<vmem>>
    %dma_start3A_72 = tpu.memref_squeeze %dma_start3A_71 : memref<1x80x16xf32, #tpu.memory_space<vmem>> -> memref<80x16xf32, #tpu.memory_space<vmem>>
    %dma_start3A_73 = arith.constant 240 : i32
    %dma_start3A_74 = tpu.memref_slice %arg11[%dma_start3A_73] : memref<10000xi32, #tpu.memory_space<vmem>> -> memref<80xi32, #tpu.memory_space<vmem>>
    %dma_start3A_75 = arith.constant 0 : i32
    %dma_start3A_76 = arith.constant 0 : i32
    %dma_start3A_77 = tpu.memref_slice %arg9[%arg0, %dma_start3A_75, %dma_start3A_76] : memref<2x10240x16xf32, #tpu.memory_space<hbm>> -> memref<1x10240x16xf32, #tpu.memory_space<hbm>>
    %dma_start3A_78 = tpu.memref_squeeze %dma_start3A_77 : memref<1x10240x16xf32, #tpu.memory_space<hbm>> -> memref<10240x16xf32, #tpu.memory_space<hbm>>
    %dma_start3A_79 = arith.constant 0 : i32
    %dma_start3A_80 = arith.constant 0 : i32
    %dma_start3A_81 = tpu.memref_slice %dma_start3A_78[%dma_start3A_79, %dma_start3A_80] : memref<10240x16xf32, #tpu.memory_space<hbm>> -> memref<10240x16xf32, #tpu.memory_space<hbm>>
    tpu.enqueue_indirect_dma source(%dma_start3A_81 : memref<10240x16xf32, #tpu.memory_space<hbm>>) target(%dma_start3A_72 : memref<80x16xf32, #tpu.memory_space<vmem>>) offsets(%dma_start3A_74 : memref<80xi32, #tpu.memory_space<vmem>>) semaphore(%arg22 : memref<!tpu.dma_semaphore, #tpu.memory_space<semaphore_mem>>)
    %dma_start3A_82 = arith.constant 4 : i32
    %dma_start3A_83 = arith.constant 0 : i32
    %dma_start3A_84 = arith.constant 0 : i32
    %dma_start3A_85 = tpu.memref_slice %arg13[%dma_start3A_82, %dma_start3A_83, %dma_start3A_84] : memref<5x80x16xf32, #tpu.memory_space<vmem>> -> memref<1x80x16xf32, #tpu.memory_space<vmem>>
    %dma_start3A_86 = tpu.memref_squeeze %dma_start3A_85 : memref<1x80x16xf32, #tpu.memory_space<vmem>> -> memref<80x16xf32, #tpu.memory_space<vmem>>
    %dma_start3A_87 = arith.constant 320 : i32
    %dma_start3A_88 = tpu.memref_slice %arg11[%dma_start3A_87] : memref<10000xi32, #tpu.memory_space<vmem>> -> memref<80xi32, #tpu.memory_space<vmem>>
    %dma_start3A_89 = arith.constant 0 : i32
    %dma_start3A_90 = arith.constant 0 : i32
    %dma_start3A_91 = tpu.memref_slice %arg9[%arg0, %dma_start3A_89, %dma_start3A_90] : memref<2x10240x16xf32, #tpu.memory_space<hbm>> -> memref<1x10240x16xf32, #tpu.memory_space<hbm>>
    %dma_start3A_92 = tpu.memref_squeeze %dma_start3A_91 : memref<1x10240x16xf32, #tpu.memory_space<hbm>> -> memref<10240x16xf32, #tpu.memory_space<hbm>>
    %dma_start3A_93 = arith.constant 0 : i32
    %dma_start3A_94 = arith.constant 0 : i32
    %dma_start3A_95 = tpu.memref_slice %dma_start3A_92[%dma_start3A_93, %dma_start3A_94] : memref<10240x16xf32, #tpu.memory_space<hbm>> -> memref<10240x16xf32, #tpu.memory_space<hbm>>
    tpu.enqueue_indirect_dma source(%dma_start3A_95 : memref<10240x16xf32, #tpu.memory_space<hbm>>) target(%dma_start3A_86 : memref<80x16xf32, #tpu.memory_space<vmem>>) offsets(%dma_start3A_88 : memref<80xi32, #tpu.memory_space<vmem>>) semaphore(%arg23 : memref<!tpu.dma_semaphore, #tpu.memory_space<semaphore_mem>>)
    %scan3A_96 = arith.constant 0 : i32
    %scan3A_97 = arith.constant 0 : i32
    %scan3A_98 = arith.constant 25 : i32
    %scan3A_99 = arith.addi %scan3A_97, %scan3A_98 : i32
    %scan3A_100 = arith.constant 1 : i32
    %scan3A_101 = scf.for %scan3A_104 = %scan3A_97 to %scan3A_99 step %scan3A_100 iter_args(%scan3A_105 = %scan3A_96) -> (i32)  : i32 {
      %mul3A_106 = arith.constant 5 : i32
      %mul3A_107 = arith.muli %scan3A_104, %mul3A_106 : i32
      %add3A_108 = arith.constant 0 : i32
      %add3A_109 = arith.addi %mul3A_107, %add3A_108 : i32
      %mul3A_110 = arith.constant 80 : i32
      %mul3A_111 = arith.muli %add3A_109, %mul3A_110 : i32
      %dma_wait3A = arith.constant 0 : i32
      %dma_wait3A_112 = arith.constant 0 : i32
      %dma_wait3A_113 = arith.constant 0 : i32
      %dma_wait3A_114 = tpu.memref_slice %arg13[%dma_wait3A, %dma_wait3A_112, %dma_wait3A_113] : memref<5x80x16xf32, #tpu.memory_space<vmem>> -> memref<1x80x16xf32, #tpu.memory_space<vmem>>
      %dma_wait3A_115 = tpu.memref_squeeze %dma_wait3A_114 : memref<1x80x16xf32, #tpu.memory_space<vmem>> -> memref<80x16xf32, #tpu.memory_space<vmem>>
      %dma_wait3A_116 = tpu.memref_slice %arg11[%mul3A_111] : memref<10000xi32, #tpu.memory_space<vmem>> -> memref<80xi32, #tpu.memory_space<vmem>>
      %dma_wait3A_117 = arith.constant 0 : i32
      %dma_wait3A_118 = arith.constant 0 : i32
      %dma_wait3A_119 = tpu.memref_slice %arg9[%arg0, %dma_wait3A_117, %dma_wait3A_118] : memref<2x10240x16xf32, #tpu.memory_space<hbm>> -> memref<1x10240x16xf32, #tpu.memory_space<hbm>>
      %dma_wait3A_120 = tpu.memref_squeeze %dma_wait3A_119 : memref<1x10240x16xf32, #tpu.memory_space<hbm>> -> memref<10240x16xf32, #tpu.memory_space<hbm>>
      %dma_wait3A_121 = arith.constant 0 : i32
      %dma_wait3A_122 = arith.constant 0 : i32
      %dma_wait3A_123 = tpu.memref_slice %dma_wait3A_120[%dma_wait3A_121, %dma_wait3A_122] : memref<10240x16xf32, #tpu.memory_space<hbm>> -> memref<10240x16xf32, #tpu.memory_space<hbm>>
      tpu.wait_indirect_dma semaphore(%arg19 : memref<!tpu.dma_semaphore, #tpu.memory_space<semaphore_mem>>) src(%dma_wait3A_123 : memref<10240x16xf32, #tpu.memory_space<hbm>>) dst(%dma_wait3A_115 : memref<80x16xf32, #tpu.memory_space<vmem>>)
      %run_scoped3A = arith.constant 0 : i32
      "tpu.region"() ({
        %run_scoped3A_239 = tpu.sem_alloc : memref<!tpu.dma_semaphore, #tpu.memory_space<semaphore_mem>>
        %dma_start3A_240 = arith.constant 0 : i32
        %dma_start3A_241 = arith.constant 0 : i32
        %dma_start3A_242 = tpu.memref_slice %arg13[%run_scoped3A, %dma_start3A_240, %dma_start3A_241] : memref<5x80x16xf32, #tpu.memory_space<vmem>> -> memref<1x80x16xf32, #tpu.memory_space<vmem>>
        %dma_start3A_243 = tpu.memref_squeeze %dma_start3A_242 : memref<1x80x16xf32, #tpu.memory_space<vmem>> -> memref<80x16xf32, #tpu.memory_space<vmem>>
        %dma_start3A_244 = arith.constant 0 : i32
        %dma_start3A_245 = tpu.memref_slice %arg12[%add3A_109, %dma_start3A_244] : memref<125x80xi32, #tpu.memory_space<vmem>> -> memref<1x80xi32, #tpu.memory_space<vmem>>
        %dma_start3A_246 = tpu.memref_squeeze %dma_start3A_245 : memref<1x80xi32, #tpu.memory_space<vmem>> -> memref<80xi32, #tpu.memory_space<vmem>>
        %dma_start3A_247 = arith.constant 0 : i32
        %dma_start3A_248 = arith.constant 0 : i32
        %dma_start3A_249 = tpu.memref_slice %arg18[%dma_start3A_247, %dma_start3A_248] : memref<10240x16xf32, #tpu.memory_space<vmem_shared>> -> memref<10240x16xf32, #tpu.memory_space<vmem_shared>>
        tpu.enqueue_indirect_dma source(%dma_start3A_243 : memref<80x16xf32, #tpu.memory_space<vmem>>) target(%dma_start3A_249 : memref<10240x16xf32, #tpu.memory_space<vmem_shared>>) offsets(%dma_start3A_246 : memref<80xi32, #tpu.memory_space<vmem>>) semaphore(%run_scoped3A_239 : memref<!tpu.dma_semaphore, #tpu.memory_space<semaphore_mem>>) {add = true}
        %dma_wait3A_250 = arith.constant 0 : i32
        %dma_wait3A_251 = arith.constant 0 : i32
        %dma_wait3A_252 = tpu.memref_slice %arg13[%run_scoped3A, %dma_wait3A_250, %dma_wait3A_251] : memref<5x80x16xf32, #tpu.memory_space<vmem>> -> memref<1x80x16xf32, #tpu.memory_space<vmem>>
        %dma_wait3A_253 = tpu.memref_squeeze %dma_wait3A_252 : memref<1x80x16xf32, #tpu.memory_space<vmem>> -> memref<80x16xf32, #tpu.memory_space<vmem>>
        %dma_wait3A_254 = arith.constant 0 : i32
        %dma_wait3A_255 = tpu.memref_slice %arg12[%add3A_109, %dma_wait3A_254] : memref<125x80xi32, #tpu.memory_space<vmem>> -> memref<1x80xi32, #tpu.memory_space<vmem>>
        %dma_wait3A_256 = tpu.memref_squeeze %dma_wait3A_255 : memref<1x80xi32, #tpu.memory_space<vmem>> -> memref<80xi32, #tpu.memory_space<vmem>>
        %dma_wait3A_257 = arith.constant 0 : i32
        %dma_wait3A_258 = arith.constant 0 : i32
        %dma_wait3A_259 = tpu.memref_slice %arg18[%dma_wait3A_257, %dma_wait3A_258] : memref<10240x16xf32, #tpu.memory_space<vmem_shared>> -> memref<10240x16xf32, #tpu.memory_space<vmem_shared>>
        tpu.wait_indirect_dma semaphore(%run_scoped3A_239 : memref<!tpu.dma_semaphore, #tpu.memory_space<semaphore_mem>>) src(%dma_wait3A_253 : memref<80x16xf32, #tpu.memory_space<vmem>>) dst(%dma_wait3A_259 : memref<10240x16xf32, #tpu.memory_space<vmem_shared>>)
        tpu.yield
      }) : () -> ()
      %add3A_124 = arith.constant 5 : i32
      %add3A_125 = arith.addi %add3A_109, %add3A_124 : i32
      %lt3A = arith.constant 125 : i32
      %lt3A_126 = arith.cmpi slt, %add3A_125, %lt3A : i32
      %convert_element_type3A_127 = arith.extui %lt3A_126 : i1 to i32
      %cond3A_128 = arith.constant 0 : i32
      %cond3A_129 = arith.cmpi ne, %convert_element_type3A_127, %cond3A_128 : i32
      scf.if %cond3A_129 {
        %mul3A_239 = arith.constant 80 : i32
        %mul3A_240 = arith.muli %add3A_125, %mul3A_239 : i32
        %dma_start3A_241 = arith.constant 0 : i32
        %dma_start3A_242 = arith.constant 0 : i32
        %dma_start3A_243 = arith.constant 0 : i32
        %dma_start3A_244 = tpu.memref_slice %arg13[%dma_start3A_241, %dma_start3A_242, %dma_start3A_243] : memref<5x80x16xf32, #tpu.memory_space<vmem>> -> memref<1x80x16xf32, #tpu.memory_space<vmem>>
        %dma_start3A_245 = tpu.memref_squeeze %dma_start3A_244 : memref<1x80x16xf32, #tpu.memory_space<vmem>> -> memref<80x16xf32, #tpu.memory_space<vmem>>
        %dma_start3A_246 = tpu.memref_slice %arg11[%mul3A_240] : memref<10000xi32, #tpu.memory_space<vmem>> -> memref<80xi32, #tpu.memory_space<vmem>>
        %dma_start3A_247 = arith.constant 0 : i32
        %dma_start3A_248 = arith.constant 0 : i32
        %dma_start3A_249 = tpu.memref_slice %arg9[%arg0, %dma_start3A_247, %dma_start3A_248] : memref<2x10240x16xf32, #tpu.memory_space<hbm>> -> memref<1x10240x16xf32, #tpu.memory_space<hbm>>
        %dma_start3A_250 = tpu.memref_squeeze %dma_start3A_249 : memref<1x10240x16xf32, #tpu.memory_space<hbm>> -> memref<10240x16xf32, #tpu.memory_space<hbm>>
        %dma_start3A_251 = arith.constant 0 : i32
        %dma_start3A_252 = arith.constant 0 : i32
        %dma_start3A_253 = tpu.memref_slice %dma_start3A_250[%dma_start3A_251, %dma_start3A_252] : memref<10240x16xf32, #tpu.memory_space<hbm>> -> memref<10240x16xf32, #tpu.memory_space<hbm>>
        tpu.enqueue_indirect_dma source(%dma_start3A_253 : memref<10240x16xf32, #tpu.memory_space<hbm>>) target(%dma_start3A_245 : memref<80x16xf32, #tpu.memory_space<vmem>>) offsets(%dma_start3A_246 : memref<80xi32, #tpu.memory_space<vmem>>) semaphore(%arg19 : memref<!tpu.dma_semaphore, #tpu.memory_space<semaphore_mem>>)
      } else {
      }
      %mul3A_130 = arith.constant 5 : i32
      %mul3A_131 = arith.muli %scan3A_104, %mul3A_130 : i32
      %add3A_132 = arith.constant 1 : i32
      %add3A_133 = arith.addi %mul3A_131, %add3A_132 : i32
      %mul3A_134 = arith.constant 80 : i32
      %mul3A_135 = arith.muli %add3A_133, %mul3A_134 : i32
      %dma_wait3A_136 = arith.constant 1 : i32
      %dma_wait3A_137 = arith.constant 0 : i32
      %dma_wait3A_138 = arith.constant 0 : i32
      %dma_wait3A_139 = tpu.memref_slice %arg13[%dma_wait3A_136, %dma_wait3A_137, %dma_wait3A_138] : memref<5x80x16xf32, #tpu.memory_space<vmem>> -> memref<1x80x16xf32, #tpu.memory_space<vmem>>
      %dma_wait3A_140 = tpu.memref_squeeze %dma_wait3A_139 : memref<1x80x16xf32, #tpu.memory_space<vmem>> -> memref<80x16xf32, #tpu.memory_space<vmem>>
      %dma_wait3A_141 = tpu.memref_slice %arg11[%mul3A_135] : memref<10000xi32, #tpu.memory_space<vmem>> -> memref<80xi32, #tpu.memory_space<vmem>>
      %dma_wait3A_142 = arith.constant 0 : i32
      %dma_wait3A_143 = arith.constant 0 : i32
      %dma_wait3A_144 = tpu.memref_slice %arg9[%arg0, %dma_wait3A_142, %dma_wait3A_143] : memref<2x10240x16xf32, #tpu.memory_space<hbm>> -> memref<1x10240x16xf32, #tpu.memory_space<hbm>>
      %dma_wait3A_145 = tpu.memref_squeeze %dma_wait3A_144 : memref<1x10240x16xf32, #tpu.memory_space<hbm>> -> memref<10240x16xf32, #tpu.memory_space<hbm>>
      %dma_wait3A_146 = arith.constant 0 : i32
      %dma_wait3A_147 = arith.constant 0 : i32
      %dma_wait3A_148 = tpu.memref_slice %dma_wait3A_145[%dma_wait3A_146, %dma_wait3A_147] : memref<10240x16xf32, #tpu.memory_space<hbm>> -> memref<10240x16xf32, #tpu.memory_space<hbm>>
      tpu.wait_indirect_dma semaphore(%arg20 : memref<!tpu.dma_semaphore, #tpu.memory_space<semaphore_mem>>) src(%dma_wait3A_148 : memref<10240x16xf32, #tpu.memory_space<hbm>>) dst(%dma_wait3A_140 : memref<80x16xf32, #tpu.memory_space<vmem>>)
      %run_scoped3A_149 = arith.constant 1 : i32
      "tpu.region"() ({
        %run_scoped3A_239 = tpu.sem_alloc : memref<!tpu.dma_semaphore, #tpu.memory_space<semaphore_mem>>
        %dma_start3A_240 = arith.constant 0 : i32
        %dma_start3A_241 = arith.constant 0 : i32
        %dma_start3A_242 = tpu.memref_slice %arg13[%run_scoped3A_149, %dma_start3A_240, %dma_start3A_241] : memref<5x80x16xf32, #tpu.memory_space<vmem>> -> memref<1x80x16xf32, #tpu.memory_space<vmem>>
        %dma_start3A_243 = tpu.memref_squeeze %dma_start3A_242 : memref<1x80x16xf32, #tpu.memory_space<vmem>> -> memref<80x16xf32, #tpu.memory_space<vmem>>
        %dma_start3A_244 = arith.constant 0 : i32
        %dma_start3A_245 = tpu.memref_slice %arg12[%add3A_133, %dma_start3A_244] : memref<125x80xi32, #tpu.memory_space<vmem>> -> memref<1x80xi32, #tpu.memory_space<vmem>>
        %dma_start3A_246 = tpu.memref_squeeze %dma_start3A_245 : memref<1x80xi32, #tpu.memory_space<vmem>> -> memref<80xi32, #tpu.memory_space<vmem>>
        %dma_start3A_247 = arith.constant 0 : i32
        %dma_start3A_248 = arith.constant 0 : i32
        %dma_start3A_249 = tpu.memref_slice %arg18[%dma_start3A_247, %dma_start3A_248] : memref<10240x16xf32, #tpu.memory_space<vmem_shared>> -> memref<10240x16xf32, #tpu.memory_space<vmem_shared>>
        tpu.enqueue_indirect_dma source(%dma_start3A_243 : memref<80x16xf32, #tpu.memory_space<vmem>>) target(%dma_start3A_249 : memref<10240x16xf32, #tpu.memory_space<vmem_shared>>) offsets(%dma_start3A_246 : memref<80xi32, #tpu.memory_space<vmem>>) semaphore(%run_scoped3A_239 : memref<!tpu.dma_semaphore, #tpu.memory_space<semaphore_mem>>) {add = true}
        %dma_wait3A_250 = arith.constant 0 : i32
        %dma_wait3A_251 = arith.constant 0 : i32
        %dma_wait3A_252 = tpu.memref_slice %arg13[%run_scoped3A_149, %dma_wait3A_250, %dma_wait3A_251] : memref<5x80x16xf32, #tpu.memory_space<vmem>> -> memref<1x80x16xf32, #tpu.memory_space<vmem>>
        %dma_wait3A_253 = tpu.memref_squeeze %dma_wait3A_252 : memref<1x80x16xf32, #tpu.memory_space<vmem>> -> memref<80x16xf32, #tpu.memory_space<vmem>>
        %dma_wait3A_254 = arith.constant 0 : i32
        %dma_wait3A_255 = tpu.memref_slice %arg12[%add3A_133, %dma_wait3A_254] : memref<125x80xi32, #tpu.memory_space<vmem>> -> memref<1x80xi32, #tpu.memory_space<vmem>>
        %dma_wait3A_256 = tpu.memref_squeeze %dma_wait3A_255 : memref<1x80xi32, #tpu.memory_space<vmem>> -> memref<80xi32, #tpu.memory_space<vmem>>
        %dma_wait3A_257 = arith.constant 0 : i32
        %dma_wait3A_258 = arith.constant 0 : i32
        %dma_wait3A_259 = tpu.memref_slice %arg18[%dma_wait3A_257, %dma_wait3A_258] : memref<10240x16xf32, #tpu.memory_space<vmem_shared>> -> memref<10240x16xf32, #tpu.memory_space<vmem_shared>>
        tpu.wait_indirect_dma semaphore(%run_scoped3A_239 : memref<!tpu.dma_semaphore, #tpu.memory_space<semaphore_mem>>) src(%dma_wait3A_253 : memref<80x16xf32, #tpu.memory_space<vmem>>) dst(%dma_wait3A_259 : memref<10240x16xf32, #tpu.memory_space<vmem_shared>>)
        tpu.yield
      }) : () -> ()
      %add3A_150 = arith.constant 5 : i32
      %add3A_151 = arith.addi %add3A_133, %add3A_150 : i32
      %lt3A_152 = arith.constant 125 : i32
      %lt3A_153 = arith.cmpi slt, %add3A_151, %lt3A_152 : i32
      %convert_element_type3A_154 = arith.extui %lt3A_153 : i1 to i32
      %cond3A_155 = arith.constant 0 : i32
      %cond3A_156 = arith.cmpi ne, %convert_element_type3A_154, %cond3A_155 : i32
      scf.if %cond3A_156 {
        %mul3A_239 = arith.constant 80 : i32
        %mul3A_240 = arith.muli %add3A_151, %mul3A_239 : i32
        %dma_start3A_241 = arith.constant 1 : i32
        %dma_start3A_242 = arith.constant 0 : i32
        %dma_start3A_243 = arith.constant 0 : i32
        %dma_start3A_244 = tpu.memref_slice %arg13[%dma_start3A_241, %dma_start3A_242, %dma_start3A_243] : memref<5x80x16xf32, #tpu.memory_space<vmem>> -> memref<1x80x16xf32, #tpu.memory_space<vmem>>
        %dma_start3A_245 = tpu.memref_squeeze %dma_start3A_244 : memref<1x80x16xf32, #tpu.memory_space<vmem>> -> memref<80x16xf32, #tpu.memory_space<vmem>>
        %dma_start3A_246 = tpu.memref_slice %arg11[%mul3A_240] : memref<10000xi32, #tpu.memory_space<vmem>> -> memref<80xi32, #tpu.memory_space<vmem>>
        %dma_start3A_247 = arith.constant 0 : i32
        %dma_start3A_248 = arith.constant 0 : i32
        %dma_start3A_249 = tpu.memref_slice %arg9[%arg0, %dma_start3A_247, %dma_start3A_248] : memref<2x10240x16xf32, #tpu.memory_space<hbm>> -> memref<1x10240x16xf32, #tpu.memory_space<hbm>>
        %dma_start3A_250 = tpu.memref_squeeze %dma_start3A_249 : memref<1x10240x16xf32, #tpu.memory_space<hbm>> -> memref<10240x16xf32, #tpu.memory_space<hbm>>
        %dma_start3A_251 = arith.constant 0 : i32
        %dma_start3A_252 = arith.constant 0 : i32
        %dma_start3A_253 = tpu.memref_slice %dma_start3A_250[%dma_start3A_251, %dma_start3A_252] : memref<10240x16xf32, #tpu.memory_space<hbm>> -> memref<10240x16xf32, #tpu.memory_space<hbm>>
        tpu.enqueue_indirect_dma source(%dma_start3A_253 : memref<10240x16xf32, #tpu.memory_space<hbm>>) target(%dma_start3A_245 : memref<80x16xf32, #tpu.memory_space<vmem>>) offsets(%dma_start3A_246 : memref<80xi32, #tpu.memory_space<vmem>>) semaphore(%arg20 : memref<!tpu.dma_semaphore, #tpu.memory_space<semaphore_mem>>)
      } else {
      }
      %mul3A_157 = arith.constant 5 : i32
      %mul3A_158 = arith.muli %scan3A_104, %mul3A_157 : i32
      %add3A_159 = arith.constant 2 : i32
      %add3A_160 = arith.addi %mul3A_158, %add3A_159 : i32
      %mul3A_161 = arith.constant 80 : i32
      %mul3A_162 = arith.muli %add3A_160, %mul3A_161 : i32
      %dma_wait3A_163 = arith.constant 2 : i32
      %dma_wait3A_164 = arith.constant 0 : i32
      %dma_wait3A_165 = arith.constant 0 : i32
      %dma_wait3A_166 = tpu.memref_slice %arg13[%dma_wait3A_163, %dma_wait3A_164, %dma_wait3A_165] : memref<5x80x16xf32, #tpu.memory_space<vmem>> -> memref<1x80x16xf32, #tpu.memory_space<vmem>>
      %dma_wait3A_167 = tpu.memref_squeeze %dma_wait3A_166 : memref<1x80x16xf32, #tpu.memory_space<vmem>> -> memref<80x16xf32, #tpu.memory_space<vmem>>
      %dma_wait3A_168 = tpu.memref_slice %arg11[%mul3A_162] : memref<10000xi32, #tpu.memory_space<vmem>> -> memref<80xi32, #tpu.memory_space<vmem>>
      %dma_wait3A_169 = arith.constant 0 : i32
      %dma_wait3A_170 = arith.constant 0 : i32
      %dma_wait3A_171 = tpu.memref_slice %arg9[%arg0, %dma_wait3A_169, %dma_wait3A_170] : memref<2x10240x16xf32, #tpu.memory_space<hbm>> -> memref<1x10240x16xf32, #tpu.memory_space<hbm>>
      %dma_wait3A_172 = tpu.memref_squeeze %dma_wait3A_171 : memref<1x10240x16xf32, #tpu.memory_space<hbm>> -> memref<10240x16xf32, #tpu.memory_space<hbm>>
      %dma_wait3A_173 = arith.constant 0 : i32
      %dma_wait3A_174 = arith.constant 0 : i32
      %dma_wait3A_175 = tpu.memref_slice %dma_wait3A_172[%dma_wait3A_173, %dma_wait3A_174] : memref<10240x16xf32, #tpu.memory_space<hbm>> -> memref<10240x16xf32, #tpu.memory_space<hbm>>
      tpu.wait_indirect_dma semaphore(%arg21 : memref<!tpu.dma_semaphore, #tpu.memory_space<semaphore_mem>>) src(%dma_wait3A_175 : memref<10240x16xf32, #tpu.memory_space<hbm>>) dst(%dma_wait3A_167 : memref<80x16xf32, #tpu.memory_space<vmem>>)
      %run_scoped3A_176 = arith.constant 2 : i32
      "tpu.region"() ({
        %run_scoped3A_239 = tpu.sem_alloc : memref<!tpu.dma_semaphore, #tpu.memory_space<semaphore_mem>>
        %dma_start3A_240 = arith.constant 0 : i32
        %dma_start3A_241 = arith.constant 0 : i32
        %dma_start3A_242 = tpu.memref_slice %arg13[%run_scoped3A_176, %dma_start3A_240, %dma_start3A_241] : memref<5x80x16xf32, #tpu.memory_space<vmem>> -> memref<1x80x16xf32, #tpu.memory_space<vmem>>
        %dma_start3A_243 = tpu.memref_squeeze %dma_start3A_242 : memref<1x80x16xf32, #tpu.memory_space<vmem>> -> memref<80x16xf32, #tpu.memory_space<vmem>>
        %dma_start3A_244 = arith.constant 0 : i32
        %dma_start3A_245 = tpu.memref_slice %arg12[%add3A_160, %dma_start3A_244] : memref<125x80xi32, #tpu.memory_space<vmem>> -> memref<1x80xi32, #tpu.memory_space<vmem>>
        %dma_start3A_246 = tpu.memref_squeeze %dma_start3A_245 : memref<1x80xi32, #tpu.memory_space<vmem>> -> memref<80xi32, #tpu.memory_space<vmem>>
        %dma_start3A_247 = arith.constant 0 : i32
        %dma_start3A_248 = arith.constant 0 : i32
        %dma_start3A_249 = tpu.memref_slice %arg18[%dma_start3A_247, %dma_start3A_248] : memref<10240x16xf32, #tpu.memory_space<vmem_shared>> -> memref<10240x16xf32, #tpu.memory_space<vmem_shared>>
        tpu.enqueue_indirect_dma source(%dma_start3A_243 : memref<80x16xf32, #tpu.memory_space<vmem>>) target(%dma_start3A_249 : memref<10240x16xf32, #tpu.memory_space<vmem_shared>>) offsets(%dma_start3A_246 : memref<80xi32, #tpu.memory_space<vmem>>) semaphore(%run_scoped3A_239 : memref<!tpu.dma_semaphore, #tpu.memory_space<semaphore_mem>>) {add = true}
        %dma_wait3A_250 = arith.constant 0 : i32
        %dma_wait3A_251 = arith.constant 0 : i32
        %dma_wait3A_252 = tpu.memref_slice %arg13[%run_scoped3A_176, %dma_wait3A_250, %dma_wait3A_251] : memref<5x80x16xf32, #tpu.memory_space<vmem>> -> memref<1x80x16xf32, #tpu.memory_space<vmem>>
        %dma_wait3A_253 = tpu.memref_squeeze %dma_wait3A_252 : memref<1x80x16xf32, #tpu.memory_space<vmem>> -> memref<80x16xf32, #tpu.memory_space<vmem>>
        %dma_wait3A_254 = arith.constant 0 : i32
        %dma_wait3A_255 = tpu.memref_slice %arg12[%add3A_160, %dma_wait3A_254] : memref<125x80xi32, #tpu.memory_space<vmem>> -> memref<1x80xi32, #tpu.memory_space<vmem>>
        %dma_wait3A_256 = tpu.memref_squeeze %dma_wait3A_255 : memref<1x80xi32, #tpu.memory_space<vmem>> -> memref<80xi32, #tpu.memory_space<vmem>>
        %dma_wait3A_257 = arith.constant 0 : i32
        %dma_wait3A_258 = arith.constant 0 : i32
        %dma_wait3A_259 = tpu.memref_slice %arg18[%dma_wait3A_257, %dma_wait3A_258] : memref<10240x16xf32, #tpu.memory_space<vmem_shared>> -> memref<10240x16xf32, #tpu.memory_space<vmem_shared>>
        tpu.wait_indirect_dma semaphore(%run_scoped3A_239 : memref<!tpu.dma_semaphore, #tpu.memory_space<semaphore_mem>>) src(%dma_wait3A_253 : memref<80x16xf32, #tpu.memory_space<vmem>>) dst(%dma_wait3A_259 : memref<10240x16xf32, #tpu.memory_space<vmem_shared>>)
        tpu.yield
      }) : () -> ()
      %add3A_177 = arith.constant 5 : i32
      %add3A_178 = arith.addi %add3A_160, %add3A_177 : i32
      %lt3A_179 = arith.constant 125 : i32
      %lt3A_180 = arith.cmpi slt, %add3A_178, %lt3A_179 : i32
      %convert_element_type3A_181 = arith.extui %lt3A_180 : i1 to i32
      %cond3A_182 = arith.constant 0 : i32
      %cond3A_183 = arith.cmpi ne, %convert_element_type3A_181, %cond3A_182 : i32
      scf.if %cond3A_183 {
        %mul3A_239 = arith.constant 80 : i32
        %mul3A_240 = arith.muli %add3A_178, %mul3A_239 : i32
        %dma_start3A_241 = arith.constant 2 : i32
        %dma_start3A_242 = arith.constant 0 : i32
        %dma_start3A_243 = arith.constant 0 : i32
        %dma_start3A_244 = tpu.memref_slice %arg13[%dma_start3A_241, %dma_start3A_242, %dma_start3A_243] : memref<5x80x16xf32, #tpu.memory_space<vmem>> -> memref<1x80x16xf32, #tpu.memory_space<vmem>>
        %dma_start3A_245 = tpu.memref_squeeze %dma_start3A_244 : memref<1x80x16xf32, #tpu.memory_space<vmem>> -> memref<80x16xf32, #tpu.memory_space<vmem>>
        %dma_start3A_246 = tpu.memref_slice %arg11[%mul3A_240] : memref<10000xi32, #tpu.memory_space<vmem>> -> memref<80xi32, #tpu.memory_space<vmem>>
        %dma_start3A_247 = arith.constant 0 : i32
        %dma_start3A_248 = arith.constant 0 : i32
        %dma_start3A_249 = tpu.memref_slice %arg9[%arg0, %dma_start3A_247, %dma_start3A_248] : memref<2x10240x16xf32, #tpu.memory_space<hbm>> -> memref<1x10240x16xf32, #tpu.memory_space<hbm>>
        %dma_start3A_250 = tpu.memref_squeeze %dma_start3A_249 : memref<1x10240x16xf32, #tpu.memory_space<hbm>> -> memref<10240x16xf32, #tpu.memory_space<hbm>>
        %dma_start3A_251 = arith.constant 0 : i32
        %dma_start3A_252 = arith.constant 0 : i32
        %dma_start3A_253 = tpu.memref_slice %dma_start3A_250[%dma_start3A_251, %dma_start3A_252] : memref<10240x16xf32, #tpu.memory_space<hbm>> -> memref<10240x16xf32, #tpu.memory_space<hbm>>
        tpu.enqueue_indirect_dma source(%dma_start3A_253 : memref<10240x16xf32, #tpu.memory_space<hbm>>) target(%dma_start3A_245 : memref<80x16xf32, #tpu.memory_space<vmem>>) offsets(%dma_start3A_246 : memref<80xi32, #tpu.memory_space<vmem>>) semaphore(%arg21 : memref<!tpu.dma_semaphore, #tpu.memory_space<semaphore_mem>>)
      } else {
      }
      %mul3A_184 = arith.constant 5 : i32
      %mul3A_185 = arith.muli %scan3A_104, %mul3A_184 : i32
      %add3A_186 = arith.constant 3 : i32
      %add3A_187 = arith.addi %mul3A_185, %add3A_186 : i32
      %mul3A_188 = arith.constant 80 : i32
      %mul3A_189 = arith.muli %add3A_187, %mul3A_188 : i32
      %dma_wait3A_190 = arith.constant 3 : i32
      %dma_wait3A_191 = arith.constant 0 : i32
      %dma_wait3A_192 = arith.constant 0 : i32
      %dma_wait3A_193 = tpu.memref_slice %arg13[%dma_wait3A_190, %dma_wait3A_191, %dma_wait3A_192] : memref<5x80x16xf32, #tpu.memory_space<vmem>> -> memref<1x80x16xf32, #tpu.memory_space<vmem>>
      %dma_wait3A_194 = tpu.memref_squeeze %dma_wait3A_193 : memref<1x80x16xf32, #tpu.memory_space<vmem>> -> memref<80x16xf32, #tpu.memory_space<vmem>>
      %dma_wait3A_195 = tpu.memref_slice %arg11[%mul3A_189] : memref<10000xi32, #tpu.memory_space<vmem>> -> memref<80xi32, #tpu.memory_space<vmem>>
      %dma_wait3A_196 = arith.constant 0 : i32
      %dma_wait3A_197 = arith.constant 0 : i32
      %dma_wait3A_198 = tpu.memref_slice %arg9[%arg0, %dma_wait3A_196, %dma_wait3A_197] : memref<2x10240x16xf32, #tpu.memory_space<hbm>> -> memref<1x10240x16xf32, #tpu.memory_space<hbm>>
      %dma_wait3A_199 = tpu.memref_squeeze %dma_wait3A_198 : memref<1x10240x16xf32, #tpu.memory_space<hbm>> -> memref<10240x16xf32, #tpu.memory_space<hbm>>
      %dma_wait3A_200 = arith.constant 0 : i32
      %dma_wait3A_201 = arith.constant 0 : i32
      %dma_wait3A_202 = tpu.memref_slice %dma_wait3A_199[%dma_wait3A_200, %dma_wait3A_201] : memref<10240x16xf32, #tpu.memory_space<hbm>> -> memref<10240x16xf32, #tpu.memory_space<hbm>>
      tpu.wait_indirect_dma semaphore(%arg22 : memref<!tpu.dma_semaphore, #tpu.memory_space<semaphore_mem>>) src(%dma_wait3A_202 : memref<10240x16xf32, #tpu.memory_space<hbm>>) dst(%dma_wait3A_194 : memref<80x16xf32, #tpu.memory_space<vmem>>)
      %run_scoped3A_203 = arith.constant 3 : i32
      "tpu.region"() ({
        %run_scoped3A_239 = tpu.sem_alloc : memref<!tpu.dma_semaphore, #tpu.memory_space<semaphore_mem>>
        %dma_start3A_240 = arith.constant 0 : i32
        %dma_start3A_241 = arith.constant 0 : i32
        %dma_start3A_242 = tpu.memref_slice %arg13[%run_scoped3A_203, %dma_start3A_240, %dma_start3A_241] : memref<5x80x16xf32, #tpu.memory_space<vmem>> -> memref<1x80x16xf32, #tpu.memory_space<vmem>>
        %dma_start3A_243 = tpu.memref_squeeze %dma_start3A_242 : memref<1x80x16xf32, #tpu.memory_space<vmem>> -> memref<80x16xf32, #tpu.memory_space<vmem>>
        %dma_start3A_244 = arith.constant 0 : i32
        %dma_start3A_245 = tpu.memref_slice %arg12[%add3A_187, %dma_start3A_244] : memref<125x80xi32, #tpu.memory_space<vmem>> -> memref<1x80xi32, #tpu.memory_space<vmem>>
        %dma_start3A_246 = tpu.memref_squeeze %dma_start3A_245 : memref<1x80xi32, #tpu.memory_space<vmem>> -> memref<80xi32, #tpu.memory_space<vmem>>
        %dma_start3A_247 = arith.constant 0 : i32
        %dma_start3A_248 = arith.constant 0 : i32
        %dma_start3A_249 = tpu.memref_slice %arg18[%dma_start3A_247, %dma_start3A_248] : memref<10240x16xf32, #tpu.memory_space<vmem_shared>> -> memref<10240x16xf32, #tpu.memory_space<vmem_shared>>
        tpu.enqueue_indirect_dma source(%dma_start3A_243 : memref<80x16xf32, #tpu.memory_space<vmem>>) target(%dma_start3A_249 : memref<10240x16xf32, #tpu.memory_space<vmem_shared>>) offsets(%dma_start3A_246 : memref<80xi32, #tpu.memory_space<vmem>>) semaphore(%run_scoped3A_239 : memref<!tpu.dma_semaphore, #tpu.memory_space<semaphore_mem>>) {add = true}
        %dma_wait3A_250 = arith.constant 0 : i32
        %dma_wait3A_251 = arith.constant 0 : i32
        %dma_wait3A_252 = tpu.memref_slice %arg13[%run_scoped3A_203, %dma_wait3A_250, %dma_wait3A_251] : memref<5x80x16xf32, #tpu.memory_space<vmem>> -> memref<1x80x16xf32, #tpu.memory_space<vmem>>
        %dma_wait3A_253 = tpu.memref_squeeze %dma_wait3A_252 : memref<1x80x16xf32, #tpu.memory_space<vmem>> -> memref<80x16xf32, #tpu.memory_space<vmem>>
        %dma_wait3A_254 = arith.constant 0 : i32
        %dma_wait3A_255 = tpu.memref_slice %arg12[%add3A_187, %dma_wait3A_254] : memref<125x80xi32, #tpu.memory_space<vmem>> -> memref<1x80xi32, #tpu.memory_space<vmem>>
        %dma_wait3A_256 = tpu.memref_squeeze %dma_wait3A_255 : memref<1x80xi32, #tpu.memory_space<vmem>> -> memref<80xi32, #tpu.memory_space<vmem>>
        %dma_wait3A_257 = arith.constant 0 : i32
        %dma_wait3A_258 = arith.constant 0 : i32
        %dma_wait3A_259 = tpu.memref_slice %arg18[%dma_wait3A_257, %dma_wait3A_258] : memref<10240x16xf32, #tpu.memory_space<vmem_shared>> -> memref<10240x16xf32, #tpu.memory_space<vmem_shared>>
        tpu.wait_indirect_dma semaphore(%run_scoped3A_239 : memref<!tpu.dma_semaphore, #tpu.memory_space<semaphore_mem>>) src(%dma_wait3A_253 : memref<80x16xf32, #tpu.memory_space<vmem>>) dst(%dma_wait3A_259 : memref<10240x16xf32, #tpu.memory_space<vmem_shared>>)
        tpu.yield
      }) : () -> ()
      %add3A_204 = arith.constant 5 : i32
      %add3A_205 = arith.addi %add3A_187, %add3A_204 : i32
      %lt3A_206 = arith.constant 125 : i32
      %lt3A_207 = arith.cmpi slt, %add3A_205, %lt3A_206 : i32
      %convert_element_type3A_208 = arith.extui %lt3A_207 : i1 to i32
      %cond3A_209 = arith.constant 0 : i32
      %cond3A_210 = arith.cmpi ne, %convert_element_type3A_208, %cond3A_209 : i32
      scf.if %cond3A_210 {
        %mul3A_239 = arith.constant 80 : i32
        %mul3A_240 = arith.muli %add3A_205, %mul3A_239 : i32
        %dma_start3A_241 = arith.constant 3 : i32
        %dma_start3A_242 = arith.constant 0 : i32
        %dma_start3A_243 = arith.constant 0 : i32
        %dma_start3A_244 = tpu.memref_slice %arg13[%dma_start3A_241, %dma_start3A_242, %dma_start3A_243] : memref<5x80x16xf32, #tpu.memory_space<vmem>> -> memref<1x80x16xf32, #tpu.memory_space<vmem>>
        %dma_start3A_245 = tpu.memref_squeeze %dma_start3A_244 : memref<1x80x16xf32, #tpu.memory_space<vmem>> -> memref<80x16xf32, #tpu.memory_space<vmem>>
        %dma_start3A_246 = tpu.memref_slice %arg11[%mul3A_240] : memref<10000xi32, #tpu.memory_space<vmem>> -> memref<80xi32, #tpu.memory_space<vmem>>
        %dma_start3A_247 = arith.constant 0 : i32
        %dma_start3A_248 = arith.constant 0 : i32
        %dma_start3A_249 = tpu.memref_slice %arg9[%arg0, %dma_start3A_247, %dma_start3A_248] : memref<2x10240x16xf32, #tpu.memory_space<hbm>> -> memref<1x10240x16xf32, #tpu.memory_space<hbm>>
        %dma_start3A_250 = tpu.memref_squeeze %dma_start3A_249 : memref<1x10240x16xf32, #tpu.memory_space<hbm>> -> memref<10240x16xf32, #tpu.memory_space<hbm>>
        %dma_start3A_251 = arith.constant 0 : i32
        %dma_start3A_252 = arith.constant 0 : i32
        %dma_start3A_253 = tpu.memref_slice %dma_start3A_250[%dma_start3A_251, %dma_start3A_252] : memref<10240x16xf32, #tpu.memory_space<hbm>> -> memref<10240x16xf32, #tpu.memory_space<hbm>>
        tpu.enqueue_indirect_dma source(%dma_start3A_253 : memref<10240x16xf32, #tpu.memory_space<hbm>>) target(%dma_start3A_245 : memref<80x16xf32, #tpu.memory_space<vmem>>) offsets(%dma_start3A_246 : memref<80xi32, #tpu.memory_space<vmem>>) semaphore(%arg22 : memref<!tpu.dma_semaphore, #tpu.memory_space<semaphore_mem>>)
      } else {
      }
      %mul3A_211 = arith.constant 5 : i32
      %mul3A_212 = arith.muli %scan3A_104, %mul3A_211 : i32
      %add3A_213 = arith.constant 4 : i32
      %add3A_214 = arith.addi %mul3A_212, %add3A_213 : i32
      %mul3A_215 = arith.constant 80 : i32
      %mul3A_216 = arith.muli %add3A_214, %mul3A_215 : i32
      %dma_wait3A_217 = arith.constant 4 : i32
      %dma_wait3A_218 = arith.constant 0 : i32
      %dma_wait3A_219 = arith.constant 0 : i32
      %dma_wait3A_220 = tpu.memref_slice %arg13[%dma_wait3A_217, %dma_wait3A_218, %dma_wait3A_219] : memref<5x80x16xf32, #tpu.memory_space<vmem>> -> memref<1x80x16xf32, #tpu.memory_space<vmem>>
      %dma_wait3A_221 = tpu.memref_squeeze %dma_wait3A_220 : memref<1x80x16xf32, #tpu.memory_space<vmem>> -> memref<80x16xf32, #tpu.memory_space<vmem>>
      %dma_wait3A_222 = tpu.memref_slice %arg11[%mul3A_216] : memref<10000xi32, #tpu.memory_space<vmem>> -> memref<80xi32, #tpu.memory_space<vmem>>
      %dma_wait3A_223 = arith.constant 0 : i32
      %dma_wait3A_224 = arith.constant 0 : i32
      %dma_wait3A_225 = tpu.memref_slice %arg9[%arg0, %dma_wait3A_223, %dma_wait3A_224] : memref<2x10240x16xf32, #tpu.memory_space<hbm>> -> memref<1x10240x16xf32, #tpu.memory_space<hbm>>
      %dma_wait3A_226 = tpu.memref_squeeze %dma_wait3A_225 : memref<1x10240x16xf32, #tpu.memory_space<hbm>> -> memref<10240x16xf32, #tpu.memory_space<hbm>>
      %dma_wait3A_227 = arith.constant 0 : i32
      %dma_wait3A_228 = arith.constant 0 : i32
      %dma_wait3A_229 = tpu.memref_slice %dma_wait3A_226[%dma_wait3A_227, %dma_wait3A_228] : memref<10240x16xf32, #tpu.memory_space<hbm>> -> memref<10240x16xf32, #tpu.memory_space<hbm>>
      tpu.wait_indirect_dma semaphore(%arg23 : memref<!tpu.dma_semaphore, #tpu.memory_space<semaphore_mem>>) src(%dma_wait3A_229 : memref<10240x16xf32, #tpu.memory_space<hbm>>) dst(%dma_wait3A_221 : memref<80x16xf32, #tpu.memory_space<vmem>>)
      %run_scoped3A_230 = arith.constant 4 : i32
      "tpu.region"() ({
        %run_scoped3A_239 = tpu.sem_alloc : memref<!tpu.dma_semaphore, #tpu.memory_space<semaphore_mem>>
        %dma_start3A_240 = arith.constant 0 : i32
        %dma_start3A_241 = arith.constant 0 : i32
        %dma_start3A_242 = tpu.memref_slice %arg13[%run_scoped3A_230, %dma_start3A_240, %dma_start3A_241] : memref<5x80x16xf32, #tpu.memory_space<vmem>> -> memref<1x80x16xf32, #tpu.memory_space<vmem>>
        %dma_start3A_243 = tpu.memref_squeeze %dma_start3A_242 : memref<1x80x16xf32, #tpu.memory_space<vmem>> -> memref<80x16xf32, #tpu.memory_space<vmem>>
        %dma_start3A_244 = arith.constant 0 : i32
        %dma_start3A_245 = tpu.memref_slice %arg12[%add3A_214, %dma_start3A_244] : memref<125x80xi32, #tpu.memory_space<vmem>> -> memref<1x80xi32, #tpu.memory_space<vmem>>
        %dma_start3A_246 = tpu.memref_squeeze %dma_start3A_245 : memref<1x80xi32, #tpu.memory_space<vmem>> -> memref<80xi32, #tpu.memory_space<vmem>>
        %dma_start3A_247 = arith.constant 0 : i32
        %dma_start3A_248 = arith.constant 0 : i32
        %dma_start3A_249 = tpu.memref_slice %arg18[%dma_start3A_247, %dma_start3A_248] : memref<10240x16xf32, #tpu.memory_space<vmem_shared>> -> memref<10240x16xf32, #tpu.memory_space<vmem_shared>>
        tpu.enqueue_indirect_dma source(%dma_start3A_243 : memref<80x16xf32, #tpu.memory_space<vmem>>) target(%dma_start3A_249 : memref<10240x16xf32, #tpu.memory_space<vmem_shared>>) offsets(%dma_start3A_246 : memref<80xi32, #tpu.memory_space<vmem>>) semaphore(%run_scoped3A_239 : memref<!tpu.dma_semaphore, #tpu.memory_space<semaphore_mem>>) {add = true}
        %dma_wait3A_250 = arith.constant 0 : i32
        %dma_wait3A_251 = arith.constant 0 : i32
        %dma_wait3A_252 = tpu.memref_slice %arg13[%run_scoped3A_230, %dma_wait3A_250, %dma_wait3A_251] : memref<5x80x16xf32, #tpu.memory_space<vmem>> -> memref<1x80x16xf32, #tpu.memory_space<vmem>>
        %dma_wait3A_253 = tpu.memref_squeeze %dma_wait3A_252 : memref<1x80x16xf32, #tpu.memory_space<vmem>> -> memref<80x16xf32, #tpu.memory_space<vmem>>
        %dma_wait3A_254 = arith.constant 0 : i32
        %dma_wait3A_255 = tpu.memref_slice %arg12[%add3A_214, %dma_wait3A_254] : memref<125x80xi32, #tpu.memory_space<vmem>> -> memref<1x80xi32, #tpu.memory_space<vmem>>
        %dma_wait3A_256 = tpu.memref_squeeze %dma_wait3A_255 : memref<1x80xi32, #tpu.memory_space<vmem>> -> memref<80xi32, #tpu.memory_space<vmem>>
        %dma_wait3A_257 = arith.constant 0 : i32
        %dma_wait3A_258 = arith.constant 0 : i32
        %dma_wait3A_259 = tpu.memref_slice %arg18[%dma_wait3A_257, %dma_wait3A_258] : memref<10240x16xf32, #tpu.memory_space<vmem_shared>> -> memref<10240x16xf32, #tpu.memory_space<vmem_shared>>
        tpu.wait_indirect_dma semaphore(%run_scoped3A_239 : memref<!tpu.dma_semaphore, #tpu.memory_space<semaphore_mem>>) src(%dma_wait3A_253 : memref<80x16xf32, #tpu.memory_space<vmem>>) dst(%dma_wait3A_259 : memref<10240x16xf32, #tpu.memory_space<vmem_shared>>)
        tpu.yield
      }) : () -> ()
      %add3A_231 = arith.constant 5 : i32
      %add3A_232 = arith.addi %add3A_214, %add3A_231 : i32
      %lt3A_233 = arith.constant 125 : i32
      %lt3A_234 = arith.cmpi slt, %add3A_232, %lt3A_233 : i32
      %convert_element_type3A_235 = arith.extui %lt3A_234 : i1 to i32
      %cond3A_236 = arith.constant 0 : i32
      %cond3A_237 = arith.cmpi ne, %convert_element_type3A_235, %cond3A_236 : i32
      scf.if %cond3A_237 {
        %mul3A_239 = arith.constant 80 : i32
        %mul3A_240 = arith.muli %add3A_232, %mul3A_239 : i32
        %dma_start3A_241 = arith.constant 4 : i32
        %dma_start3A_242 = arith.constant 0 : i32
        %dma_start3A_243 = arith.constant 0 : i32
        %dma_start3A_244 = tpu.memref_slice %arg13[%dma_start3A_241, %dma_start3A_242, %dma_start3A_243] : memref<5x80x16xf32, #tpu.memory_space<vmem>> -> memref<1x80x16xf32, #tpu.memory_space<vmem>>
        %dma_start3A_245 = tpu.memref_squeeze %dma_start3A_244 : memref<1x80x16xf32, #tpu.memory_space<vmem>> -> memref<80x16xf32, #tpu.memory_space<vmem>>
        %dma_start3A_246 = tpu.memref_slice %arg11[%mul3A_240] : memref<10000xi32, #tpu.memory_space<vmem>> -> memref<80xi32, #tpu.memory_space<vmem>>
        %dma_start3A_247 = arith.constant 0 : i32
        %dma_start3A_248 = arith.constant 0 : i32
        %dma_start3A_249 = tpu.memref_slice %arg9[%arg0, %dma_start3A_247, %dma_start3A_248] : memref<2x10240x16xf32, #tpu.memory_space<hbm>> -> memref<1x10240x16xf32, #tpu.memory_space<hbm>>
        %dma_start3A_250 = tpu.memref_squeeze %dma_start3A_249 : memref<1x10240x16xf32, #tpu.memory_space<hbm>> -> memref<10240x16xf32, #tpu.memory_space<hbm>>
        %dma_start3A_251 = arith.constant 0 : i32
        %dma_start3A_252 = arith.constant 0 : i32
        %dma_start3A_253 = tpu.memref_slice %dma_start3A_250[%dma_start3A_251, %dma_start3A_252] : memref<10240x16xf32, #tpu.memory_space<hbm>> -> memref<10240x16xf32, #tpu.memory_space<hbm>>
        tpu.enqueue_indirect_dma source(%dma_start3A_253 : memref<10240x16xf32, #tpu.memory_space<hbm>>) target(%dma_start3A_245 : memref<80x16xf32, #tpu.memory_space<vmem>>) offsets(%dma_start3A_246 : memref<80xi32, #tpu.memory_space<vmem>>) semaphore(%arg23 : memref<!tpu.dma_semaphore, #tpu.memory_space<semaphore_mem>>)
      } else {
      }
      %scan3A_238 = arith.constant 0 : i32
      scf.yield %scan3A_238 : i32
    }
    %scan3A_102 = arith.constant 25 : i32
    %barrier3A_103 = arith.constant 0 : index
    tpu.barrier barrier_id(%barrier3A_103)
    "tpu.region"() ({
      %run_scoped3A = tpu.sem_alloc : memref<!tpu.dma_semaphore, #tpu.memory_space<semaphore_mem>>
      %dma_start3A_104 = arith.constant 0 : i32
      %dma_start3A_105 = tpu.memref_slice %arg18[%mul3A_2, %dma_start3A_104] : memref<10240x16xf32, #tpu.memory_space<vmem_shared>> -> memref<640x16xf32, #tpu.memory_space<vmem_shared>>
      %dma_start3A_106 = arith.constant 0 : i32
      %dma_start3A_107 = tpu.memref_slice %arg18[%mul3A_2, %dma_start3A_106] : memref<10240x16xf32, #tpu.memory_space<vmem_shared>> -> memref<640x16xf32, #tpu.memory_space<vmem_shared>>
      tpu.enqueue_dma source(%dma_start3A_107 : memref<640x16xf32, #tpu.memory_space<vmem_shared>>) target(%arg14 : memref<640x16xf32, #tpu.memory_space<vmem>>) target_semaphore(%run_scoped3A : memref<!tpu.dma_semaphore, #tpu.memory_space<semaphore_mem>>)
      %dma_wait3A = arith.constant 0 : i32
      %dma_wait3A_108 = tpu.memref_slice %arg18[%mul3A_2, %dma_wait3A] : memref<10240x16xf32, #tpu.memory_space<vmem_shared>> -> memref<640x16xf32, #tpu.memory_space<vmem_shared>>
      %dma_wait3A_109 = arith.constant 0 : i32
      %dma_wait3A_110 = tpu.memref_slice %arg18[%mul3A_2, %dma_wait3A_109] : memref<10240x16xf32, #tpu.memory_space<vmem_shared>> -> memref<640x16xf32, #tpu.memory_space<vmem_shared>>
      tpu.wait_dma2 semaphore(%run_scoped3A : memref<!tpu.dma_semaphore, #tpu.memory_space<semaphore_mem>>) src(%dma_wait3A_110 : memref<640x16xf32, #tpu.memory_space<vmem_shared>>) dst(%arg14 : memref<640x16xf32, #tpu.memory_space<vmem>>)
      tpu.yield
    }) : () -> ()
    "tpu.region"() ({
      %run_scoped3A = tpu.sem_alloc : memref<!tpu.dma_semaphore, #tpu.memory_space<semaphore_mem>>
      %dma_start3A_104 = arith.constant 0 : i32
      %dma_start3A_105 = tpu.memref_slice %arg8[%arg0, %mul3A_2, %dma_start3A_104] : memref<2x10240x16xf32, #tpu.memory_space<hbm>> -> memref<1x640x16xf32, #tpu.memory_space<hbm>>
      %dma_start3A_106 = tpu.memref_squeeze %dma_start3A_105 : memref<1x640x16xf32, #tpu.memory_space<hbm>> -> memref<640x16xf32, #tpu.memory_space<hbm>>
      %dma_start3A_107 = arith.constant 0 : i32
      %dma_start3A_108 = tpu.memref_slice %arg8[%arg0, %mul3A_2, %dma_start3A_107] : memref<2x10240x16xf32, #tpu.memory_space<hbm>> -> memref<1x640x16xf32, #tpu.memory_space<hbm>>
      %dma_start3A_109 = tpu.memref_squeeze %dma_start3A_108 : memref<1x640x16xf32, #tpu.memory_space<hbm>> -> memref<640x16xf32, #tpu.memory_space<hbm>>
      tpu.enqueue_dma source(%arg14 : memref<640x16xf32, #tpu.memory_space<vmem>>) target(%dma_start3A_109 : memref<640x16xf32, #tpu.memory_space<hbm>>) target_semaphore(%run_scoped3A : memref<!tpu.dma_semaphore, #tpu.memory_space<semaphore_mem>>)
      %dma_wait3A = arith.constant 0 : i32
      %dma_wait3A_110 = tpu.memref_slice %arg8[%arg0, %mul3A_2, %dma_wait3A] : memref<2x10240x16xf32, #tpu.memory_space<hbm>> -> memref<1x640x16xf32, #tpu.memory_space<hbm>>
      %dma_wait3A_111 = tpu.memref_squeeze %dma_wait3A_110 : memref<1x640x16xf32, #tpu.memory_space<hbm>> -> memref<640x16xf32, #tpu.memory_space<hbm>>
      %dma_wait3A_112 = arith.constant 0 : i32
      %dma_wait3A_113 = tpu.memref_slice %arg8[%arg0, %mul3A_2, %dma_wait3A_112] : memref<2x10240x16xf32, #tpu.memory_space<hbm>> -> memref<1x640x16xf32, #tpu.memory_space<hbm>>
      %dma_wait3A_114 = tpu.memref_squeeze %dma_wait3A_113 : memref<1x640x16xf32, #tpu.memory_space<hbm>> -> memref<640x16xf32, #tpu.memory_space<hbm>>
      tpu.wait_dma2 semaphore(%run_scoped3A : memref<!tpu.dma_semaphore, #tpu.memory_space<semaphore_mem>>) src(%arg14 : memref<640x16xf32, #tpu.memory_space<vmem>>) dst(%dma_wait3A_114 : memref<640x16xf32, #tpu.memory_space<hbm>>)
      tpu.yield
    }) : () -> ()
    return
  }
}

#map = affine_map<(d0, d1) -> (0, 0, 0)>
#map1 = affine_map<(d0, d1) -> (0)>
module attributes {stable_mosaic.version = 14 : i64} {
  func.func @deg_kernel(%arg0: i32, %arg1: i32, %arg2: memref<32x125x80xi32, #tpu.memory_space<hbm>>, %arg3: memref<10240xf32, #tpu.memory_space<hbm>>, %arg4: memref<10240xf32, #tpu.memory_space<hbm>>, %arg5: memref<10240xf32, #tpu.memory_space<hbm>>, %arg6: memref<125x80xi32, #tpu.memory_space<vmem>>, %arg7: memref<80xf32, #tpu.memory_space<vmem>>, %arg8: memref<640xf32, #tpu.memory_space<vmem>>, %arg9: memref<10240xf32, #tpu.memory_space<vmem_shared>>, %arg10: memref<!tpu.dma_semaphore, #tpu.memory_space<semaphore_mem>>) attributes {dimension_semantics = [#tpu.dimension_semantics<core_parallel>, #tpu.dimension_semantics<subcore_parallel>], iteration_bounds = array<i64: 2, 16>, scalar_prefetch = 0 : i64, scratch_operands = 5 : i64, tpu.core_type = #tpu.core_type<sc_vector_subcore>, window_params = [{transform_indices = #map}, {transform_indices = #map1}, {transform_indices = #map1}, {transform_indices = #map1}]} {
    %mul3A = arith.constant 2 : i32
    %mul3A_0 = arith.muli %arg1, %mul3A : i32
    %add3A = arith.addi %mul3A_0, %arg0 : i32
    %eq3A = arith.constant 0 : i32
    %eq3A_1 = arith.cmpi eq, %arg1, %eq3A : i32
    %convert_element_type3A = arith.extui %eq3A_1 : i1 to i32
    %cond3A = arith.constant 0 : i32
    %cond3A_2 = arith.cmpi ne, %convert_element_type3A, %cond3A : i32
    scf.if %cond3A_2 {
      "tpu.region"() ({
        %run_scoped3A = tpu.sem_alloc : memref<!tpu.dma_semaphore, #tpu.memory_space<semaphore_mem>>
        tpu.enqueue_dma source(%arg3 : memref<10240xf32, #tpu.memory_space<hbm>>) target(%arg9 : memref<10240xf32, #tpu.memory_space<vmem_shared>>) target_semaphore(%run_scoped3A : memref<!tpu.dma_semaphore, #tpu.memory_space<semaphore_mem>>)
        tpu.wait_dma2 semaphore(%run_scoped3A : memref<!tpu.dma_semaphore, #tpu.memory_space<semaphore_mem>>) src(%arg3 : memref<10240xf32, #tpu.memory_space<hbm>>) dst(%arg9 : memref<10240xf32, #tpu.memory_space<vmem_shared>>)
        tpu.yield
      }) : () -> ()
    } else {
    }
    %broadcast_in_dim3A = arith.constant 1.000000e+00 : f32
    %broadcast_in_dim3A_3 = vector.broadcast %broadcast_in_dim3A : f32 to vector<16xf32>
    %swap3A = arith.constant 0 : index
    %swap3A_4 = tpu.vector_load %arg7[%swap3A] {strides = array<i32>} : memref<80xf32, #tpu.memory_space<vmem>>, vector<16xf32>,
    %swap3A_5 = vector.shape_cast %swap3A_4 : vector<16xf32> to vector<16xf32>
    %swap3A_6 = vector.shape_cast %broadcast_in_dim3A_3 : vector<16xf32> to vector<16xf32>
    tpu.vector_store %arg7[%swap3A], %swap3A_6 {strides = array<i32>} : memref<80xf32, #tpu.memory_space<vmem>>, vector<16xf32>,
    %broadcast_in_dim3A_7 = arith.constant 1.000000e+00 : f32
    %broadcast_in_dim3A_8 = vector.broadcast %broadcast_in_dim3A_7 : f32 to vector<16xf32>
    %swap3A_9 = arith.constant 16 : index
    %swap3A_10 = tpu.vector_load %arg7[%swap3A_9] {strides = array<i32>} : memref<80xf32, #tpu.memory_space<vmem>>, vector<16xf32>,
    %swap3A_11 = vector.shape_cast %swap3A_10 : vector<16xf32> to vector<16xf32>
    %swap3A_12 = vector.shape_cast %broadcast_in_dim3A_8 : vector<16xf32> to vector<16xf32>
    tpu.vector_store %arg7[%swap3A_9], %swap3A_12 {strides = array<i32>} : memref<80xf32, #tpu.memory_space<vmem>>, vector<16xf32>,
    %broadcast_in_dim3A_13 = arith.constant 1.000000e+00 : f32
    %broadcast_in_dim3A_14 = vector.broadcast %broadcast_in_dim3A_13 : f32 to vector<16xf32>
    %swap3A_15 = arith.constant 32 : index
    %swap3A_16 = tpu.vector_load %arg7[%swap3A_15] {strides = array<i32>} : memref<80xf32, #tpu.memory_space<vmem>>, vector<16xf32>,
    %swap3A_17 = vector.shape_cast %swap3A_16 : vector<16xf32> to vector<16xf32>
    %swap3A_18 = vector.shape_cast %broadcast_in_dim3A_14 : vector<16xf32> to vector<16xf32>
    tpu.vector_store %arg7[%swap3A_15], %swap3A_18 {strides = array<i32>} : memref<80xf32, #tpu.memory_space<vmem>>, vector<16xf32>,
    %broadcast_in_dim3A_19 = arith.constant 1.000000e+00 : f32
    %broadcast_in_dim3A_20 = vector.broadcast %broadcast_in_dim3A_19 : f32 to vector<16xf32>
    %swap3A_21 = arith.constant 48 : index
    %swap3A_22 = tpu.vector_load %arg7[%swap3A_21] {strides = array<i32>} : memref<80xf32, #tpu.memory_space<vmem>>, vector<16xf32>,
    %swap3A_23 = vector.shape_cast %swap3A_22 : vector<16xf32> to vector<16xf32>
    %swap3A_24 = vector.shape_cast %broadcast_in_dim3A_20 : vector<16xf32> to vector<16xf32>
    tpu.vector_store %arg7[%swap3A_21], %swap3A_24 {strides = array<i32>} : memref<80xf32, #tpu.memory_space<vmem>>, vector<16xf32>,
    %broadcast_in_dim3A_25 = arith.constant 1.000000e+00 : f32
    %broadcast_in_dim3A_26 = vector.broadcast %broadcast_in_dim3A_25 : f32 to vector<16xf32>
    %swap3A_27 = arith.constant 64 : index
    %swap3A_28 = tpu.vector_load %arg7[%swap3A_27] {strides = array<i32>} : memref<80xf32, #tpu.memory_space<vmem>>, vector<16xf32>,
    %swap3A_29 = vector.shape_cast %swap3A_28 : vector<16xf32> to vector<16xf32>
    %swap3A_30 = vector.shape_cast %broadcast_in_dim3A_26 : vector<16xf32> to vector<16xf32>
    tpu.vector_store %arg7[%swap3A_27], %swap3A_30 {strides = array<i32>} : memref<80xf32, #tpu.memory_space<vmem>>, vector<16xf32>,
    "tpu.region"() ({
      %run_scoped3A = tpu.sem_alloc : memref<!tpu.dma_semaphore, #tpu.memory_space<semaphore_mem>>
      %dma_start3A = arith.constant 0 : i32
      %dma_start3A_57 = arith.constant 0 : i32
      %dma_start3A_58 = tpu.memref_slice %arg2[%add3A, %dma_start3A, %dma_start3A_57] : memref<32x125x80xi32, #tpu.memory_space<hbm>> -> memref<1x125x80xi32, #tpu.memory_space<hbm>>
      %dma_start3A_59 = tpu.memref_squeeze %dma_start3A_58 : memref<1x125x80xi32, #tpu.memory_space<hbm>> -> memref<125x80xi32, #tpu.memory_space<hbm>>
      %dma_start3A_60 = arith.constant 0 : i32
      %dma_start3A_61 = arith.constant 0 : i32
      %dma_start3A_62 = tpu.memref_slice %arg2[%add3A, %dma_start3A_60, %dma_start3A_61] : memref<32x125x80xi32, #tpu.memory_space<hbm>> -> memref<1x125x80xi32, #tpu.memory_space<hbm>>
      %dma_start3A_63 = tpu.memref_squeeze %dma_start3A_62 : memref<1x125x80xi32, #tpu.memory_space<hbm>> -> memref<125x80xi32, #tpu.memory_space<hbm>>
      tpu.enqueue_dma source(%dma_start3A_63 : memref<125x80xi32, #tpu.memory_space<hbm>>) target(%arg6 : memref<125x80xi32, #tpu.memory_space<vmem>>) target_semaphore(%run_scoped3A : memref<!tpu.dma_semaphore, #tpu.memory_space<semaphore_mem>>)
      %dma_wait3A = arith.constant 0 : i32
      %dma_wait3A_64 = arith.constant 0 : i32
      %dma_wait3A_65 = tpu.memref_slice %arg2[%add3A, %dma_wait3A, %dma_wait3A_64] : memref<32x125x80xi32, #tpu.memory_space<hbm>> -> memref<1x125x80xi32, #tpu.memory_space<hbm>>
      %dma_wait3A_66 = tpu.memref_squeeze %dma_wait3A_65 : memref<1x125x80xi32, #tpu.memory_space<hbm>> -> memref<125x80xi32, #tpu.memory_space<hbm>>
      %dma_wait3A_67 = arith.constant 0 : i32
      %dma_wait3A_68 = arith.constant 0 : i32
      %dma_wait3A_69 = tpu.memref_slice %arg2[%add3A, %dma_wait3A_67, %dma_wait3A_68] : memref<32x125x80xi32, #tpu.memory_space<hbm>> -> memref<1x125x80xi32, #tpu.memory_space<hbm>>
      %dma_wait3A_70 = tpu.memref_squeeze %dma_wait3A_69 : memref<1x125x80xi32, #tpu.memory_space<hbm>> -> memref<125x80xi32, #tpu.memory_space<hbm>>
      tpu.wait_dma2 semaphore(%run_scoped3A : memref<!tpu.dma_semaphore, #tpu.memory_space<semaphore_mem>>) src(%dma_wait3A_70 : memref<125x80xi32, #tpu.memory_space<hbm>>) dst(%arg6 : memref<125x80xi32, #tpu.memory_space<vmem>>)
      tpu.yield
    }) : () -> ()
    %barrier3A = arith.constant 0 : index
    tpu.barrier barrier_id(%barrier3A)
    %scan3A = arith.constant 0 : i32
    %scan3A_31 = arith.constant 0 : i32
    %scan3A_32 = arith.constant 125 : i32
    %scan3A_33 = arith.addi %scan3A_31, %scan3A_32 : i32
    %scan3A_34 = arith.constant 1 : i32
    %scan3A_35 = scf.for %scan3A_57 = %scan3A_31 to %scan3A_33 step %scan3A_34 iter_args(%scan3A_58 = %scan3A) -> (i32)  : i32 {
      %dma_start3A = arith.constant 0 : i32
      %dma_start3A_59 = tpu.memref_slice %arg6[%scan3A_57, %dma_start3A] : memref<125x80xi32, #tpu.memory_space<vmem>> -> memref<1x80xi32, #tpu.memory_space<vmem>>
      %dma_start3A_60 = tpu.memref_squeeze %dma_start3A_59 : memref<1x80xi32, #tpu.memory_space<vmem>> -> memref<80xi32, #tpu.memory_space<vmem>>
      %dma_start3A_61 = arith.constant 0 : i32
      %dma_start3A_62 = tpu.memref_slice %arg9[%dma_start3A_61] : memref<10240xf32, #tpu.memory_space<vmem_shared>> -> memref<10240xf32, #tpu.memory_space<vmem_shared>>
      tpu.enqueue_indirect_dma source(%arg7 : memref<80xf32, #tpu.memory_space<vmem>>) target(%dma_start3A_62 : memref<10240xf32, #tpu.memory_space<vmem_shared>>) offsets(%dma_start3A_60 : memref<80xi32, #tpu.memory_space<vmem>>) semaphore(%arg10 : memref<!tpu.dma_semaphore, #tpu.memory_space<semaphore_mem>>) {add = true}
      %scan3A_63 = arith.constant 0 : i32
      scf.yield %scan3A_63 : i32
    }
    %scan3A_36 = arith.constant 125 : i32
    %scan3A_37 = arith.constant 0 : i32
    %scan3A_38 = arith.constant 0 : i32
    %scan3A_39 = arith.constant 125 : i32
    %scan3A_40 = arith.addi %scan3A_38, %scan3A_39 : i32
    %scan3A_41 = arith.constant 1 : i32
    %scan3A_42 = scf.for %scan3A_57 = %scan3A_38 to %scan3A_40 step %scan3A_41 iter_args(%scan3A_58 = %scan3A_37) -> (i32)  : i32 {
      %dma_wait3A = arith.constant 0 : i32
      %dma_wait3A_59 = tpu.memref_slice %arg6[%scan3A_57, %dma_wait3A] : memref<125x80xi32, #tpu.memory_space<vmem>> -> memref<1x80xi32, #tpu.memory_space<vmem>>
      %dma_wait3A_60 = tpu.memref_squeeze %dma_wait3A_59 : memref<1x80xi32, #tpu.memory_space<vmem>> -> memref<80xi32, #tpu.memory_space<vmem>>
      %dma_wait3A_61 = arith.constant 0 : i32
      %dma_wait3A_62 = tpu.memref_slice %arg9[%dma_wait3A_61] : memref<10240xf32, #tpu.memory_space<vmem_shared>> -> memref<10240xf32, #tpu.memory_space<vmem_shared>>
      tpu.wait_indirect_dma semaphore(%arg10 : memref<!tpu.dma_semaphore, #tpu.memory_space<semaphore_mem>>) src(%arg7 : memref<80xf32, #tpu.memory_space<vmem>>) dst(%dma_wait3A_62 : memref<10240xf32, #tpu.memory_space<vmem_shared>>)
      %scan3A_63 = arith.constant 0 : i32
      scf.yield %scan3A_63 : i32
    }
    %scan3A_43 = arith.constant 125 : i32
    %barrier3A_44 = arith.constant 0 : index
    tpu.barrier barrier_id(%barrier3A_44)
    %mul3A_45 = arith.constant 640 : i32
    %mul3A_46 = arith.muli %arg1, %mul3A_45 : i32
    "tpu.region"() ({
      %run_scoped3A = tpu.sem_alloc : memref<!tpu.dma_semaphore, #tpu.memory_space<semaphore_mem>>
      %dma_start3A = tpu.memref_slice %arg9[%mul3A_46] : memref<10240xf32, #tpu.memory_space<vmem_shared>> -> memref<640xf32, #tpu.memory_space<vmem_shared>>
      %dma_start3A_57 = tpu.memref_slice %arg9[%mul3A_46] : memref<10240xf32, #tpu.memory_space<vmem_shared>> -> memref<640xf32, #tpu.memory_space<vmem_shared>>
      tpu.enqueue_dma source(%dma_start3A_57 : memref<640xf32, #tpu.memory_space<vmem_shared>>) target(%arg8 : memref<640xf32, #tpu.memory_space<vmem>>) target_semaphore(%run_scoped3A : memref<!tpu.dma_semaphore, #tpu.memory_space<semaphore_mem>>)
      %dma_wait3A = tpu.memref_slice %arg9[%mul3A_46] : memref<10240xf32, #tpu.memory_space<vmem_shared>> -> memref<640xf32, #tpu.memory_space<vmem_shared>>
      %dma_wait3A_58 = tpu.memref_slice %arg9[%mul3A_46] : memref<10240xf32, #tpu.memory_space<vmem_shared>> -> memref<640xf32, #tpu.memory_space<vmem_shared>>
      tpu.wait_dma2 semaphore(%run_scoped3A : memref<!tpu.dma_semaphore, #tpu.memory_space<semaphore_mem>>) src(%dma_wait3A_58 : memref<640xf32, #tpu.memory_space<vmem_shared>>) dst(%arg8 : memref<640xf32, #tpu.memory_space<vmem>>)
      tpu.yield
    }) : () -> ()
    %eq3A_47 = arith.constant 0 : i32
    %eq3A_48 = arith.cmpi eq, %arg0, %eq3A_47 : i32
    %convert_element_type3A_49 = arith.extui %eq3A_48 : i1 to i32
    %cond3A_50 = arith.constant 0 : i32
    %cond3A_51 = arith.cmpi ne, %convert_element_type3A_49, %cond3A_50 : i32
    scf.if %cond3A_51 {
      %mul3A_57 = arith.constant 640 : i32
      %mul3A_58 = arith.muli %arg1, %mul3A_57 : i32
      "tpu.region"() ({
        %run_scoped3A = tpu.sem_alloc : memref<!tpu.dma_semaphore, #tpu.memory_space<semaphore_mem>>
        %dma_start3A = tpu.memref_slice %arg4[%mul3A_58] : memref<10240xf32, #tpu.memory_space<hbm>> -> memref<640xf32, #tpu.memory_space<hbm>>
        %dma_start3A_59 = tpu.memref_slice %arg4[%mul3A_58] : memref<10240xf32, #tpu.memory_space<hbm>> -> memref<640xf32, #tpu.memory_space<hbm>>
        tpu.enqueue_dma source(%arg8 : memref<640xf32, #tpu.memory_space<vmem>>) target(%dma_start3A_59 : memref<640xf32, #tpu.memory_space<hbm>>) target_semaphore(%run_scoped3A : memref<!tpu.dma_semaphore, #tpu.memory_space<semaphore_mem>>)
        %dma_wait3A = tpu.memref_slice %arg4[%mul3A_58] : memref<10240xf32, #tpu.memory_space<hbm>> -> memref<640xf32, #tpu.memory_space<hbm>>
        %dma_wait3A_60 = tpu.memref_slice %arg4[%mul3A_58] : memref<10240xf32, #tpu.memory_space<hbm>> -> memref<640xf32, #tpu.memory_space<hbm>>
        tpu.wait_dma2 semaphore(%run_scoped3A : memref<!tpu.dma_semaphore, #tpu.memory_space<semaphore_mem>>) src(%arg8 : memref<640xf32, #tpu.memory_space<vmem>>) dst(%dma_wait3A_60 : memref<640xf32, #tpu.memory_space<hbm>>)
        tpu.yield
      }) : () -> ()
    } else {
    }
    %eq3A_52 = arith.constant 1 : i32
    %eq3A_53 = arith.cmpi eq, %arg0, %eq3A_52 : i32
    %convert_element_type3A_54 = arith.extui %eq3A_53 : i1 to i32
    %cond3A_55 = arith.constant 0 : i32
    %cond3A_56 = arith.cmpi ne, %convert_element_type3A_54, %cond3A_55 : i32
    scf.if %cond3A_56 {
      %mul3A_57 = arith.constant 640 : i32
      %mul3A_58 = arith.muli %arg1, %mul3A_57 : i32
      "tpu.region"() ({
        %run_scoped3A = tpu.sem_alloc : memref<!tpu.dma_semaphore, #tpu.memory_space<semaphore_mem>>
        %dma_start3A = tpu.memref_slice %arg5[%mul3A_58] : memref<10240xf32, #tpu.memory_space<hbm>> -> memref<640xf32, #tpu.memory_space<hbm>>
        %dma_start3A_59 = tpu.memref_slice %arg5[%mul3A_58] : memref<10240xf32, #tpu.memory_space<hbm>> -> memref<640xf32, #tpu.memory_space<hbm>>
        tpu.enqueue_dma source(%arg8 : memref<640xf32, #tpu.memory_space<vmem>>) target(%dma_start3A_59 : memref<640xf32, #tpu.memory_space<hbm>>) target_semaphore(%run_scoped3A : memref<!tpu.dma_semaphore, #tpu.memory_space<semaphore_mem>>)
        %dma_wait3A = tpu.memref_slice %arg5[%mul3A_58] : memref<10240xf32, #tpu.memory_space<hbm>> -> memref<640xf32, #tpu.memory_space<hbm>>
        %dma_wait3A_60 = tpu.memref_slice %arg5[%mul3A_58] : memref<10240xf32, #tpu.memory_space<hbm>> -> memref<640xf32, #tpu.memory_space<hbm>>
        tpu.wait_dma2 semaphore(%run_scoped3A : memref<!tpu.dma_semaphore, #tpu.memory_space<semaphore_mem>>) src(%arg8 : memref<640xf32, #tpu.memory_space<vmem>>) dst(%dma_wait3A_60 : memref<640xf32, #tpu.memory_space<hbm>>)
        tpu.yield
      }) : () -> ()
    } else {
    }
    return
  }
}

#map = affine_map<(d0, d1) -> (0)>
#map1 = affine_map<(d0, d1) -> (0, 0, 0)>
#map2 = affine_map<(d0, d1) -> (0, 0)>
module attributes {stable_mosaic.version = 14 : i64} {
  func.func @agg2_kernel(%arg0: i32, %arg1: i32, %arg2: memref<320000xi32, #tpu.memory_space<hbm>>, %arg3: memref<32x125x80xi32, #tpu.memory_space<hbm>>, %arg4: memref<2x10240x16xf32, #tpu.memory_space<hbm>>, %arg5: memref<2x10240x16xf32, #tpu.memory_space<hbm>>, %arg6: memref<10240xf32, #tpu.memory_space<hbm>>, %arg7: memref<16xf32, #tpu.memory_space<hbm>>, %arg8: memref<10240x16xf32, #tpu.memory_space<hbm>>, %arg9: memref<2x10240x16xf32, #tpu.memory_space<hbm>>, %arg10: memref<2x10240x16xf32, #tpu.memory_space<hbm>>, %arg11: memref<10000xi32, #tpu.memory_space<vmem>>, %arg12: memref<125x80xi32, #tpu.memory_space<vmem>>, %arg13: memref<5x80x16xf32, #tpu.memory_space<vmem>>, %arg14: memref<640x16xf32, #tpu.memory_space<vmem>>, %arg15: memref<640x16xf32, #tpu.memory_space<vmem>>, %arg16: memref<640x16xf32, #tpu.memory_space<vmem>>, %arg17: memref<640xf32, #tpu.memory_space<vmem>>, %arg18: memref<16xf32, #tpu.memory_space<vmem>>, %arg19: memref<10240x16xf32, #tpu.memory_space<vmem_shared>>, %arg20: memref<!tpu.dma_semaphore, #tpu.memory_space<semaphore_mem>>, %arg21: memref<!tpu.dma_semaphore, #tpu.memory_space<semaphore_mem>>, %arg22: memref<!tpu.dma_semaphore, #tpu.memory_space<semaphore_mem>>, %arg23: memref<!tpu.dma_semaphore, #tpu.memory_space<semaphore_mem>>, %arg24: memref<!tpu.dma_semaphore, #tpu.memory_space<semaphore_mem>>) attributes {dimension_semantics = [#tpu.dimension_semantics<core_parallel>, #tpu.dimension_semantics<subcore_parallel>], iteration_bounds = array<i64: 2, 16>, scalar_prefetch = 0 : i64, scratch_operands = 14 : i64, tpu.core_type = #tpu.core_type<sc_vector_subcore>, window_params = [{transform_indices = #map}, {transform_indices = #map1}, {transform_indices = #map1}, {transform_indices = #map1}, {transform_indices = #map}, {transform_indices = #map}, {transform_indices = #map2}, {transform_indices = #map1}, {transform_indices = #map1}]} {
    %mul3A = arith.constant 2 : i32
    %mul3A_0 = arith.muli %arg1, %mul3A : i32
    %add3A = arith.addi %mul3A_0, %arg0 : i32
    %mul3A_1 = arith.constant 640 : i32
    %mul3A_2 = arith.muli %arg1, %mul3A_1 : i32
    %eq3A = arith.constant 0 : i32
    %eq3A_3 = arith.cmpi eq, %arg1, %eq3A : i32
    %convert_element_type3A = arith.extui %eq3A_3 : i1 to i32
    %cond3A = arith.constant 0 : i32
    %cond3A_4 = arith.cmpi ne, %convert_element_type3A, %cond3A : i32
    scf.if %cond3A_4 {
      "tpu.region"() ({
        %run_scoped3A_94 = tpu.sem_alloc : memref<!tpu.dma_semaphore, #tpu.memory_space<semaphore_mem>>
        tpu.enqueue_dma source(%arg8 : memref<10240x16xf32, #tpu.memory_space<hbm>>) target(%arg19 : memref<10240x16xf32, #tpu.memory_space<vmem_shared>>) target_semaphore(%run_scoped3A_94 : memref<!tpu.dma_semaphore, #tpu.memory_space<semaphore_mem>>)
        tpu.wait_dma2 semaphore(%run_scoped3A_94 : memref<!tpu.dma_semaphore, #tpu.memory_space<semaphore_mem>>) src(%arg8 : memref<10240x16xf32, #tpu.memory_space<hbm>>) dst(%arg19 : memref<10240x16xf32, #tpu.memory_space<vmem_shared>>)
        tpu.yield
      }) : () -> ()
    } else {
    }
    %mul3A_5 = arith.constant 125 : i32
    %mul3A_6 = arith.muli %add3A, %mul3A_5 : i32
    %mul3A_7 = arith.constant 80 : i32
    %mul3A_8 = arith.muli %mul3A_6, %mul3A_7 : i32
    "tpu.region"() ({
      %run_scoped3A_94 = tpu.sem_alloc : memref<!tpu.dma_semaphore, #tpu.memory_space<semaphore_mem>>
      %dma_start3A_95 = tpu.memref_slice %arg2[%mul3A_8] : memref<320000xi32, #tpu.memory_space<hbm>> -> memref<10000xi32, #tpu.memory_space<hbm>>
      %dma_start3A_96 = tpu.memref_slice %arg2[%mul3A_8] : memref<320000xi32, #tpu.memory_space<hbm>> -> memref<10000xi32, #tpu.memory_space<hbm>>
      tpu.enqueue_dma source(%dma_start3A_96 : memref<10000xi32, #tpu.memory_space<hbm>>) target(%arg11 : memref<10000xi32, #tpu.memory_space<vmem>>) target_semaphore(%run_scoped3A_94 : memref<!tpu.dma_semaphore, #tpu.memory_space<semaphore_mem>>)
      %dma_wait3A = tpu.memref_slice %arg2[%mul3A_8] : memref<320000xi32, #tpu.memory_space<hbm>> -> memref<10000xi32, #tpu.memory_space<hbm>>
      %dma_wait3A_97 = tpu.memref_slice %arg2[%mul3A_8] : memref<320000xi32, #tpu.memory_space<hbm>> -> memref<10000xi32, #tpu.memory_space<hbm>>
      tpu.wait_dma2 semaphore(%run_scoped3A_94 : memref<!tpu.dma_semaphore, #tpu.memory_space<semaphore_mem>>) src(%dma_wait3A_97 : memref<10000xi32, #tpu.memory_space<hbm>>) dst(%arg11 : memref<10000xi32, #tpu.memory_space<vmem>>)
      tpu.yield
    }) : () -> ()
    "tpu.region"() ({
      %run_scoped3A_94 = tpu.sem_alloc : memref<!tpu.dma_semaphore, #tpu.memory_space<semaphore_mem>>
      %dma_start3A_95 = arith.constant 0 : i32
      %dma_start3A_96 = arith.constant 0 : i32
      %dma_start3A_97 = tpu.memref_slice %arg3[%add3A, %dma_start3A_95, %dma_start3A_96] : memref<32x125x80xi32, #tpu.memory_space<hbm>> -> memref<1x125x80xi32, #tpu.memory_space<hbm>>
      %dma_start3A_98 = tpu.memref_squeeze %dma_start3A_97 : memref<1x125x80xi32, #tpu.memory_space<hbm>> -> memref<125x80xi32, #tpu.memory_space<hbm>>
      %dma_start3A_99 = arith.constant 0 : i32
      %dma_start3A_100 = arith.constant 0 : i32
      %dma_start3A_101 = tpu.memref_slice %arg3[%add3A, %dma_start3A_99, %dma_start3A_100] : memref<32x125x80xi32, #tpu.memory_space<hbm>> -> memref<1x125x80xi32, #tpu.memory_space<hbm>>
      %dma_start3A_102 = tpu.memref_squeeze %dma_start3A_101 : memref<1x125x80xi32, #tpu.memory_space<hbm>> -> memref<125x80xi32, #tpu.memory_space<hbm>>
      tpu.enqueue_dma source(%dma_start3A_102 : memref<125x80xi32, #tpu.memory_space<hbm>>) target(%arg12 : memref<125x80xi32, #tpu.memory_space<vmem>>) target_semaphore(%run_scoped3A_94 : memref<!tpu.dma_semaphore, #tpu.memory_space<semaphore_mem>>)
      %dma_wait3A = arith.constant 0 : i32
      %dma_wait3A_103 = arith.constant 0 : i32
      %dma_wait3A_104 = tpu.memref_slice %arg3[%add3A, %dma_wait3A, %dma_wait3A_103] : memref<32x125x80xi32, #tpu.memory_space<hbm>> -> memref<1x125x80xi32, #tpu.memory_space<hbm>>
      %dma_wait3A_105 = tpu.memref_squeeze %dma_wait3A_104 : memref<1x125x80xi32, #tpu.memory_space<hbm>> -> memref<125x80xi32, #tpu.memory_space<hbm>>
      %dma_wait3A_106 = arith.constant 0 : i32
      %dma_wait3A_107 = arith.constant 0 : i32
      %dma_wait3A_108 = tpu.memref_slice %arg3[%add3A, %dma_wait3A_106, %dma_wait3A_107] : memref<32x125x80xi32, #tpu.memory_space<hbm>> -> memref<1x125x80xi32, #tpu.memory_space<hbm>>
      %dma_wait3A_109 = tpu.memref_squeeze %dma_wait3A_108 : memref<1x125x80xi32, #tpu.memory_space<hbm>> -> memref<125x80xi32, #tpu.memory_space<hbm>>
      tpu.wait_dma2 semaphore(%run_scoped3A_94 : memref<!tpu.dma_semaphore, #tpu.memory_space<semaphore_mem>>) src(%dma_wait3A_109 : memref<125x80xi32, #tpu.memory_space<hbm>>) dst(%arg12 : memref<125x80xi32, #tpu.memory_space<vmem>>)
      tpu.yield
    }) : () -> ()
    %run_scoped3A = arith.constant 0 : i32
    "tpu.region"() ({
      %run_scoped3A_94 = tpu.sem_alloc : memref<!tpu.dma_semaphore, #tpu.memory_space<semaphore_mem>>
      %dma_start3A_95 = arith.constant 0 : i32
      %dma_start3A_96 = tpu.memref_slice %arg4[%run_scoped3A, %mul3A_2, %dma_start3A_95] : memref<2x10240x16xf32, #tpu.memory_space<hbm>> -> memref<1x640x16xf32, #tpu.memory_space<hbm>>
      %dma_start3A_97 = tpu.memref_squeeze %dma_start3A_96 : memref<1x640x16xf32, #tpu.memory_space<hbm>> -> memref<640x16xf32, #tpu.memory_space<hbm>>
      %dma_start3A_98 = arith.constant 0 : i32
      %dma_start3A_99 = tpu.memref_slice %arg4[%run_scoped3A, %mul3A_2, %dma_start3A_98] : memref<2x10240x16xf32, #tpu.memory_space<hbm>> -> memref<1x640x16xf32, #tpu.memory_space<hbm>>
      %dma_start3A_100 = tpu.memref_squeeze %dma_start3A_99 : memref<1x640x16xf32, #tpu.memory_space<hbm>> -> memref<640x16xf32, #tpu.memory_space<hbm>>
      tpu.enqueue_dma source(%dma_start3A_100 : memref<640x16xf32, #tpu.memory_space<hbm>>) target(%arg15 : memref<640x16xf32, #tpu.memory_space<vmem>>) target_semaphore(%run_scoped3A_94 : memref<!tpu.dma_semaphore, #tpu.memory_space<semaphore_mem>>)
      %dma_wait3A = arith.constant 0 : i32
      %dma_wait3A_101 = tpu.memref_slice %arg4[%run_scoped3A, %mul3A_2, %dma_wait3A] : memref<2x10240x16xf32, #tpu.memory_space<hbm>> -> memref<1x640x16xf32, #tpu.memory_space<hbm>>
      %dma_wait3A_102 = tpu.memref_squeeze %dma_wait3A_101 : memref<1x640x16xf32, #tpu.memory_space<hbm>> -> memref<640x16xf32, #tpu.memory_space<hbm>>
      %dma_wait3A_103 = arith.constant 0 : i32
      %dma_wait3A_104 = tpu.memref_slice %arg4[%run_scoped3A, %mul3A_2, %dma_wait3A_103] : memref<2x10240x16xf32, #tpu.memory_space<hbm>> -> memref<1x640x16xf32, #tpu.memory_space<hbm>>
      %dma_wait3A_105 = tpu.memref_squeeze %dma_wait3A_104 : memref<1x640x16xf32, #tpu.memory_space<hbm>> -> memref<640x16xf32, #tpu.memory_space<hbm>>
      tpu.wait_dma2 semaphore(%run_scoped3A_94 : memref<!tpu.dma_semaphore, #tpu.memory_space<semaphore_mem>>) src(%dma_wait3A_105 : memref<640x16xf32, #tpu.memory_space<hbm>>) dst(%arg15 : memref<640x16xf32, #tpu.memory_space<vmem>>)
      tpu.yield
    }) : () -> ()
    %run_scoped3A_9 = arith.constant 1 : i32
    "tpu.region"() ({
      %run_scoped3A_94 = tpu.sem_alloc : memref<!tpu.dma_semaphore, #tpu.memory_space<semaphore_mem>>
      %dma_start3A_95 = arith.constant 0 : i32
      %dma_start3A_96 = tpu.memref_slice %arg4[%run_scoped3A_9, %mul3A_2, %dma_start3A_95] : memref<2x10240x16xf32, #tpu.memory_space<hbm>> -> memref<1x640x16xf32, #tpu.memory_space<hbm>>
      %dma_start3A_97 = tpu.memref_squeeze %dma_start3A_96 : memref<1x640x16xf32, #tpu.memory_space<hbm>> -> memref<640x16xf32, #tpu.memory_space<hbm>>
      %dma_start3A_98 = arith.constant 0 : i32
      %dma_start3A_99 = tpu.memref_slice %arg4[%run_scoped3A_9, %mul3A_2, %dma_start3A_98] : memref<2x10240x16xf32, #tpu.memory_space<hbm>> -> memref<1x640x16xf32, #tpu.memory_space<hbm>>
      %dma_start3A_100 = tpu.memref_squeeze %dma_start3A_99 : memref<1x640x16xf32, #tpu.memory_space<hbm>> -> memref<640x16xf32, #tpu.memory_space<hbm>>
      tpu.enqueue_dma source(%dma_start3A_100 : memref<640x16xf32, #tpu.memory_space<hbm>>) target(%arg16 : memref<640x16xf32, #tpu.memory_space<vmem>>) target_semaphore(%run_scoped3A_94 : memref<!tpu.dma_semaphore, #tpu.memory_space<semaphore_mem>>)
      %dma_wait3A = arith.constant 0 : i32
      %dma_wait3A_101 = tpu.memref_slice %arg4[%run_scoped3A_9, %mul3A_2, %dma_wait3A] : memref<2x10240x16xf32, #tpu.memory_space<hbm>> -> memref<1x640x16xf32, #tpu.memory_space<hbm>>
      %dma_wait3A_102 = tpu.memref_squeeze %dma_wait3A_101 : memref<1x640x16xf32, #tpu.memory_space<hbm>> -> memref<640x16xf32, #tpu.memory_space<hbm>>
      %dma_wait3A_103 = arith.constant 0 : i32
      %dma_wait3A_104 = tpu.memref_slice %arg4[%run_scoped3A_9, %mul3A_2, %dma_wait3A_103] : memref<2x10240x16xf32, #tpu.memory_space<hbm>> -> memref<1x640x16xf32, #tpu.memory_space<hbm>>
      %dma_wait3A_105 = tpu.memref_squeeze %dma_wait3A_104 : memref<1x640x16xf32, #tpu.memory_space<hbm>> -> memref<640x16xf32, #tpu.memory_space<hbm>>
      tpu.wait_dma2 semaphore(%run_scoped3A_94 : memref<!tpu.dma_semaphore, #tpu.memory_space<semaphore_mem>>) src(%dma_wait3A_105 : memref<640x16xf32, #tpu.memory_space<hbm>>) dst(%arg16 : memref<640x16xf32, #tpu.memory_space<vmem>>)
      tpu.yield
    }) : () -> ()
    "tpu.region"() ({
      %run_scoped3A_94 = tpu.sem_alloc : memref<!tpu.dma_semaphore, #tpu.memory_space<semaphore_mem>>
      %dma_start3A_95 = arith.constant 0 : i32
      %dma_start3A_96 = tpu.memref_slice %arg5[%arg0, %mul3A_2, %dma_start3A_95] : memref<2x10240x16xf32, #tpu.memory_space<hbm>> -> memref<1x640x16xf32, #tpu.memory_space<hbm>>
      %dma_start3A_97 = tpu.memref_squeeze %dma_start3A_96 : memref<1x640x16xf32, #tpu.memory_space<hbm>> -> memref<640x16xf32, #tpu.memory_space<hbm>>
      %dma_start3A_98 = arith.constant 0 : i32
      %dma_start3A_99 = tpu.memref_slice %arg5[%arg0, %mul3A_2, %dma_start3A_98] : memref<2x10240x16xf32, #tpu.memory_space<hbm>> -> memref<1x640x16xf32, #tpu.memory_space<hbm>>
      %dma_start3A_100 = tpu.memref_squeeze %dma_start3A_99 : memref<1x640x16xf32, #tpu.memory_space<hbm>> -> memref<640x16xf32, #tpu.memory_space<hbm>>
      tpu.enqueue_dma source(%dma_start3A_100 : memref<640x16xf32, #tpu.memory_space<hbm>>) target(%arg14 : memref<640x16xf32, #tpu.memory_space<vmem>>) target_semaphore(%run_scoped3A_94 : memref<!tpu.dma_semaphore, #tpu.memory_space<semaphore_mem>>)
      %dma_wait3A = arith.constant 0 : i32
      %dma_wait3A_101 = tpu.memref_slice %arg5[%arg0, %mul3A_2, %dma_wait3A] : memref<2x10240x16xf32, #tpu.memory_space<hbm>> -> memref<1x640x16xf32, #tpu.memory_space<hbm>>
      %dma_wait3A_102 = tpu.memref_squeeze %dma_wait3A_101 : memref<1x640x16xf32, #tpu.memory_space<hbm>> -> memref<640x16xf32, #tpu.memory_space<hbm>>
      %dma_wait3A_103 = arith.constant 0 : i32
      %dma_wait3A_104 = tpu.memref_slice %arg5[%arg0, %mul3A_2, %dma_wait3A_103] : memref<2x10240x16xf32, #tpu.memory_space<hbm>> -> memref<1x640x16xf32, #tpu.memory_space<hbm>>
      %dma_wait3A_105 = tpu.memref_squeeze %dma_wait3A_104 : memref<1x640x16xf32, #tpu.memory_space<hbm>> -> memref<640x16xf32, #tpu.memory_space<hbm>>
      tpu.wait_dma2 semaphore(%run_scoped3A_94 : memref<!tpu.dma_semaphore, #tpu.memory_space<semaphore_mem>>) src(%dma_wait3A_105 : memref<640x16xf32, #tpu.memory_space<hbm>>) dst(%arg14 : memref<640x16xf32, #tpu.memory_space<vmem>>)
      tpu.yield
    }) : () -> ()
    "tpu.region"() ({
      %run_scoped3A_94 = tpu.sem_alloc : memref<!tpu.dma_semaphore, #tpu.memory_space<semaphore_mem>>
      %dma_start3A_95 = tpu.memref_slice %arg6[%mul3A_2] : memref<10240xf32, #tpu.memory_space<hbm>> -> memref<640xf32, #tpu.memory_space<hbm>>
      %dma_start3A_96 = tpu.memref_slice %arg6[%mul3A_2] : memref<10240xf32, #tpu.memory_space<hbm>> -> memref<640xf32, #tpu.memory_space<hbm>>
      tpu.enqueue_dma source(%dma_start3A_96 : memref<640xf32, #tpu.memory_space<hbm>>) target(%arg17 : memref<640xf32, #tpu.memory_space<vmem>>) target_semaphore(%run_scoped3A_94 : memref<!tpu.dma_semaphore, #tpu.memory_space<semaphore_mem>>)
      %dma_wait3A = tpu.memref_slice %arg6[%mul3A_2] : memref<10240xf32, #tpu.memory_space<hbm>> -> memref<640xf32, #tpu.memory_space<hbm>>
      %dma_wait3A_97 = tpu.memref_slice %arg6[%mul3A_2] : memref<10240xf32, #tpu.memory_space<hbm>> -> memref<640xf32, #tpu.memory_space<hbm>>
      tpu.wait_dma2 semaphore(%run_scoped3A_94 : memref<!tpu.dma_semaphore, #tpu.memory_space<semaphore_mem>>) src(%dma_wait3A_97 : memref<640xf32, #tpu.memory_space<hbm>>) dst(%arg17 : memref<640xf32, #tpu.memory_space<vmem>>)
      tpu.yield
    }) : () -> ()
    "tpu.region"() ({
      %run_scoped3A_94 = tpu.sem_alloc : memref<!tpu.dma_semaphore, #tpu.memory_space<semaphore_mem>>
      tpu.enqueue_dma source(%arg7 : memref<16xf32, #tpu.memory_space<hbm>>) target(%arg18 : memref<16xf32, #tpu.memory_space<vmem>>) target_semaphore(%run_scoped3A_94 : memref<!tpu.dma_semaphore, #tpu.memory_space<semaphore_mem>>)
      tpu.wait_dma2 semaphore(%run_scoped3A_94 : memref<!tpu.dma_semaphore, #tpu.memory_space<semaphore_mem>>) src(%arg7 : memref<16xf32, #tpu.memory_space<hbm>>) dst(%arg18 : memref<16xf32, #tpu.memory_space<vmem>>)
      tpu.yield
    }) : () -> ()
    %get3A = arith.constant 0 : index
    %get3A_10 = tpu.vector_load %arg18[%get3A] {strides = array<i32>} : memref<16xf32, #tpu.memory_space<vmem>>, vector<16xf32>,
    %scan3A = arith.constant 0 : i32
    %scan3A_11 = arith.constant 0 : i32
    %scan3A_12 = arith.constant 640 : i32
    %scan3A_13 = arith.addi %scan3A_11, %scan3A_12 : i32
    %scan3A_14 = arith.constant 1 : i32
    %scan3A_15 = scf.for %scan3A_94 = %scan3A_11 to %scan3A_13 step %scan3A_14 iter_args(%scan3A_95 = %scan3A) -> (i32)  : i32 {
      %broadcast_in_dim3A = arith.constant 0 : i32
      %broadcast_in_dim3A_96 = vector.broadcast %broadcast_in_dim3A : i32 to vector<16xi32>
      %add3A_97 = vector.broadcast %scan3A_94 : i32 to vector<16xi32>
      %add3A_98 = arith.addi %broadcast_in_dim3A_96, %add3A_97 : vector<16xi32>
      %gather3A = tpu.vector_load_idx %arg17[%add3A_98] : memref<640xf32, #tpu.memory_space<vmem>>[vector<16xi32>], vector<16xf32>,
      %get3A_99 = arith.index_cast %scan3A_94 : i32 to index
      %get3A_100 = arith.constant 0 : index
      %get3A_101 = tpu.vector_load %arg15[%get3A_99, %get3A_100] {strides = array<i32>} : memref<640x16xf32, #tpu.memory_space<vmem>>, vector<16xf32>,
      %get3A_102 = arith.index_cast %scan3A_94 : i32 to index
      %get3A_103 = arith.constant 0 : index
      %get3A_104 = tpu.vector_load %arg16[%get3A_102, %get3A_103] {strides = array<i32>} : memref<640x16xf32, #tpu.memory_space<vmem>>, vector<16xf32>,
      %add3A_105 = arith.addf %get3A_101, %get3A_104 : vector<16xf32>
      %get3A_106 = arith.index_cast %scan3A_94 : i32 to index
      %get3A_107 = arith.constant 0 : index
      %get3A_108 = tpu.vector_load %arg14[%get3A_106, %get3A_107] {strides = array<i32>} : memref<640x16xf32, #tpu.memory_space<vmem>>, vector<16xf32>,
      %add3A_109 = arith.addf %add3A_105, %get3A_108 : vector<16xf32>
      %mul3A_110 = arith.mulf %add3A_109, %gather3A : vector<16xf32>
      %add3A_111 = arith.addf %mul3A_110, %get3A_10 : vector<16xf32>
      %max3A = arith.constant 0.000000e+00 : f32
      %max3A_112 = vector.broadcast %max3A : f32 to vector<16xf32>
      %max3A_113 = arith.maximumf %add3A_111, %max3A_112 : vector<16xf32>
      %mul3A_114 = arith.mulf %max3A_113, %gather3A : vector<16xf32>
      %swap3A = arith.index_cast %scan3A_94 : i32 to index
      %swap3A_115 = arith.constant 0 : index
      %swap3A_116 = tpu.vector_load %arg14[%swap3A, %swap3A_115] {strides = array<i32>} : memref<640x16xf32, #tpu.memory_space<vmem>>, vector<16xf32>,
      tpu.vector_store %arg14[%swap3A, %swap3A_115], %mul3A_114 {strides = array<i32>} : memref<640x16xf32, #tpu.memory_space<vmem>>, vector<16xf32>,
      %scan3A_117 = arith.constant 0 : i32
      scf.yield %scan3A_117 : i32
    }
    %scan3A_16 = arith.constant 640 : i32
    "tpu.region"() ({
      %run_scoped3A_94 = tpu.sem_alloc : memref<!tpu.dma_semaphore, #tpu.memory_space<semaphore_mem>>
      %dma_start3A_95 = arith.constant 0 : i32
      %dma_start3A_96 = tpu.memref_slice %arg10[%arg0, %mul3A_2, %dma_start3A_95] : memref<2x10240x16xf32, #tpu.memory_space<hbm>> -> memref<1x640x16xf32, #tpu.memory_space<hbm>>
      %dma_start3A_97 = tpu.memref_squeeze %dma_start3A_96 : memref<1x640x16xf32, #tpu.memory_space<hbm>> -> memref<640x16xf32, #tpu.memory_space<hbm>>
      %dma_start3A_98 = arith.constant 0 : i32
      %dma_start3A_99 = tpu.memref_slice %arg10[%arg0, %mul3A_2, %dma_start3A_98] : memref<2x10240x16xf32, #tpu.memory_space<hbm>> -> memref<1x640x16xf32, #tpu.memory_space<hbm>>
      %dma_start3A_100 = tpu.memref_squeeze %dma_start3A_99 : memref<1x640x16xf32, #tpu.memory_space<hbm>> -> memref<640x16xf32, #tpu.memory_space<hbm>>
      tpu.enqueue_dma source(%arg14 : memref<640x16xf32, #tpu.memory_space<vmem>>) target(%dma_start3A_100 : memref<640x16xf32, #tpu.memory_space<hbm>>) target_semaphore(%run_scoped3A_94 : memref<!tpu.dma_semaphore, #tpu.memory_space<semaphore_mem>>)
      %dma_wait3A = arith.constant 0 : i32
      %dma_wait3A_101 = tpu.memref_slice %arg10[%arg0, %mul3A_2, %dma_wait3A] : memref<2x10240x16xf32, #tpu.memory_space<hbm>> -> memref<1x640x16xf32, #tpu.memory_space<hbm>>
      %dma_wait3A_102 = tpu.memref_squeeze %dma_wait3A_101 : memref<1x640x16xf32, #tpu.memory_space<hbm>> -> memref<640x16xf32, #tpu.memory_space<hbm>>
      %dma_wait3A_103 = arith.constant 0 : i32
      %dma_wait3A_104 = tpu.memref_slice %arg10[%arg0, %mul3A_2, %dma_wait3A_103] : memref<2x10240x16xf32, #tpu.memory_space<hbm>> -> memref<1x640x16xf32, #tpu.memory_space<hbm>>
      %dma_wait3A_105 = tpu.memref_squeeze %dma_wait3A_104 : memref<1x640x16xf32, #tpu.memory_space<hbm>> -> memref<640x16xf32, #tpu.memory_space<hbm>>
      tpu.wait_dma2 semaphore(%run_scoped3A_94 : memref<!tpu.dma_semaphore, #tpu.memory_space<semaphore_mem>>) src(%arg14 : memref<640x16xf32, #tpu.memory_space<vmem>>) dst(%dma_wait3A_105 : memref<640x16xf32, #tpu.memory_space<hbm>>)
      tpu.yield
    }) : () -> ()
    %barrier3A = arith.constant 0 : index
    tpu.barrier barrier_id(%barrier3A)
    %dma_start3A = arith.constant 0 : i32
    %dma_start3A_17 = arith.constant 0 : i32
    %dma_start3A_18 = arith.constant 0 : i32
    %dma_start3A_19 = tpu.memref_slice %arg13[%dma_start3A, %dma_start3A_17, %dma_start3A_18] : memref<5x80x16xf32, #tpu.memory_space<vmem>> -> memref<1x80x16xf32, #tpu.memory_space<vmem>>
    %dma_start3A_20 = tpu.memref_squeeze %dma_start3A_19 : memref<1x80x16xf32, #tpu.memory_space<vmem>> -> memref<80x16xf32, #tpu.memory_space<vmem>>
    %dma_start3A_21 = arith.constant 0 : i32
    %dma_start3A_22 = tpu.memref_slice %arg11[%dma_start3A_21] : memref<10000xi32, #tpu.memory_space<vmem>> -> memref<80xi32, #tpu.memory_space<vmem>>
    %dma_start3A_23 = arith.constant 0 : i32
    %dma_start3A_24 = arith.constant 0 : i32
    %dma_start3A_25 = tpu.memref_slice %arg10[%arg0, %dma_start3A_23, %dma_start3A_24] : memref<2x10240x16xf32, #tpu.memory_space<hbm>> -> memref<1x10240x16xf32, #tpu.memory_space<hbm>>
    %dma_start3A_26 = tpu.memref_squeeze %dma_start3A_25 : memref<1x10240x16xf32, #tpu.memory_space<hbm>> -> memref<10240x16xf32, #tpu.memory_space<hbm>>
    %dma_start3A_27 = arith.constant 0 : i32
    %dma_start3A_28 = arith.constant 0 : i32
    %dma_start3A_29 = tpu.memref_slice %dma_start3A_26[%dma_start3A_27, %dma_start3A_28] : memref<10240x16xf32, #tpu.memory_space<hbm>> -> memref<10240x16xf32, #tpu.memory_space<hbm>>
    tpu.enqueue_indirect_dma source(%dma_start3A_29 : memref<10240x16xf32, #tpu.memory_space<hbm>>) target(%dma_start3A_20 : memref<80x16xf32, #tpu.memory_space<vmem>>) offsets(%dma_start3A_22 : memref<80xi32, #tpu.memory_space<vmem>>) semaphore(%arg20 : memref<!tpu.dma_semaphore, #tpu.memory_space<semaphore_mem>>)
    %dma_start3A_30 = arith.constant 1 : i32
    %dma_start3A_31 = arith.constant 0 : i32
    %dma_start3A_32 = arith.constant 0 : i32
    %dma_start3A_33 = tpu.memref_slice %arg13[%dma_start3A_30, %dma_start3A_31, %dma_start3A_32] : memref<5x80x16xf32, #tpu.memory_space<vmem>> -> memref<1x80x16xf32, #tpu.memory_space<vmem>>
    %dma_start3A_34 = tpu.memref_squeeze %dma_start3A_33 : memref<1x80x16xf32, #tpu.memory_space<vmem>> -> memref<80x16xf32, #tpu.memory_space<vmem>>
    %dma_start3A_35 = arith.constant 80 : i32
    %dma_start3A_36 = tpu.memref_slice %arg11[%dma_start3A_35] : memref<10000xi32, #tpu.memory_space<vmem>> -> memref<80xi32, #tpu.memory_space<vmem>>
    %dma_start3A_37 = arith.constant 0 : i32
    %dma_start3A_38 = arith.constant 0 : i32
    %dma_start3A_39 = tpu.memref_slice %arg10[%arg0, %dma_start3A_37, %dma_start3A_38] : memref<2x10240x16xf32, #tpu.memory_space<hbm>> -> memref<1x10240x16xf32, #tpu.memory_space<hbm>>
    %dma_start3A_40 = tpu.memref_squeeze %dma_start3A_39 : memref<1x10240x16xf32, #tpu.memory_space<hbm>> -> memref<10240x16xf32, #tpu.memory_space<hbm>>
    %dma_start3A_41 = arith.constant 0 : i32
    %dma_start3A_42 = arith.constant 0 : i32
    %dma_start3A_43 = tpu.memref_slice %dma_start3A_40[%dma_start3A_41, %dma_start3A_42] : memref<10240x16xf32, #tpu.memory_space<hbm>> -> memref<10240x16xf32, #tpu.memory_space<hbm>>
    tpu.enqueue_indirect_dma source(%dma_start3A_43 : memref<10240x16xf32, #tpu.memory_space<hbm>>) target(%dma_start3A_34 : memref<80x16xf32, #tpu.memory_space<vmem>>) offsets(%dma_start3A_36 : memref<80xi32, #tpu.memory_space<vmem>>) semaphore(%arg21 : memref<!tpu.dma_semaphore, #tpu.memory_space<semaphore_mem>>)
    %dma_start3A_44 = arith.constant 2 : i32
    %dma_start3A_45 = arith.constant 0 : i32
    %dma_start3A_46 = arith.constant 0 : i32
    %dma_start3A_47 = tpu.memref_slice %arg13[%dma_start3A_44, %dma_start3A_45, %dma_start3A_46] : memref<5x80x16xf32, #tpu.memory_space<vmem>> -> memref<1x80x16xf32, #tpu.memory_space<vmem>>
    %dma_start3A_48 = tpu.memref_squeeze %dma_start3A_47 : memref<1x80x16xf32, #tpu.memory_space<vmem>> -> memref<80x16xf32, #tpu.memory_space<vmem>>
    %dma_start3A_49 = arith.constant 160 : i32
    %dma_start3A_50 = tpu.memref_slice %arg11[%dma_start3A_49] : memref<10000xi32, #tpu.memory_space<vmem>> -> memref<80xi32, #tpu.memory_space<vmem>>
    %dma_start3A_51 = arith.constant 0 : i32
    %dma_start3A_52 = arith.constant 0 : i32
    %dma_start3A_53 = tpu.memref_slice %arg10[%arg0, %dma_start3A_51, %dma_start3A_52] : memref<2x10240x16xf32, #tpu.memory_space<hbm>> -> memref<1x10240x16xf32, #tpu.memory_space<hbm>>
    %dma_start3A_54 = tpu.memref_squeeze %dma_start3A_53 : memref<1x10240x16xf32, #tpu.memory_space<hbm>> -> memref<10240x16xf32, #tpu.memory_space<hbm>>
    %dma_start3A_55 = arith.constant 0 : i32
    %dma_start3A_56 = arith.constant 0 : i32
    %dma_start3A_57 = tpu.memref_slice %dma_start3A_54[%dma_start3A_55, %dma_start3A_56] : memref<10240x16xf32, #tpu.memory_space<hbm>> -> memref<10240x16xf32, #tpu.memory_space<hbm>>
    tpu.enqueue_indirect_dma source(%dma_start3A_57 : memref<10240x16xf32, #tpu.memory_space<hbm>>) target(%dma_start3A_48 : memref<80x16xf32, #tpu.memory_space<vmem>>) offsets(%dma_start3A_50 : memref<80xi32, #tpu.memory_space<vmem>>) semaphore(%arg22 : memref<!tpu.dma_semaphore, #tpu.memory_space<semaphore_mem>>)
    %dma_start3A_58 = arith.constant 3 : i32
    %dma_start3A_59 = arith.constant 0 : i32
    %dma_start3A_60 = arith.constant 0 : i32
    %dma_start3A_61 = tpu.memref_slice %arg13[%dma_start3A_58, %dma_start3A_59, %dma_start3A_60] : memref<5x80x16xf32, #tpu.memory_space<vmem>> -> memref<1x80x16xf32, #tpu.memory_space<vmem>>
    %dma_start3A_62 = tpu.memref_squeeze %dma_start3A_61 : memref<1x80x16xf32, #tpu.memory_space<vmem>> -> memref<80x16xf32, #tpu.memory_space<vmem>>
    %dma_start3A_63 = arith.constant 240 : i32
    %dma_start3A_64 = tpu.memref_slice %arg11[%dma_start3A_63] : memref<10000xi32, #tpu.memory_space<vmem>> -> memref<80xi32, #tpu.memory_space<vmem>>
    %dma_start3A_65 = arith.constant 0 : i32
    %dma_start3A_66 = arith.constant 0 : i32
    %dma_start3A_67 = tpu.memref_slice %arg10[%arg0, %dma_start3A_65, %dma_start3A_66] : memref<2x10240x16xf32, #tpu.memory_space<hbm>> -> memref<1x10240x16xf32, #tpu.memory_space<hbm>>
    %dma_start3A_68 = tpu.memref_squeeze %dma_start3A_67 : memref<1x10240x16xf32, #tpu.memory_space<hbm>> -> memref<10240x16xf32, #tpu.memory_space<hbm>>
    %dma_start3A_69 = arith.constant 0 : i32
    %dma_start3A_70 = arith.constant 0 : i32
    %dma_start3A_71 = tpu.memref_slice %dma_start3A_68[%dma_start3A_69, %dma_start3A_70] : memref<10240x16xf32, #tpu.memory_space<hbm>> -> memref<10240x16xf32, #tpu.memory_space<hbm>>
    tpu.enqueue_indirect_dma source(%dma_start3A_71 : memref<10240x16xf32, #tpu.memory_space<hbm>>) target(%dma_start3A_62 : memref<80x16xf32, #tpu.memory_space<vmem>>) offsets(%dma_start3A_64 : memref<80xi32, #tpu.memory_space<vmem>>) semaphore(%arg23 : memref<!tpu.dma_semaphore, #tpu.memory_space<semaphore_mem>>)
    %dma_start3A_72 = arith.constant 4 : i32
    %dma_start3A_73 = arith.constant 0 : i32
    %dma_start3A_74 = arith.constant 0 : i32
    %dma_start3A_75 = tpu.memref_slice %arg13[%dma_start3A_72, %dma_start3A_73, %dma_start3A_74] : memref<5x80x16xf32, #tpu.memory_space<vmem>> -> memref<1x80x16xf32, #tpu.memory_space<vmem>>
    %dma_start3A_76 = tpu.memref_squeeze %dma_start3A_75 : memref<1x80x16xf32, #tpu.memory_space<vmem>> -> memref<80x16xf32, #tpu.memory_space<vmem>>
    %dma_start3A_77 = arith.constant 320 : i32
    %dma_start3A_78 = tpu.memref_slice %arg11[%dma_start3A_77] : memref<10000xi32, #tpu.memory_space<vmem>> -> memref<80xi32, #tpu.memory_space<vmem>>
    %dma_start3A_79 = arith.constant 0 : i32
    %dma_start3A_80 = arith.constant 0 : i32
    %dma_start3A_81 = tpu.memref_slice %arg10[%arg0, %dma_start3A_79, %dma_start3A_80] : memref<2x10240x16xf32, #tpu.memory_space<hbm>> -> memref<1x10240x16xf32, #tpu.memory_space<hbm>>
    %dma_start3A_82 = tpu.memref_squeeze %dma_start3A_81 : memref<1x10240x16xf32, #tpu.memory_space<hbm>> -> memref<10240x16xf32, #tpu.memory_space<hbm>>
    %dma_start3A_83 = arith.constant 0 : i32
    %dma_start3A_84 = arith.constant 0 : i32
    %dma_start3A_85 = tpu.memref_slice %dma_start3A_82[%dma_start3A_83, %dma_start3A_84] : memref<10240x16xf32, #tpu.memory_space<hbm>> -> memref<10240x16xf32, #tpu.memory_space<hbm>>
    tpu.enqueue_indirect_dma source(%dma_start3A_85 : memref<10240x16xf32, #tpu.memory_space<hbm>>) target(%dma_start3A_76 : memref<80x16xf32, #tpu.memory_space<vmem>>) offsets(%dma_start3A_78 : memref<80xi32, #tpu.memory_space<vmem>>) semaphore(%arg24 : memref<!tpu.dma_semaphore, #tpu.memory_space<semaphore_mem>>)
    %scan3A_86 = arith.constant 0 : i32
    %scan3A_87 = arith.constant 0 : i32
    %scan3A_88 = arith.constant 25 : i32
    %scan3A_89 = arith.addi %scan3A_87, %scan3A_88 : i32
    %scan3A_90 = arith.constant 1 : i32
    %scan3A_91 = scf.for %scan3A_94 = %scan3A_87 to %scan3A_89 step %scan3A_90 iter_args(%scan3A_95 = %scan3A_86) -> (i32)  : i32 {
      %mul3A_96 = arith.constant 5 : i32
      %mul3A_97 = arith.muli %scan3A_94, %mul3A_96 : i32
      %add3A_98 = arith.constant 0 : i32
      %add3A_99 = arith.addi %mul3A_97, %add3A_98 : i32
      %mul3A_100 = arith.constant 80 : i32
      %mul3A_101 = arith.muli %add3A_99, %mul3A_100 : i32
      %dma_wait3A = arith.constant 0 : i32
      %dma_wait3A_102 = arith.constant 0 : i32
      %dma_wait3A_103 = arith.constant 0 : i32
      %dma_wait3A_104 = tpu.memref_slice %arg13[%dma_wait3A, %dma_wait3A_102, %dma_wait3A_103] : memref<5x80x16xf32, #tpu.memory_space<vmem>> -> memref<1x80x16xf32, #tpu.memory_space<vmem>>
      %dma_wait3A_105 = tpu.memref_squeeze %dma_wait3A_104 : memref<1x80x16xf32, #tpu.memory_space<vmem>> -> memref<80x16xf32, #tpu.memory_space<vmem>>
      %dma_wait3A_106 = tpu.memref_slice %arg11[%mul3A_101] : memref<10000xi32, #tpu.memory_space<vmem>> -> memref<80xi32, #tpu.memory_space<vmem>>
      %dma_wait3A_107 = arith.constant 0 : i32
      %dma_wait3A_108 = arith.constant 0 : i32
      %dma_wait3A_109 = tpu.memref_slice %arg10[%arg0, %dma_wait3A_107, %dma_wait3A_108] : memref<2x10240x16xf32, #tpu.memory_space<hbm>> -> memref<1x10240x16xf32, #tpu.memory_space<hbm>>
      %dma_wait3A_110 = tpu.memref_squeeze %dma_wait3A_109 : memref<1x10240x16xf32, #tpu.memory_space<hbm>> -> memref<10240x16xf32, #tpu.memory_space<hbm>>
      %dma_wait3A_111 = arith.constant 0 : i32
      %dma_wait3A_112 = arith.constant 0 : i32
      %dma_wait3A_113 = tpu.memref_slice %dma_wait3A_110[%dma_wait3A_111, %dma_wait3A_112] : memref<10240x16xf32, #tpu.memory_space<hbm>> -> memref<10240x16xf32, #tpu.memory_space<hbm>>
      tpu.wait_indirect_dma semaphore(%arg20 : memref<!tpu.dma_semaphore, #tpu.memory_space<semaphore_mem>>) src(%dma_wait3A_113 : memref<10240x16xf32, #tpu.memory_space<hbm>>) dst(%dma_wait3A_105 : memref<80x16xf32, #tpu.memory_space<vmem>>)
      %run_scoped3A_114 = arith.constant 0 : i32
      "tpu.region"() ({
        %run_scoped3A_230 = tpu.sem_alloc : memref<!tpu.dma_semaphore, #tpu.memory_space<semaphore_mem>>
        %dma_start3A_231 = arith.constant 0 : i32
        %dma_start3A_232 = arith.constant 0 : i32
        %dma_start3A_233 = tpu.memref_slice %arg13[%run_scoped3A_114, %dma_start3A_231, %dma_start3A_232] : memref<5x80x16xf32, #tpu.memory_space<vmem>> -> memref<1x80x16xf32, #tpu.memory_space<vmem>>
        %dma_start3A_234 = tpu.memref_squeeze %dma_start3A_233 : memref<1x80x16xf32, #tpu.memory_space<vmem>> -> memref<80x16xf32, #tpu.memory_space<vmem>>
        %dma_start3A_235 = arith.constant 0 : i32
        %dma_start3A_236 = tpu.memref_slice %arg12[%add3A_99, %dma_start3A_235] : memref<125x80xi32, #tpu.memory_space<vmem>> -> memref<1x80xi32, #tpu.memory_space<vmem>>
        %dma_start3A_237 = tpu.memref_squeeze %dma_start3A_236 : memref<1x80xi32, #tpu.memory_space<vmem>> -> memref<80xi32, #tpu.memory_space<vmem>>
        %dma_start3A_238 = arith.constant 0 : i32
        %dma_start3A_239 = arith.constant 0 : i32
        %dma_start3A_240 = tpu.memref_slice %arg19[%dma_start3A_238, %dma_start3A_239] : memref<10240x16xf32, #tpu.memory_space<vmem_shared>> -> memref<10240x16xf32, #tpu.memory_space<vmem_shared>>
        tpu.enqueue_indirect_dma source(%dma_start3A_234 : memref<80x16xf32, #tpu.memory_space<vmem>>) target(%dma_start3A_240 : memref<10240x16xf32, #tpu.memory_space<vmem_shared>>) offsets(%dma_start3A_237 : memref<80xi32, #tpu.memory_space<vmem>>) semaphore(%run_scoped3A_230 : memref<!tpu.dma_semaphore, #tpu.memory_space<semaphore_mem>>) {add = true}
        %dma_wait3A_241 = arith.constant 0 : i32
        %dma_wait3A_242 = arith.constant 0 : i32
        %dma_wait3A_243 = tpu.memref_slice %arg13[%run_scoped3A_114, %dma_wait3A_241, %dma_wait3A_242] : memref<5x80x16xf32, #tpu.memory_space<vmem>> -> memref<1x80x16xf32, #tpu.memory_space<vmem>>
        %dma_wait3A_244 = tpu.memref_squeeze %dma_wait3A_243 : memref<1x80x16xf32, #tpu.memory_space<vmem>> -> memref<80x16xf32, #tpu.memory_space<vmem>>
        %dma_wait3A_245 = arith.constant 0 : i32
        %dma_wait3A_246 = tpu.memref_slice %arg12[%add3A_99, %dma_wait3A_245] : memref<125x80xi32, #tpu.memory_space<vmem>> -> memref<1x80xi32, #tpu.memory_space<vmem>>
        %dma_wait3A_247 = tpu.memref_squeeze %dma_wait3A_246 : memref<1x80xi32, #tpu.memory_space<vmem>> -> memref<80xi32, #tpu.memory_space<vmem>>
        %dma_wait3A_248 = arith.constant 0 : i32
        %dma_wait3A_249 = arith.constant 0 : i32
        %dma_wait3A_250 = tpu.memref_slice %arg19[%dma_wait3A_248, %dma_wait3A_249] : memref<10240x16xf32, #tpu.memory_space<vmem_shared>> -> memref<10240x16xf32, #tpu.memory_space<vmem_shared>>
        tpu.wait_indirect_dma semaphore(%run_scoped3A_230 : memref<!tpu.dma_semaphore, #tpu.memory_space<semaphore_mem>>) src(%dma_wait3A_244 : memref<80x16xf32, #tpu.memory_space<vmem>>) dst(%dma_wait3A_250 : memref<10240x16xf32, #tpu.memory_space<vmem_shared>>)
        tpu.yield
      }) : () -> ()
      %add3A_115 = arith.constant 5 : i32
      %add3A_116 = arith.addi %add3A_99, %add3A_115 : i32
      %lt3A = arith.constant 125 : i32
      %lt3A_117 = arith.cmpi slt, %add3A_116, %lt3A : i32
      %convert_element_type3A_118 = arith.extui %lt3A_117 : i1 to i32
      %cond3A_119 = arith.constant 0 : i32
      %cond3A_120 = arith.cmpi ne, %convert_element_type3A_118, %cond3A_119 : i32
      scf.if %cond3A_120 {
        %mul3A_230 = arith.constant 80 : i32
        %mul3A_231 = arith.muli %add3A_116, %mul3A_230 : i32
        %dma_start3A_232 = arith.constant 0 : i32
        %dma_start3A_233 = arith.constant 0 : i32
        %dma_start3A_234 = arith.constant 0 : i32
        %dma_start3A_235 = tpu.memref_slice %arg13[%dma_start3A_232, %dma_start3A_233, %dma_start3A_234] : memref<5x80x16xf32, #tpu.memory_space<vmem>> -> memref<1x80x16xf32, #tpu.memory_space<vmem>>
        %dma_start3A_236 = tpu.memref_squeeze %dma_start3A_235 : memref<1x80x16xf32, #tpu.memory_space<vmem>> -> memref<80x16xf32, #tpu.memory_space<vmem>>
        %dma_start3A_237 = tpu.memref_slice %arg11[%mul3A_231] : memref<10000xi32, #tpu.memory_space<vmem>> -> memref<80xi32, #tpu.memory_space<vmem>>
        %dma_start3A_238 = arith.constant 0 : i32
        %dma_start3A_239 = arith.constant 0 : i32
        %dma_start3A_240 = tpu.memref_slice %arg10[%arg0, %dma_start3A_238, %dma_start3A_239] : memref<2x10240x16xf32, #tpu.memory_space<hbm>> -> memref<1x10240x16xf32, #tpu.memory_space<hbm>>
        %dma_start3A_241 = tpu.memref_squeeze %dma_start3A_240 : memref<1x10240x16xf32, #tpu.memory_space<hbm>> -> memref<10240x16xf32, #tpu.memory_space<hbm>>
        %dma_start3A_242 = arith.constant 0 : i32
        %dma_start3A_243 = arith.constant 0 : i32
        %dma_start3A_244 = tpu.memref_slice %dma_start3A_241[%dma_start3A_242, %dma_start3A_243] : memref<10240x16xf32, #tpu.memory_space<hbm>> -> memref<10240x16xf32, #tpu.memory_space<hbm>>
        tpu.enqueue_indirect_dma source(%dma_start3A_244 : memref<10240x16xf32, #tpu.memory_space<hbm>>) target(%dma_start3A_236 : memref<80x16xf32, #tpu.memory_space<vmem>>) offsets(%dma_start3A_237 : memref<80xi32, #tpu.memory_space<vmem>>) semaphore(%arg20 : memref<!tpu.dma_semaphore, #tpu.memory_space<semaphore_mem>>)
      } else {
      }
      %mul3A_121 = arith.constant 5 : i32
      %mul3A_122 = arith.muli %scan3A_94, %mul3A_121 : i32
      %add3A_123 = arith.constant 1 : i32
      %add3A_124 = arith.addi %mul3A_122, %add3A_123 : i32
      %mul3A_125 = arith.constant 80 : i32
      %mul3A_126 = arith.muli %add3A_124, %mul3A_125 : i32
      %dma_wait3A_127 = arith.constant 1 : i32
      %dma_wait3A_128 = arith.constant 0 : i32
      %dma_wait3A_129 = arith.constant 0 : i32
      %dma_wait3A_130 = tpu.memref_slice %arg13[%dma_wait3A_127, %dma_wait3A_128, %dma_wait3A_129] : memref<5x80x16xf32, #tpu.memory_space<vmem>> -> memref<1x80x16xf32, #tpu.memory_space<vmem>>
      %dma_wait3A_131 = tpu.memref_squeeze %dma_wait3A_130 : memref<1x80x16xf32, #tpu.memory_space<vmem>> -> memref<80x16xf32, #tpu.memory_space<vmem>>
      %dma_wait3A_132 = tpu.memref_slice %arg11[%mul3A_126] : memref<10000xi32, #tpu.memory_space<vmem>> -> memref<80xi32, #tpu.memory_space<vmem>>
      %dma_wait3A_133 = arith.constant 0 : i32
      %dma_wait3A_134 = arith.constant 0 : i32
      %dma_wait3A_135 = tpu.memref_slice %arg10[%arg0, %dma_wait3A_133, %dma_wait3A_134] : memref<2x10240x16xf32, #tpu.memory_space<hbm>> -> memref<1x10240x16xf32, #tpu.memory_space<hbm>>
      %dma_wait3A_136 = tpu.memref_squeeze %dma_wait3A_135 : memref<1x10240x16xf32, #tpu.memory_space<hbm>> -> memref<10240x16xf32, #tpu.memory_space<hbm>>
      %dma_wait3A_137 = arith.constant 0 : i32
      %dma_wait3A_138 = arith.constant 0 : i32
      %dma_wait3A_139 = tpu.memref_slice %dma_wait3A_136[%dma_wait3A_137, %dma_wait3A_138] : memref<10240x16xf32, #tpu.memory_space<hbm>> -> memref<10240x16xf32, #tpu.memory_space<hbm>>
      tpu.wait_indirect_dma semaphore(%arg21 : memref<!tpu.dma_semaphore, #tpu.memory_space<semaphore_mem>>) src(%dma_wait3A_139 : memref<10240x16xf32, #tpu.memory_space<hbm>>) dst(%dma_wait3A_131 : memref<80x16xf32, #tpu.memory_space<vmem>>)
      %run_scoped3A_140 = arith.constant 1 : i32
      "tpu.region"() ({
        %run_scoped3A_230 = tpu.sem_alloc : memref<!tpu.dma_semaphore, #tpu.memory_space<semaphore_mem>>
        %dma_start3A_231 = arith.constant 0 : i32
        %dma_start3A_232 = arith.constant 0 : i32
        %dma_start3A_233 = tpu.memref_slice %arg13[%run_scoped3A_140, %dma_start3A_231, %dma_start3A_232] : memref<5x80x16xf32, #tpu.memory_space<vmem>> -> memref<1x80x16xf32, #tpu.memory_space<vmem>>
        %dma_start3A_234 = tpu.memref_squeeze %dma_start3A_233 : memref<1x80x16xf32, #tpu.memory_space<vmem>> -> memref<80x16xf32, #tpu.memory_space<vmem>>
        %dma_start3A_235 = arith.constant 0 : i32
        %dma_start3A_236 = tpu.memref_slice %arg12[%add3A_124, %dma_start3A_235] : memref<125x80xi32, #tpu.memory_space<vmem>> -> memref<1x80xi32, #tpu.memory_space<vmem>>
        %dma_start3A_237 = tpu.memref_squeeze %dma_start3A_236 : memref<1x80xi32, #tpu.memory_space<vmem>> -> memref<80xi32, #tpu.memory_space<vmem>>
        %dma_start3A_238 = arith.constant 0 : i32
        %dma_start3A_239 = arith.constant 0 : i32
        %dma_start3A_240 = tpu.memref_slice %arg19[%dma_start3A_238, %dma_start3A_239] : memref<10240x16xf32, #tpu.memory_space<vmem_shared>> -> memref<10240x16xf32, #tpu.memory_space<vmem_shared>>
        tpu.enqueue_indirect_dma source(%dma_start3A_234 : memref<80x16xf32, #tpu.memory_space<vmem>>) target(%dma_start3A_240 : memref<10240x16xf32, #tpu.memory_space<vmem_shared>>) offsets(%dma_start3A_237 : memref<80xi32, #tpu.memory_space<vmem>>) semaphore(%run_scoped3A_230 : memref<!tpu.dma_semaphore, #tpu.memory_space<semaphore_mem>>) {add = true}
        %dma_wait3A_241 = arith.constant 0 : i32
        %dma_wait3A_242 = arith.constant 0 : i32
        %dma_wait3A_243 = tpu.memref_slice %arg13[%run_scoped3A_140, %dma_wait3A_241, %dma_wait3A_242] : memref<5x80x16xf32, #tpu.memory_space<vmem>> -> memref<1x80x16xf32, #tpu.memory_space<vmem>>
        %dma_wait3A_244 = tpu.memref_squeeze %dma_wait3A_243 : memref<1x80x16xf32, #tpu.memory_space<vmem>> -> memref<80x16xf32, #tpu.memory_space<vmem>>
        %dma_wait3A_245 = arith.constant 0 : i32
        %dma_wait3A_246 = tpu.memref_slice %arg12[%add3A_124, %dma_wait3A_245] : memref<125x80xi32, #tpu.memory_space<vmem>> -> memref<1x80xi32, #tpu.memory_space<vmem>>
        %dma_wait3A_247 = tpu.memref_squeeze %dma_wait3A_246 : memref<1x80xi32, #tpu.memory_space<vmem>> -> memref<80xi32, #tpu.memory_space<vmem>>
        %dma_wait3A_248 = arith.constant 0 : i32
        %dma_wait3A_249 = arith.constant 0 : i32
        %dma_wait3A_250 = tpu.memref_slice %arg19[%dma_wait3A_248, %dma_wait3A_249] : memref<10240x16xf32, #tpu.memory_space<vmem_shared>> -> memref<10240x16xf32, #tpu.memory_space<vmem_shared>>
        tpu.wait_indirect_dma semaphore(%run_scoped3A_230 : memref<!tpu.dma_semaphore, #tpu.memory_space<semaphore_mem>>) src(%dma_wait3A_244 : memref<80x16xf32, #tpu.memory_space<vmem>>) dst(%dma_wait3A_250 : memref<10240x16xf32, #tpu.memory_space<vmem_shared>>)
        tpu.yield
      }) : () -> ()
      %add3A_141 = arith.constant 5 : i32
      %add3A_142 = arith.addi %add3A_124, %add3A_141 : i32
      %lt3A_143 = arith.constant 125 : i32
      %lt3A_144 = arith.cmpi slt, %add3A_142, %lt3A_143 : i32
      %convert_element_type3A_145 = arith.extui %lt3A_144 : i1 to i32
      %cond3A_146 = arith.constant 0 : i32
      %cond3A_147 = arith.cmpi ne, %convert_element_type3A_145, %cond3A_146 : i32
      scf.if %cond3A_147 {
        %mul3A_230 = arith.constant 80 : i32
        %mul3A_231 = arith.muli %add3A_142, %mul3A_230 : i32
        %dma_start3A_232 = arith.constant 1 : i32
        %dma_start3A_233 = arith.constant 0 : i32
        %dma_start3A_234 = arith.constant 0 : i32
        %dma_start3A_235 = tpu.memref_slice %arg13[%dma_start3A_232, %dma_start3A_233, %dma_start3A_234] : memref<5x80x16xf32, #tpu.memory_space<vmem>> -> memref<1x80x16xf32, #tpu.memory_space<vmem>>
        %dma_start3A_236 = tpu.memref_squeeze %dma_start3A_235 : memref<1x80x16xf32, #tpu.memory_space<vmem>> -> memref<80x16xf32, #tpu.memory_space<vmem>>
        %dma_start3A_237 = tpu.memref_slice %arg11[%mul3A_231] : memref<10000xi32, #tpu.memory_space<vmem>> -> memref<80xi32, #tpu.memory_space<vmem>>
        %dma_start3A_238 = arith.constant 0 : i32
        %dma_start3A_239 = arith.constant 0 : i32
        %dma_start3A_240 = tpu.memref_slice %arg10[%arg0, %dma_start3A_238, %dma_start3A_239] : memref<2x10240x16xf32, #tpu.memory_space<hbm>> -> memref<1x10240x16xf32, #tpu.memory_space<hbm>>
        %dma_start3A_241 = tpu.memref_squeeze %dma_start3A_240 : memref<1x10240x16xf32, #tpu.memory_space<hbm>> -> memref<10240x16xf32, #tpu.memory_space<hbm>>
        %dma_start3A_242 = arith.constant 0 : i32
        %dma_start3A_243 = arith.constant 0 : i32
        %dma_start3A_244 = tpu.memref_slice %dma_start3A_241[%dma_start3A_242, %dma_start3A_243] : memref<10240x16xf32, #tpu.memory_space<hbm>> -> memref<10240x16xf32, #tpu.memory_space<hbm>>
        tpu.enqueue_indirect_dma source(%dma_start3A_244 : memref<10240x16xf32, #tpu.memory_space<hbm>>) target(%dma_start3A_236 : memref<80x16xf32, #tpu.memory_space<vmem>>) offsets(%dma_start3A_237 : memref<80xi32, #tpu.memory_space<vmem>>) semaphore(%arg21 : memref<!tpu.dma_semaphore, #tpu.memory_space<semaphore_mem>>)
      } else {
      }
      %mul3A_148 = arith.constant 5 : i32
      %mul3A_149 = arith.muli %scan3A_94, %mul3A_148 : i32
      %add3A_150 = arith.constant 2 : i32
      %add3A_151 = arith.addi %mul3A_149, %add3A_150 : i32
      %mul3A_152 = arith.constant 80 : i32
      %mul3A_153 = arith.muli %add3A_151, %mul3A_152 : i32
      %dma_wait3A_154 = arith.constant 2 : i32
      %dma_wait3A_155 = arith.constant 0 : i32
      %dma_wait3A_156 = arith.constant 0 : i32
      %dma_wait3A_157 = tpu.memref_slice %arg13[%dma_wait3A_154, %dma_wait3A_155, %dma_wait3A_156] : memref<5x80x16xf32, #tpu.memory_space<vmem>> -> memref<1x80x16xf32, #tpu.memory_space<vmem>>
      %dma_wait3A_158 = tpu.memref_squeeze %dma_wait3A_157 : memref<1x80x16xf32, #tpu.memory_space<vmem>> -> memref<80x16xf32, #tpu.memory_space<vmem>>
      %dma_wait3A_159 = tpu.memref_slice %arg11[%mul3A_153] : memref<10000xi32, #tpu.memory_space<vmem>> -> memref<80xi32, #tpu.memory_space<vmem>>
      %dma_wait3A_160 = arith.constant 0 : i32
      %dma_wait3A_161 = arith.constant 0 : i32
      %dma_wait3A_162 = tpu.memref_slice %arg10[%arg0, %dma_wait3A_160, %dma_wait3A_161] : memref<2x10240x16xf32, #tpu.memory_space<hbm>> -> memref<1x10240x16xf32, #tpu.memory_space<hbm>>
      %dma_wait3A_163 = tpu.memref_squeeze %dma_wait3A_162 : memref<1x10240x16xf32, #tpu.memory_space<hbm>> -> memref<10240x16xf32, #tpu.memory_space<hbm>>
      %dma_wait3A_164 = arith.constant 0 : i32
      %dma_wait3A_165 = arith.constant 0 : i32
      %dma_wait3A_166 = tpu.memref_slice %dma_wait3A_163[%dma_wait3A_164, %dma_wait3A_165] : memref<10240x16xf32, #tpu.memory_space<hbm>> -> memref<10240x16xf32, #tpu.memory_space<hbm>>
      tpu.wait_indirect_dma semaphore(%arg22 : memref<!tpu.dma_semaphore, #tpu.memory_space<semaphore_mem>>) src(%dma_wait3A_166 : memref<10240x16xf32, #tpu.memory_space<hbm>>) dst(%dma_wait3A_158 : memref<80x16xf32, #tpu.memory_space<vmem>>)
      %run_scoped3A_167 = arith.constant 2 : i32
      "tpu.region"() ({
        %run_scoped3A_230 = tpu.sem_alloc : memref<!tpu.dma_semaphore, #tpu.memory_space<semaphore_mem>>
        %dma_start3A_231 = arith.constant 0 : i32
        %dma_start3A_232 = arith.constant 0 : i32
        %dma_start3A_233 = tpu.memref_slice %arg13[%run_scoped3A_167, %dma_start3A_231, %dma_start3A_232] : memref<5x80x16xf32, #tpu.memory_space<vmem>> -> memref<1x80x16xf32, #tpu.memory_space<vmem>>
        %dma_start3A_234 = tpu.memref_squeeze %dma_start3A_233 : memref<1x80x16xf32, #tpu.memory_space<vmem>> -> memref<80x16xf32, #tpu.memory_space<vmem>>
        %dma_start3A_235 = arith.constant 0 : i32
        %dma_start3A_236 = tpu.memref_slice %arg12[%add3A_151, %dma_start3A_235] : memref<125x80xi32, #tpu.memory_space<vmem>> -> memref<1x80xi32, #tpu.memory_space<vmem>>
        %dma_start3A_237 = tpu.memref_squeeze %dma_start3A_236 : memref<1x80xi32, #tpu.memory_space<vmem>> -> memref<80xi32, #tpu.memory_space<vmem>>
        %dma_start3A_238 = arith.constant 0 : i32
        %dma_start3A_239 = arith.constant 0 : i32
        %dma_start3A_240 = tpu.memref_slice %arg19[%dma_start3A_238, %dma_start3A_239] : memref<10240x16xf32, #tpu.memory_space<vmem_shared>> -> memref<10240x16xf32, #tpu.memory_space<vmem_shared>>
        tpu.enqueue_indirect_dma source(%dma_start3A_234 : memref<80x16xf32, #tpu.memory_space<vmem>>) target(%dma_start3A_240 : memref<10240x16xf32, #tpu.memory_space<vmem_shared>>) offsets(%dma_start3A_237 : memref<80xi32, #tpu.memory_space<vmem>>) semaphore(%run_scoped3A_230 : memref<!tpu.dma_semaphore, #tpu.memory_space<semaphore_mem>>) {add = true}
        %dma_wait3A_241 = arith.constant 0 : i32
        %dma_wait3A_242 = arith.constant 0 : i32
        %dma_wait3A_243 = tpu.memref_slice %arg13[%run_scoped3A_167, %dma_wait3A_241, %dma_wait3A_242] : memref<5x80x16xf32, #tpu.memory_space<vmem>> -> memref<1x80x16xf32, #tpu.memory_space<vmem>>
        %dma_wait3A_244 = tpu.memref_squeeze %dma_wait3A_243 : memref<1x80x16xf32, #tpu.memory_space<vmem>> -> memref<80x16xf32, #tpu.memory_space<vmem>>
        %dma_wait3A_245 = arith.constant 0 : i32
        %dma_wait3A_246 = tpu.memref_slice %arg12[%add3A_151, %dma_wait3A_245] : memref<125x80xi32, #tpu.memory_space<vmem>> -> memref<1x80xi32, #tpu.memory_space<vmem>>
        %dma_wait3A_247 = tpu.memref_squeeze %dma_wait3A_246 : memref<1x80xi32, #tpu.memory_space<vmem>> -> memref<80xi32, #tpu.memory_space<vmem>>
        %dma_wait3A_248 = arith.constant 0 : i32
        %dma_wait3A_249 = arith.constant 0 : i32
        %dma_wait3A_250 = tpu.memref_slice %arg19[%dma_wait3A_248, %dma_wait3A_249] : memref<10240x16xf32, #tpu.memory_space<vmem_shared>> -> memref<10240x16xf32, #tpu.memory_space<vmem_shared>>
        tpu.wait_indirect_dma semaphore(%run_scoped3A_230 : memref<!tpu.dma_semaphore, #tpu.memory_space<semaphore_mem>>) src(%dma_wait3A_244 : memref<80x16xf32, #tpu.memory_space<vmem>>) dst(%dma_wait3A_250 : memref<10240x16xf32, #tpu.memory_space<vmem_shared>>)
        tpu.yield
      }) : () -> ()
      %add3A_168 = arith.constant 5 : i32
      %add3A_169 = arith.addi %add3A_151, %add3A_168 : i32
      %lt3A_170 = arith.constant 125 : i32
      %lt3A_171 = arith.cmpi slt, %add3A_169, %lt3A_170 : i32
      %convert_element_type3A_172 = arith.extui %lt3A_171 : i1 to i32
      %cond3A_173 = arith.constant 0 : i32
      %cond3A_174 = arith.cmpi ne, %convert_element_type3A_172, %cond3A_173 : i32
      scf.if %cond3A_174 {
        %mul3A_230 = arith.constant 80 : i32
        %mul3A_231 = arith.muli %add3A_169, %mul3A_230 : i32
        %dma_start3A_232 = arith.constant 2 : i32
        %dma_start3A_233 = arith.constant 0 : i32
        %dma_start3A_234 = arith.constant 0 : i32
        %dma_start3A_235 = tpu.memref_slice %arg13[%dma_start3A_232, %dma_start3A_233, %dma_start3A_234] : memref<5x80x16xf32, #tpu.memory_space<vmem>> -> memref<1x80x16xf32, #tpu.memory_space<vmem>>
        %dma_start3A_236 = tpu.memref_squeeze %dma_start3A_235 : memref<1x80x16xf32, #tpu.memory_space<vmem>> -> memref<80x16xf32, #tpu.memory_space<vmem>>
        %dma_start3A_237 = tpu.memref_slice %arg11[%mul3A_231] : memref<10000xi32, #tpu.memory_space<vmem>> -> memref<80xi32, #tpu.memory_space<vmem>>
        %dma_start3A_238 = arith.constant 0 : i32
        %dma_start3A_239 = arith.constant 0 : i32
        %dma_start3A_240 = tpu.memref_slice %arg10[%arg0, %dma_start3A_238, %dma_start3A_239] : memref<2x10240x16xf32, #tpu.memory_space<hbm>> -> memref<1x10240x16xf32, #tpu.memory_space<hbm>>
        %dma_start3A_241 = tpu.memref_squeeze %dma_start3A_240 : memref<1x10240x16xf32, #tpu.memory_space<hbm>> -> memref<10240x16xf32, #tpu.memory_space<hbm>>
        %dma_start3A_242 = arith.constant 0 : i32
        %dma_start3A_243 = arith.constant 0 : i32
        %dma_start3A_244 = tpu.memref_slice %dma_start3A_241[%dma_start3A_242, %dma_start3A_243] : memref<10240x16xf32, #tpu.memory_space<hbm>> -> memref<10240x16xf32, #tpu.memory_space<hbm>>
        tpu.enqueue_indirect_dma source(%dma_start3A_244 : memref<10240x16xf32, #tpu.memory_space<hbm>>) target(%dma_start3A_236 : memref<80x16xf32, #tpu.memory_space<vmem>>) offsets(%dma_start3A_237 : memref<80xi32, #tpu.memory_space<vmem>>) semaphore(%arg22 : memref<!tpu.dma_semaphore, #tpu.memory_space<semaphore_mem>>)
      } else {
      }
      %mul3A_175 = arith.constant 5 : i32
      %mul3A_176 = arith.muli %scan3A_94, %mul3A_175 : i32
      %add3A_177 = arith.constant 3 : i32
      %add3A_178 = arith.addi %mul3A_176, %add3A_177 : i32
      %mul3A_179 = arith.constant 80 : i32
      %mul3A_180 = arith.muli %add3A_178, %mul3A_179 : i32
      %dma_wait3A_181 = arith.constant 3 : i32
      %dma_wait3A_182 = arith.constant 0 : i32
      %dma_wait3A_183 = arith.constant 0 : i32
      %dma_wait3A_184 = tpu.memref_slice %arg13[%dma_wait3A_181, %dma_wait3A_182, %dma_wait3A_183] : memref<5x80x16xf32, #tpu.memory_space<vmem>> -> memref<1x80x16xf32, #tpu.memory_space<vmem>>
      %dma_wait3A_185 = tpu.memref_squeeze %dma_wait3A_184 : memref<1x80x16xf32, #tpu.memory_space<vmem>> -> memref<80x16xf32, #tpu.memory_space<vmem>>
      %dma_wait3A_186 = tpu.memref_slice %arg11[%mul3A_180] : memref<10000xi32, #tpu.memory_space<vmem>> -> memref<80xi32, #tpu.memory_space<vmem>>
      %dma_wait3A_187 = arith.constant 0 : i32
      %dma_wait3A_188 = arith.constant 0 : i32
      %dma_wait3A_189 = tpu.memref_slice %arg10[%arg0, %dma_wait3A_187, %dma_wait3A_188] : memref<2x10240x16xf32, #tpu.memory_space<hbm>> -> memref<1x10240x16xf32, #tpu.memory_space<hbm>>
      %dma_wait3A_190 = tpu.memref_squeeze %dma_wait3A_189 : memref<1x10240x16xf32, #tpu.memory_space<hbm>> -> memref<10240x16xf32, #tpu.memory_space<hbm>>
      %dma_wait3A_191 = arith.constant 0 : i32
      %dma_wait3A_192 = arith.constant 0 : i32
      %dma_wait3A_193 = tpu.memref_slice %dma_wait3A_190[%dma_wait3A_191, %dma_wait3A_192] : memref<10240x16xf32, #tpu.memory_space<hbm>> -> memref<10240x16xf32, #tpu.memory_space<hbm>>
      tpu.wait_indirect_dma semaphore(%arg23 : memref<!tpu.dma_semaphore, #tpu.memory_space<semaphore_mem>>) src(%dma_wait3A_193 : memref<10240x16xf32, #tpu.memory_space<hbm>>) dst(%dma_wait3A_185 : memref<80x16xf32, #tpu.memory_space<vmem>>)
      %run_scoped3A_194 = arith.constant 3 : i32
      "tpu.region"() ({
        %run_scoped3A_230 = tpu.sem_alloc : memref<!tpu.dma_semaphore, #tpu.memory_space<semaphore_mem>>
        %dma_start3A_231 = arith.constant 0 : i32
        %dma_start3A_232 = arith.constant 0 : i32
        %dma_start3A_233 = tpu.memref_slice %arg13[%run_scoped3A_194, %dma_start3A_231, %dma_start3A_232] : memref<5x80x16xf32, #tpu.memory_space<vmem>> -> memref<1x80x16xf32, #tpu.memory_space<vmem>>
        %dma_start3A_234 = tpu.memref_squeeze %dma_start3A_233 : memref<1x80x16xf32, #tpu.memory_space<vmem>> -> memref<80x16xf32, #tpu.memory_space<vmem>>
        %dma_start3A_235 = arith.constant 0 : i32
        %dma_start3A_236 = tpu.memref_slice %arg12[%add3A_178, %dma_start3A_235] : memref<125x80xi32, #tpu.memory_space<vmem>> -> memref<1x80xi32, #tpu.memory_space<vmem>>
        %dma_start3A_237 = tpu.memref_squeeze %dma_start3A_236 : memref<1x80xi32, #tpu.memory_space<vmem>> -> memref<80xi32, #tpu.memory_space<vmem>>
        %dma_start3A_238 = arith.constant 0 : i32
        %dma_start3A_239 = arith.constant 0 : i32
        %dma_start3A_240 = tpu.memref_slice %arg19[%dma_start3A_238, %dma_start3A_239] : memref<10240x16xf32, #tpu.memory_space<vmem_shared>> -> memref<10240x16xf32, #tpu.memory_space<vmem_shared>>
        tpu.enqueue_indirect_dma source(%dma_start3A_234 : memref<80x16xf32, #tpu.memory_space<vmem>>) target(%dma_start3A_240 : memref<10240x16xf32, #tpu.memory_space<vmem_shared>>) offsets(%dma_start3A_237 : memref<80xi32, #tpu.memory_space<vmem>>) semaphore(%run_scoped3A_230 : memref<!tpu.dma_semaphore, #tpu.memory_space<semaphore_mem>>) {add = true}
        %dma_wait3A_241 = arith.constant 0 : i32
        %dma_wait3A_242 = arith.constant 0 : i32
        %dma_wait3A_243 = tpu.memref_slice %arg13[%run_scoped3A_194, %dma_wait3A_241, %dma_wait3A_242] : memref<5x80x16xf32, #tpu.memory_space<vmem>> -> memref<1x80x16xf32, #tpu.memory_space<vmem>>
        %dma_wait3A_244 = tpu.memref_squeeze %dma_wait3A_243 : memref<1x80x16xf32, #tpu.memory_space<vmem>> -> memref<80x16xf32, #tpu.memory_space<vmem>>
        %dma_wait3A_245 = arith.constant 0 : i32
        %dma_wait3A_246 = tpu.memref_slice %arg12[%add3A_178, %dma_wait3A_245] : memref<125x80xi32, #tpu.memory_space<vmem>> -> memref<1x80xi32, #tpu.memory_space<vmem>>
        %dma_wait3A_247 = tpu.memref_squeeze %dma_wait3A_246 : memref<1x80xi32, #tpu.memory_space<vmem>> -> memref<80xi32, #tpu.memory_space<vmem>>
        %dma_wait3A_248 = arith.constant 0 : i32
        %dma_wait3A_249 = arith.constant 0 : i32
        %dma_wait3A_250 = tpu.memref_slice %arg19[%dma_wait3A_248, %dma_wait3A_249] : memref<10240x16xf32, #tpu.memory_space<vmem_shared>> -> memref<10240x16xf32, #tpu.memory_space<vmem_shared>>
        tpu.wait_indirect_dma semaphore(%run_scoped3A_230 : memref<!tpu.dma_semaphore, #tpu.memory_space<semaphore_mem>>) src(%dma_wait3A_244 : memref<80x16xf32, #tpu.memory_space<vmem>>) dst(%dma_wait3A_250 : memref<10240x16xf32, #tpu.memory_space<vmem_shared>>)
        tpu.yield
      }) : () -> ()
      %add3A_195 = arith.constant 5 : i32
      %add3A_196 = arith.addi %add3A_178, %add3A_195 : i32
      %lt3A_197 = arith.constant 125 : i32
      %lt3A_198 = arith.cmpi slt, %add3A_196, %lt3A_197 : i32
      %convert_element_type3A_199 = arith.extui %lt3A_198 : i1 to i32
      %cond3A_200 = arith.constant 0 : i32
      %cond3A_201 = arith.cmpi ne, %convert_element_type3A_199, %cond3A_200 : i32
      scf.if %cond3A_201 {
        %mul3A_230 = arith.constant 80 : i32
        %mul3A_231 = arith.muli %add3A_196, %mul3A_230 : i32
        %dma_start3A_232 = arith.constant 3 : i32
        %dma_start3A_233 = arith.constant 0 : i32
        %dma_start3A_234 = arith.constant 0 : i32
        %dma_start3A_235 = tpu.memref_slice %arg13[%dma_start3A_232, %dma_start3A_233, %dma_start3A_234] : memref<5x80x16xf32, #tpu.memory_space<vmem>> -> memref<1x80x16xf32, #tpu.memory_space<vmem>>
        %dma_start3A_236 = tpu.memref_squeeze %dma_start3A_235 : memref<1x80x16xf32, #tpu.memory_space<vmem>> -> memref<80x16xf32, #tpu.memory_space<vmem>>
        %dma_start3A_237 = tpu.memref_slice %arg11[%mul3A_231] : memref<10000xi32, #tpu.memory_space<vmem>> -> memref<80xi32, #tpu.memory_space<vmem>>
        %dma_start3A_238 = arith.constant 0 : i32
        %dma_start3A_239 = arith.constant 0 : i32
        %dma_start3A_240 = tpu.memref_slice %arg10[%arg0, %dma_start3A_238, %dma_start3A_239] : memref<2x10240x16xf32, #tpu.memory_space<hbm>> -> memref<1x10240x16xf32, #tpu.memory_space<hbm>>
        %dma_start3A_241 = tpu.memref_squeeze %dma_start3A_240 : memref<1x10240x16xf32, #tpu.memory_space<hbm>> -> memref<10240x16xf32, #tpu.memory_space<hbm>>
        %dma_start3A_242 = arith.constant 0 : i32
        %dma_start3A_243 = arith.constant 0 : i32
        %dma_start3A_244 = tpu.memref_slice %dma_start3A_241[%dma_start3A_242, %dma_start3A_243] : memref<10240x16xf32, #tpu.memory_space<hbm>> -> memref<10240x16xf32, #tpu.memory_space<hbm>>
        tpu.enqueue_indirect_dma source(%dma_start3A_244 : memref<10240x16xf32, #tpu.memory_space<hbm>>) target(%dma_start3A_236 : memref<80x16xf32, #tpu.memory_space<vmem>>) offsets(%dma_start3A_237 : memref<80xi32, #tpu.memory_space<vmem>>) semaphore(%arg23 : memref<!tpu.dma_semaphore, #tpu.memory_space<semaphore_mem>>)
      } else {
      }
      %mul3A_202 = arith.constant 5 : i32
      %mul3A_203 = arith.muli %scan3A_94, %mul3A_202 : i32
      %add3A_204 = arith.constant 4 : i32
      %add3A_205 = arith.addi %mul3A_203, %add3A_204 : i32
      %mul3A_206 = arith.constant 80 : i32
      %mul3A_207 = arith.muli %add3A_205, %mul3A_206 : i32
      %dma_wait3A_208 = arith.constant 4 : i32
      %dma_wait3A_209 = arith.constant 0 : i32
      %dma_wait3A_210 = arith.constant 0 : i32
      %dma_wait3A_211 = tpu.memref_slice %arg13[%dma_wait3A_208, %dma_wait3A_209, %dma_wait3A_210] : memref<5x80x16xf32, #tpu.memory_space<vmem>> -> memref<1x80x16xf32, #tpu.memory_space<vmem>>
      %dma_wait3A_212 = tpu.memref_squeeze %dma_wait3A_211 : memref<1x80x16xf32, #tpu.memory_space<vmem>> -> memref<80x16xf32, #tpu.memory_space<vmem>>
      %dma_wait3A_213 = tpu.memref_slice %arg11[%mul3A_207] : memref<10000xi32, #tpu.memory_space<vmem>> -> memref<80xi32, #tpu.memory_space<vmem>>
      %dma_wait3A_214 = arith.constant 0 : i32
      %dma_wait3A_215 = arith.constant 0 : i32
      %dma_wait3A_216 = tpu.memref_slice %arg10[%arg0, %dma_wait3A_214, %dma_wait3A_215] : memref<2x10240x16xf32, #tpu.memory_space<hbm>> -> memref<1x10240x16xf32, #tpu.memory_space<hbm>>
      %dma_wait3A_217 = tpu.memref_squeeze %dma_wait3A_216 : memref<1x10240x16xf32, #tpu.memory_space<hbm>> -> memref<10240x16xf32, #tpu.memory_space<hbm>>
      %dma_wait3A_218 = arith.constant 0 : i32
      %dma_wait3A_219 = arith.constant 0 : i32
      %dma_wait3A_220 = tpu.memref_slice %dma_wait3A_217[%dma_wait3A_218, %dma_wait3A_219] : memref<10240x16xf32, #tpu.memory_space<hbm>> -> memref<10240x16xf32, #tpu.memory_space<hbm>>
      tpu.wait_indirect_dma semaphore(%arg24 : memref<!tpu.dma_semaphore, #tpu.memory_space<semaphore_mem>>) src(%dma_wait3A_220 : memref<10240x16xf32, #tpu.memory_space<hbm>>) dst(%dma_wait3A_212 : memref<80x16xf32, #tpu.memory_space<vmem>>)
      %run_scoped3A_221 = arith.constant 4 : i32
      "tpu.region"() ({
        %run_scoped3A_230 = tpu.sem_alloc : memref<!tpu.dma_semaphore, #tpu.memory_space<semaphore_mem>>
        %dma_start3A_231 = arith.constant 0 : i32
        %dma_start3A_232 = arith.constant 0 : i32
        %dma_start3A_233 = tpu.memref_slice %arg13[%run_scoped3A_221, %dma_start3A_231, %dma_start3A_232] : memref<5x80x16xf32, #tpu.memory_space<vmem>> -> memref<1x80x16xf32, #tpu.memory_space<vmem>>
        %dma_start3A_234 = tpu.memref_squeeze %dma_start3A_233 : memref<1x80x16xf32, #tpu.memory_space<vmem>> -> memref<80x16xf32, #tpu.memory_space<vmem>>
        %dma_start3A_235 = arith.constant 0 : i32
        %dma_start3A_236 = tpu.memref_slice %arg12[%add3A_205, %dma_start3A_235] : memref<125x80xi32, #tpu.memory_space<vmem>> -> memref<1x80xi32, #tpu.memory_space<vmem>>
        %dma_start3A_237 = tpu.memref_squeeze %dma_start3A_236 : memref<1x80xi32, #tpu.memory_space<vmem>> -> memref<80xi32, #tpu.memory_space<vmem>>
        %dma_start3A_238 = arith.constant 0 : i32
        %dma_start3A_239 = arith.constant 0 : i32
        %dma_start3A_240 = tpu.memref_slice %arg19[%dma_start3A_238, %dma_start3A_239] : memref<10240x16xf32, #tpu.memory_space<vmem_shared>> -> memref<10240x16xf32, #tpu.memory_space<vmem_shared>>
        tpu.enqueue_indirect_dma source(%dma_start3A_234 : memref<80x16xf32, #tpu.memory_space<vmem>>) target(%dma_start3A_240 : memref<10240x16xf32, #tpu.memory_space<vmem_shared>>) offsets(%dma_start3A_237 : memref<80xi32, #tpu.memory_space<vmem>>) semaphore(%run_scoped3A_230 : memref<!tpu.dma_semaphore, #tpu.memory_space<semaphore_mem>>) {add = true}
        %dma_wait3A_241 = arith.constant 0 : i32
        %dma_wait3A_242 = arith.constant 0 : i32
        %dma_wait3A_243 = tpu.memref_slice %arg13[%run_scoped3A_221, %dma_wait3A_241, %dma_wait3A_242] : memref<5x80x16xf32, #tpu.memory_space<vmem>> -> memref<1x80x16xf32, #tpu.memory_space<vmem>>
        %dma_wait3A_244 = tpu.memref_squeeze %dma_wait3A_243 : memref<1x80x16xf32, #tpu.memory_space<vmem>> -> memref<80x16xf32, #tpu.memory_space<vmem>>
        %dma_wait3A_245 = arith.constant 0 : i32
        %dma_wait3A_246 = tpu.memref_slice %arg12[%add3A_205, %dma_wait3A_245] : memref<125x80xi32, #tpu.memory_space<vmem>> -> memref<1x80xi32, #tpu.memory_space<vmem>>
        %dma_wait3A_247 = tpu.memref_squeeze %dma_wait3A_246 : memref<1x80xi32, #tpu.memory_space<vmem>> -> memref<80xi32, #tpu.memory_space<vmem>>
        %dma_wait3A_248 = arith.constant 0 : i32
        %dma_wait3A_249 = arith.constant 0 : i32
        %dma_wait3A_250 = tpu.memref_slice %arg19[%dma_wait3A_248, %dma_wait3A_249] : memref<10240x16xf32, #tpu.memory_space<vmem_shared>> -> memref<10240x16xf32, #tpu.memory_space<vmem_shared>>
        tpu.wait_indirect_dma semaphore(%run_scoped3A_230 : memref<!tpu.dma_semaphore, #tpu.memory_space<semaphore_mem>>) src(%dma_wait3A_244 : memref<80x16xf32, #tpu.memory_space<vmem>>) dst(%dma_wait3A_250 : memref<10240x16xf32, #tpu.memory_space<vmem_shared>>)
        tpu.yield
      }) : () -> ()
      %add3A_222 = arith.constant 5 : i32
      %add3A_223 = arith.addi %add3A_205, %add3A_222 : i32
      %lt3A_224 = arith.constant 125 : i32
      %lt3A_225 = arith.cmpi slt, %add3A_223, %lt3A_224 : i32
      %convert_element_type3A_226 = arith.extui %lt3A_225 : i1 to i32
      %cond3A_227 = arith.constant 0 : i32
      %cond3A_228 = arith.cmpi ne, %convert_element_type3A_226, %cond3A_227 : i32
      scf.if %cond3A_228 {
        %mul3A_230 = arith.constant 80 : i32
        %mul3A_231 = arith.muli %add3A_223, %mul3A_230 : i32
        %dma_start3A_232 = arith.constant 4 : i32
        %dma_start3A_233 = arith.constant 0 : i32
        %dma_start3A_234 = arith.constant 0 : i32
        %dma_start3A_235 = tpu.memref_slice %arg13[%dma_start3A_232, %dma_start3A_233, %dma_start3A_234] : memref<5x80x16xf32, #tpu.memory_space<vmem>> -> memref<1x80x16xf32, #tpu.memory_space<vmem>>
        %dma_start3A_236 = tpu.memref_squeeze %dma_start3A_235 : memref<1x80x16xf32, #tpu.memory_space<vmem>> -> memref<80x16xf32, #tpu.memory_space<vmem>>
        %dma_start3A_237 = tpu.memref_slice %arg11[%mul3A_231] : memref<10000xi32, #tpu.memory_space<vmem>> -> memref<80xi32, #tpu.memory_space<vmem>>
        %dma_start3A_238 = arith.constant 0 : i32
        %dma_start3A_239 = arith.constant 0 : i32
        %dma_start3A_240 = tpu.memref_slice %arg10[%arg0, %dma_start3A_238, %dma_start3A_239] : memref<2x10240x16xf32, #tpu.memory_space<hbm>> -> memref<1x10240x16xf32, #tpu.memory_space<hbm>>
        %dma_start3A_241 = tpu.memref_squeeze %dma_start3A_240 : memref<1x10240x16xf32, #tpu.memory_space<hbm>> -> memref<10240x16xf32, #tpu.memory_space<hbm>>
        %dma_start3A_242 = arith.constant 0 : i32
        %dma_start3A_243 = arith.constant 0 : i32
        %dma_start3A_244 = tpu.memref_slice %dma_start3A_241[%dma_start3A_242, %dma_start3A_243] : memref<10240x16xf32, #tpu.memory_space<hbm>> -> memref<10240x16xf32, #tpu.memory_space<hbm>>
        tpu.enqueue_indirect_dma source(%dma_start3A_244 : memref<10240x16xf32, #tpu.memory_space<hbm>>) target(%dma_start3A_236 : memref<80x16xf32, #tpu.memory_space<vmem>>) offsets(%dma_start3A_237 : memref<80xi32, #tpu.memory_space<vmem>>) semaphore(%arg24 : memref<!tpu.dma_semaphore, #tpu.memory_space<semaphore_mem>>)
      } else {
      }
      %scan3A_229 = arith.constant 0 : i32
      scf.yield %scan3A_229 : i32
    }
    %scan3A_92 = arith.constant 25 : i32
    %barrier3A_93 = arith.constant 0 : index
    tpu.barrier barrier_id(%barrier3A_93)
    "tpu.region"() ({
      %run_scoped3A_94 = tpu.sem_alloc : memref<!tpu.dma_semaphore, #tpu.memory_space<semaphore_mem>>
      %dma_start3A_95 = arith.constant 0 : i32
      %dma_start3A_96 = tpu.memref_slice %arg19[%mul3A_2, %dma_start3A_95] : memref<10240x16xf32, #tpu.memory_space<vmem_shared>> -> memref<640x16xf32, #tpu.memory_space<vmem_shared>>
      %dma_start3A_97 = arith.constant 0 : i32
      %dma_start3A_98 = tpu.memref_slice %arg19[%mul3A_2, %dma_start3A_97] : memref<10240x16xf32, #tpu.memory_space<vmem_shared>> -> memref<640x16xf32, #tpu.memory_space<vmem_shared>>
      tpu.enqueue_dma source(%dma_start3A_98 : memref<640x16xf32, #tpu.memory_space<vmem_shared>>) target(%arg14 : memref<640x16xf32, #tpu.memory_space<vmem>>) target_semaphore(%run_scoped3A_94 : memref<!tpu.dma_semaphore, #tpu.memory_space<semaphore_mem>>)
      %dma_wait3A = arith.constant 0 : i32
      %dma_wait3A_99 = tpu.memref_slice %arg19[%mul3A_2, %dma_wait3A] : memref<10240x16xf32, #tpu.memory_space<vmem_shared>> -> memref<640x16xf32, #tpu.memory_space<vmem_shared>>
      %dma_wait3A_100 = arith.constant 0 : i32
      %dma_wait3A_101 = tpu.memref_slice %arg19[%mul3A_2, %dma_wait3A_100] : memref<10240x16xf32, #tpu.memory_space<vmem_shared>> -> memref<640x16xf32, #tpu.memory_space<vmem_shared>>
      tpu.wait_dma2 semaphore(%run_scoped3A_94 : memref<!tpu.dma_semaphore, #tpu.memory_space<semaphore_mem>>) src(%dma_wait3A_101 : memref<640x16xf32, #tpu.memory_space<vmem_shared>>) dst(%arg14 : memref<640x16xf32, #tpu.memory_space<vmem>>)
      tpu.yield
    }) : () -> ()
    "tpu.region"() ({
      %run_scoped3A_94 = tpu.sem_alloc : memref<!tpu.dma_semaphore, #tpu.memory_space<semaphore_mem>>
      %dma_start3A_95 = arith.constant 0 : i32
      %dma_start3A_96 = tpu.memref_slice %arg9[%arg0, %mul3A_2, %dma_start3A_95] : memref<2x10240x16xf32, #tpu.memory_space<hbm>> -> memref<1x640x16xf32, #tpu.memory_space<hbm>>
      %dma_start3A_97 = tpu.memref_squeeze %dma_start3A_96 : memref<1x640x16xf32, #tpu.memory_space<hbm>> -> memref<640x16xf32, #tpu.memory_space<hbm>>
      %dma_start3A_98 = arith.constant 0 : i32
      %dma_start3A_99 = tpu.memref_slice %arg9[%arg0, %mul3A_2, %dma_start3A_98] : memref<2x10240x16xf32, #tpu.memory_space<hbm>> -> memref<1x640x16xf32, #tpu.memory_space<hbm>>
      %dma_start3A_100 = tpu.memref_squeeze %dma_start3A_99 : memref<1x640x16xf32, #tpu.memory_space<hbm>> -> memref<640x16xf32, #tpu.memory_space<hbm>>
      tpu.enqueue_dma source(%arg14 : memref<640x16xf32, #tpu.memory_space<vmem>>) target(%dma_start3A_100 : memref<640x16xf32, #tpu.memory_space<hbm>>) target_semaphore(%run_scoped3A_94 : memref<!tpu.dma_semaphore, #tpu.memory_space<semaphore_mem>>)
      %dma_wait3A = arith.constant 0 : i32
      %dma_wait3A_101 = tpu.memref_slice %arg9[%arg0, %mul3A_2, %dma_wait3A] : memref<2x10240x16xf32, #tpu.memory_space<hbm>> -> memref<1x640x16xf32, #tpu.memory_space<hbm>>
      %dma_wait3A_102 = tpu.memref_squeeze %dma_wait3A_101 : memref<1x640x16xf32, #tpu.memory_space<hbm>> -> memref<640x16xf32, #tpu.memory_space<hbm>>
      %dma_wait3A_103 = arith.constant 0 : i32
      %dma_wait3A_104 = tpu.memref_slice %arg9[%arg0, %mul3A_2, %dma_wait3A_103] : memref<2x10240x16xf32, #tpu.memory_space<hbm>> -> memref<1x640x16xf32, #tpu.memory_space<hbm>>
      %dma_wait3A_105 = tpu.memref_squeeze %dma_wait3A_104 : memref<1x640x16xf32, #tpu.memory_space<hbm>> -> memref<640x16xf32, #tpu.memory_space<hbm>>
      tpu.wait_dma2 semaphore(%run_scoped3A_94 : memref<!tpu.dma_semaphore, #tpu.memory_space<semaphore_mem>>) src(%arg14 : memref<640x16xf32, #tpu.memory_space<vmem>>) dst(%dma_wait3A_105 : memref<640x16xf32, #tpu.memory_space<hbm>>)
      tpu.yield
    }) : () -> ()
    return
  }
}

module attributes {stable_mosaic.version = 14 : i64} {
  func.func @_mm1_body(%arg0: memref<10000x128xf32, #tpu.memory_space<vmem>>, %arg1: memref<128x16xf32, #tpu.memory_space<vmem>>, %arg2: memref<10240x16xf32, #tpu.memory_space<vmem>>) attributes {dimension_semantics = [], scalar_prefetch = 0 : i64, scratch_operands = 0 : i64, tpu.core_type = #tpu.core_type<tc>} {
    %get3A = arith.constant 0 : index
    %get3A_0 = arith.constant 0 : index
    %get3A_1 = vector.load %arg0[%get3A, %get3A_0] : memref<10000x128xf32, #tpu.memory_space<vmem>>, vector<10000x128xf32>
    %get3A_2 = arith.constant 0 : index
    %get3A_3 = arith.constant 0 : index
    %get3A_4 = vector.load %arg1[%get3A_2, %get3A_3] : memref<128x16xf32, #tpu.memory_space<vmem>>, vector<128x16xf32>
    %dot_general3A = arith.constant dense<0.000000e+00> : vector<10000x16xf32>
    %dot_general3A_5 = tpu.matmul %get3A_1, %get3A_4, %dot_general3A {dimension_numbers = #tpu.dot_dimension_numbers<[1], [0], [0], [1], [0, 0, 1, 1], [], []>, transpose_lhs_hint = false} : vector<10000x128xf32>, vector<128x16xf32>, vector<10000x16xf32> -> vector<10000x16xf32>
    %swap3A = arith.constant 0 : index
    %swap3A_6 = arith.constant 0 : index
    %swap3A_7 = vector.load %arg2[%swap3A, %swap3A_6] : memref<10240x16xf32, #tpu.memory_space<vmem>>, vector<10000x16xf32>
    tpu.vector_store %arg2[%swap3A, %swap3A_6], %dot_general3A_5 {strides = array<i32>} : memref<10240x16xf32, #tpu.memory_space<vmem>>, vector<10000x16xf32>,
    %broadcast_in_dim3A = arith.constant 0.000000e+00 : f32
    %broadcast_in_dim3A_8 = vector.broadcast %broadcast_in_dim3A : f32 to vector<240x16xf32>
    %swap3A_9 = arith.constant 10000 : index
    %swap3A_10 = arith.constant 0 : index
    %swap3A_11 = vector.load %arg2[%swap3A_9, %swap3A_10] : memref<10240x16xf32, #tpu.memory_space<vmem>>, vector<240x16xf32>
    tpu.vector_store %arg2[%swap3A_9, %swap3A_10], %broadcast_in_dim3A_8 {strides = array<i32>} : memref<10240x16xf32, #tpu.memory_space<vmem>>, vector<240x16xf32>,
    return
  }
}

module attributes {stable_mosaic.version = 14 : i64} {
  func.func @_mm2_body(%arg0: memref<2x10240x16xf32, #tpu.memory_space<vmem>>, %arg1: memref<2x10240x16xf32, #tpu.memory_space<vmem>>, %arg2: memref<10240xf32, #tpu.memory_space<vmem>>, %arg3: memref<16x40xf32, #tpu.memory_space<vmem>>, %arg4: memref<40xf32, #tpu.memory_space<vmem>>, %arg5: memref<10000x40xf32, #tpu.memory_space<vmem>>) attributes {dimension_semantics = [], scalar_prefetch = 0 : i64, scratch_operands = 0 : i64, tpu.core_type = #tpu.core_type<tc>} {
    %get3A = arith.constant 0 : index
    %get3A_0 = arith.constant 0 : index
    %get3A_1 = arith.constant 0 : index
    %get3A_2 = vector.load %arg0[%get3A, %get3A_0, %get3A_1] : memref<2x10240x16xf32, #tpu.memory_space<vmem>>, vector<1x10000x16xf32>
    %get3A_3 = vector.shape_cast %get3A_2 : vector<1x10000x16xf32> to vector<10000x16xf32>
    %get3A_4 = arith.constant 1 : index
    %get3A_5 = arith.constant 0 : index
    %get3A_6 = arith.constant 0 : index
    %get3A_7 = vector.load %arg0[%get3A_4, %get3A_5, %get3A_6] : memref<2x10240x16xf32, #tpu.memory_space<vmem>>, vector<1x10000x16xf32>
    %get3A_8 = vector.shape_cast %get3A_7 : vector<1x10000x16xf32> to vector<10000x16xf32>
    %add3A = arith.addf %get3A_3, %get3A_8 : vector<10000x16xf32>
    %get3A_9 = arith.constant 0 : index
    %get3A_10 = arith.constant 0 : index
    %get3A_11 = arith.constant 0 : index
    %get3A_12 = vector.load %arg1[%get3A_9, %get3A_10, %get3A_11] : memref<2x10240x16xf32, #tpu.memory_space<vmem>>, vector<1x10000x16xf32>
    %get3A_13 = vector.shape_cast %get3A_12 : vector<1x10000x16xf32> to vector<10000x16xf32>
    %add3A_14 = arith.addf %add3A, %get3A_13 : vector<10000x16xf32>
    %get3A_15 = arith.constant 0 : index
    %get3A_16 = vector.load %arg2[%get3A_15] : memref<10240xf32, #tpu.memory_space<vmem>>, vector<10240xf32>
    %slice3A = vector.extract_strided_slice %get3A_16 {offsets = [0], sizes = [10000], strides = [1]} : vector<10240xf32> to vector<10000xf32>
    %broadcast_in_dim3A = vector.shape_cast %slice3A : vector<10000xf32> to vector<10000x1xf32>
    %mul3A = vector.broadcast %broadcast_in_dim3A : vector<10000x1xf32> to vector<10000x16xf32>
    %mul3A_17 = arith.mulf %add3A_14, %mul3A : vector<10000x16xf32>
    %get3A_18 = arith.constant 0 : index
    %get3A_19 = arith.constant 0 : index
    %get3A_20 = vector.load %arg3[%get3A_18, %get3A_19] : memref<16x40xf32, #tpu.memory_space<vmem>>, vector<16x40xf32>
    %dot_general3A = arith.constant dense<0.000000e+00> : vector<10000x40xf32>
    %dot_general3A_21 = tpu.matmul %mul3A_17, %get3A_20, %dot_general3A {dimension_numbers = #tpu.dot_dimension_numbers<[1], [0], [0], [1], [0, 0, 1, 1], [], []>, transpose_lhs_hint = false} : vector<10000x16xf32>, vector<16x40xf32>, vector<10000x40xf32> -> vector<10000x40xf32>
    %get3A_22 = arith.constant 0 : index
    %get3A_23 = vector.load %arg4[%get3A_22] : memref<40xf32, #tpu.memory_space<vmem>>, vector<40xf32>
    %broadcast_in_dim3A_24 = vector.shape_cast %get3A_23 : vector<40xf32> to vector<1x40xf32>
    %add3A_25 = vector.broadcast %broadcast_in_dim3A_24 : vector<1x40xf32> to vector<10000x40xf32>
    %add3A_26 = arith.addf %dot_general3A_21, %add3A_25 : vector<10000x40xf32>
    %swap3A = arith.constant 0 : index
    %swap3A_27 = arith.constant 0 : index
    %swap3A_28 = vector.load %arg5[%swap3A, %swap3A_27] : memref<10000x40xf32, #tpu.memory_space<vmem>>, vector<10000x40xf32>
    tpu.vector_store %arg5[%swap3A, %swap3A_27], %add3A_26 {strides = array<i32>} : memref<10000x40xf32, #tpu.memory_space<vmem>>, vector<10000x40xf32>,
    return
  }
}

</mosaic_0001>

<sc_bundles>
// kernel: kernel.10.cloned.1.call-start
scs
__scs_entry_jumppad:
0x0: {  	(pc) =	sbr.rel $0x88, $3  }
0x1: {  	(tag) =	ssettag $0x0;
	lr =	simm.s32 $0x1  }
0x2: {  	[smem:$0x3F9B] =	sst lr;
	_ =	strace $0xD0000000  }
0x3: {  	_ = 	snop  }
0x4: {  	_ = 	snop  }
0x5: {  	_ = 	snop  }
0x6: {  	_ = 	snop  }
0x7: {  	_ = 	snop  }
__scs_overlays_trampoline_lowered:
0x8: {  	[smem:$0x3FAA] =	sst s0  }
0x9: {  	[smem:$0x3FAB] =	sst s1  }
0xa: {  	[smem:$0x3FAC] =	sst s2  }
0xb: {  	[smem:$0x3FAD] =	sst s3  }
0xc: {  	[smem:$0x3FAE] =	sst s4  }
0xd: {  	[smem:$0x3FAF] =	sst s5  }
0xe: {  	[smem:$0x3FB0] =	sst s6  }
0xf: {  	[smem:$0x3FB1] =	sst s7  }
0x10: {  	[smem:$0x3FB2] =	sst s8  }
0x11: {  	[smem:$0x3FB3] =	sst s9;
	s0 =	simm.s32 @!p0 $0x0  }
0x12: {  	s1 =	sld [smem:$0x3F99];
	s0 =	simm.s32 @p0 $0x1  }
0x13: {  	[smem:$0x3FB4] =	sst s0;
	s0 =	simm.s32 @!p1 $0x0  }
0x14: {  	s2 =	sld [smem:$0x3F98];
	s0 =	simm.s32 @p1 $0x1  }
0x15: {  	[smem:$0x3FB5] =	sst s0;
	s0 =	simm.s32 @!p2 $0x0  }
0x16: {  	s3 =	sld [smem:$0x3FDB];
	s0 =	simm.s32 @p2 $0x1  }
0x17: {  	s4 =	simm.s32 $0x1BF5;
	[smem:$0x3FB7] =	sst s0  }
0x18: {  	s0 =	sld [smem:$0x3F9A];
	_ =	swait.ge [sflag:s4], $0x0  }
0x19: {  	s7 =	sld [smem:$0x3F9B]  }
0x1a: {  	s8 =	sadd.s32 $0xFFFFE003, lr  }
0x1b: {  	s9 =	sadd.s32 $0xFFFFFEF7, lr;
	s5 =	simm.s32 $0xFFFFFFFF;
	p2 =	slt.u32 s8, $0xFFFFF086  }
0x1c: {  	p1 =	slt.u32 s9, $0xF7A;
	s5 =	simm.s32 @!p2 $0x0  }
0x1d: {  	s5 =	simm.s32 @p1 $0x1;
	p0 =	seq.s32 s7, s2  }
0x1e: {  	s7 =	smul.u32 @!p0 $0xF7A, s2;
	p2 =	seq.s32 @!p0 s5, $0x0  }
0x1f: {  	s9 =	smul.u32 $0xF7A, s1;
	s8 =	simm.s32 @!p0 $0x1BF5;
	p2 =	por !p2, p0  }
0x20: {  	[sflag:s8] =	ssyncset.s32 @!p0 $0xFFFFF086;
	s6 =	sadd.s32 @!p0 s3, s7;
	s7 =	simm.s32 @!p0 $0x108  }
0x21: {  	s3 =	sadd.s32 s3, s9;
	s6 =	sadd.s32 @!p0 $0x88, s6;
	s7 =	simm.s32 @p2 $0x1082  }
0x22: {  	[simem:s7], [sflag:s8] =	dma.local @!p0 [hbm:s6], $0xF7A  }
0x23: {  	s9 =	sor.u32 $0xD0000000, s2;
	s6 =	simm.s32 $0x108;
	_ =	swait.ge @!p0 [sflag:s8], $0x0  }
0x24: {  	s3 =	sadd.s32 $0x88, s3;
	s6 =	simm.s32 @!p1 $0x1082;
	[sflag:s4] =	ssyncset.s32 $0xFFFFF086  }
0x25: {  	[simem:s6], [sflag:s4] =	dma.local [hbm:s3], $0xF7A  }
0x26: {  	[smem:$0x3F9B] =	sst s1;
	(tag) =	ssettag s2;
	_ =	strace s9  }
0x27: {  	s1 =	sld [smem:$0x3FAB]  }
0x28: {  	s2 =	sld [smem:$0x3FAC]  }
0x29: {  	s4 =	sld [smem:$0x3FAE]  }
0x2a: {  	p0 =	seq.s32 s5, $0x0;
	s5 =	sld [smem:$0x3FAF]  }
0x2b: {  	s6 =	sld [smem:$0x3FB0]  }
0x2c: {  	s7 =	sld [smem:$0x3FB1]  }
0x2d: {  	s3 =	simm.s32 $0x108;
	s8 =	sld [smem:$0x3FB2]  }
0x2e: {  	s3 =	simm.s32 @!p0 $0x1082;
	s9 =	sld [smem:$0x3FB3]  }
0x2f: {  	lr =	sadd.s32 s0, s3;
	s0 =	sld [smem:$0x3FAA]  }
0x30: {  	s3 =	sld [smem:$0x3FAD]  }
0x31: {  	[smem:$0x3FB6] =	sst s10  }
0x32: {  	s10 =	sld [smem:$0x3FB4];
	_ =	sdelay $0x3  }
0x33: {  	p0 =	seq.s32 s10, $0x1;
	s10 =	sld [smem:$0x3FB6];
	_ =	sdelay $0x3  }
0x34: {  	[smem:$0x3FB6] =	sst s10  }
0x35: {  	s10 =	sld [smem:$0x3FB5];
	_ =	sdelay $0x3  }
0x36: {  	p1 =	seq.s32 s10, $0x1;
	s10 =	sld [smem:$0x3FB6];
	_ =	sdelay $0x3  }
0x37: {  	[smem:$0x3FB6] =	sst s10  }
0x38: {  	s10 =	sld [smem:$0x3FB7]  }
0x39: {  	_ = 	snop;
	(pc) =	sbr.ind lr, $3  }
0x3a: {  	_ = 	snop  }
0x3b: {  	_ = 	snop  }
0x3c: {  	p2 =	seq.s32 s10, $0x1;
	s10 =	sld [smem:$0x3FB6]  }
0x3d: {  	_ =	shalt  }
0x3e: {  	_ =	shalt  }
0x3f: {  	_ =	shalt  }
0x40: {  	_ =	shalt  }
0x41: {  	_ =	shalt  }
0x42: {  	_ =	shalt  }
0x43: {  	_ =	shalt  }
0x44: {  	_ =	shalt  }
0x45: {  	_ =	shalt  }
0x46: {  	_ =	shalt  }
0x47: {  	_ =	shalt  }
0x48: {  	_ =	shalt  }
0x49: {  	_ =	shalt  }
0x4a: {  	_ =	shalt  }
0x4b: {  	_ =	shalt  }
0x4c: {  	_ =	shalt  }
0x4d: {  	_ =	shalt  }
0x4e: {  	_ =	shalt  }
0x4f: {  	_ =	shalt  }
0x50: {  	_ =	shalt  }
0x51: {  	_ =	shalt  }
0x52: {  	_ =	shalt  }
0x53: {  	_ =	shalt  }
0x54: {  	_ =	shalt  }
0x55: {  	_ =	shalt  }
0x56: {  	_ =	shalt  }
0x57: {  	_ =	shalt  }
0x58: {  	_ =	shalt  }
0x59: {  	_ =	shalt  }
0x5a: {  	_ =	shalt  }
0x5b: {  	_ =	shalt  }
0x5c: {  	_ =	shalt  }
0x5d: {  	_ =	shalt  }
0x5e: {  	_ =	shalt  }
0x5f: {  	_ =	shalt  }
0x60: {  	_ =	shalt  }
0x61: {  	_ =	shalt  }
0x62: {  	_ =	shalt  }
0x63: {  	_ =	shalt  }
0x64: {  	_ =	shalt  }
0x65: {  	_ =	shalt  }
0x66: {  	_ =	shalt  }
0x67: {  	_ =	shalt  }
0x68: {  	_ =	shalt  }
0x69: {  	_ =	shalt  }
0x6a: {  	_ =	shalt  }
0x6b: {  	_ =	shalt  }
0x6c: {  	_ =	shalt  }
0x6d: {  	_ =	shalt  }
0x6e: {  	_ =	shalt  }
0x6f: {  	_ =	shalt  }
0x70: {  	_ =	shalt  }
0x71: {  	_ =	shalt  }
0x72: {  	_ =	shalt  }
0x73: {  	_ =	shalt  }
0x74: {  	_ =	shalt  }
0x75: {  	_ =	shalt  }
0x76: {  	_ =	shalt  }
0x77: {  	_ =	shalt  }
0x78: {  	_ =	shalt  }
0x79: {  	_ =	shalt  }
0x7a: {  	_ =	shalt  }
0x7b: {  	_ =	shalt  }
0x7c: {  	_ =	shalt  }
0x7d: {  	_ =	shalt  }
0x7e: {  	_ =	shalt  }
0x7f: {  	_ =	shalt  }
0x80: {  	_ =	shalt  }
0x81: {  	_ =	shalt  }
0x82: {  	_ =	shalt  }
0x83: {  	_ =	shalt  }
0x84: {  	_ =	shalt  }
0x85: {  	_ =	shalt  }
0x86: {  	_ =	shalt  }
0x87: {  	_ =	shalt  }
.Lfunc_end0:
.L_simem_size_0:
called_computation.1_lowered:
.L_overlay_start_0:
0x88: {  	s2 =	sld [smem:$0x3FD9]  }
0x89: {  	s3 =	sld [smem:$0x3FFE];
	_ =	sdelay $0x1  }
0x8a: {  	s1 =	srdreg.scid  }
0x8b: {  	s0 =	sand.u32 $0x1, s1  }
0x8c: {  	s17 =	sshll.u32 s0, $0xA;
	s2 =	sadd.s32 s3, s2  }
0x8d: {  	s2 =	sadd.s32 s2, s17  }
0x8e: {  	[smem:$0x3FC2] =	sst s2  }
0x8f: {  	_ = 	snop  }
0x90: {  	s2 =	sld [smem:$0x3FD0];
	(tm) =	ssettm $0x1  }
0x91: {  	s18 =	sld [smem:$0x3FFB];
	_ =	sdelay $0x3  }
0x92: {  	_ =	strace s18  }
0x93: {  	s3 =	sld [smem:$0x3FFC];
	_ =	sdelay $0x3  }
0x94: {  	_ =	strace s3  }
0x95: {  	s3 =	sld [smem:$0x3FFD];
	_ =	sdelay $0x3  }
0x96: {  	_ =	strace s3  }
0x97: {  	_ =	strace $0x8FFFFFFF  }
0x98: {  	s19 =	sld [smem:$0x3FDB];
	_ =	sdelay $0x1  }
0x99: {  	s4 =	simm.s32 $_scs_section_size  }
0x9a: {  	s5 =	simm.s32 $_size__tile_overlayer_lowered;
	s6 =	simm.s32 $_tile_overlayer_lowered  }
0x9b: {  	s22 =	simm.s32 $0x1BFF;
	s21 =	sshll.u32 s6, $0x1;
	s3 =	sadd.s32 s4, s19  }
0x9c: {  	s7 =	simm.s32 $0x0;
	s20 =	sshll.u32 s5, $0x1;
	s5 =	sadd.s32 s21, s3  }
0x9d: {  	[timem:s7], [sflag:s22] =	dma.local [hbm:s5], s20  }
0x9e: {  	_ =	swait.ge [sflag:s22], s20  }
0x9f: {  	s4 =	ssub.s32 $0x0, s20;
	[sflag:s22] =	ssyncset.done $0x0  }
0xa0: {  	[sflag:s22] =	ssyncadd.s32 s4;
	_ =	sdelay $0x1  }
0xa1: {  	s23 =	simm.s32 $0x1B8B  }
0xa2: {  	_ =	swait.ge [sflag:s23], $0x1  }
0xa3: {  	[sflag:s23] =	ssyncset.done $0x0  }
0xa4: {  	s25 =	simm.s32 $0x1B8E;
	s24 =	sld [smem:$0x3FFE];
	[sflag:s23] =	ssyncadd.s32 $0xFFFFFFFF  }
0xa5: {  	s26 =	simm.s32 $execute0_lowered;
	[smem:$0x3FD2] =	sst s25  }
0xa6: {  	s5 =	sshll.u32 s26, $0x1;
	_ =	strace $0x80000049;
	[dreg:$0x1] =	wrdreg $0xFFFFFFFF  }
0xa7: {  	s28 =	simm.s32 $_size_execute0_lowered;
	s3 =	sadd.s32 s3, s5;
	[dreg:$0x0] =	wrdreg $0x0  }
0xa8: {  	s5 =	sshll.u32 s28, $0x1;
	[dreg:$0x2] =	wrdreg s3  }
0xa9: {  	[dreg:$0x3] =	wrdreg s5  }
0xaa: {  	[dreg:$0x4] =	wrdreg $0xC0  }
0xab: {  	_ =	task [dreg:s7], $0x5FFFF  }
0xac: {  	[dreg:$0x1] =	wrdreg $0xFFFFFFFF  }
0xad: {  	[dreg:$0x0] =	wrdreg $0x60  }
0xae: {  	[dreg:$0x2] =	wrdreg s24  }
0xaf: {  	[dreg:$0x3] =	wrdreg s2  }
0xb0: {  	[dreg:$0x4] =	wrdreg $0x96A00  }
0xb1: {  	[dreg:$0x5] =	wrdreg $0x9  }
0xb2: {  	_ =	task.clear_ibuf [dreg:s7], $0x6FFFF;
	_ =	strace $0x90000049  }
0xb3: {  	s29 =	simm.s32 $0x9;
	_ =	strace $0x8000004B  }
0xb4: {  	_ =	swait.ge [sflag:s29], $0x1  }
0xb5: {  	[sflag:s29] =	ssyncadd.s32 $0xFFFFFFFF  }
0xb6: {  	_ =	strace $0x9000004B  }
0xb7: {  	_ =	sfence  }
0xb8: {  	s30 =	sld [smem:$0x0];
	_ =	sdelay $0x2  }
0xb9: {  	s31 =	sshll.u32 s1, $0xD;
	s1 =	sshrl.u32 s1, $0x2  }
0xba: {  	s3 =	sand.u32 $0x4000, s31;
	s1 =	sadd.s32 s1, s30  }
0xbb: {  	s0 =	sor.u32 s3, s0;
	s1 =	sshll.u32 s1, $0x11  }
0xbc: {  	s0 =	sor.u32 s1, s0  }
0xbd: {  	s0 =	sadd.s32 $0x8F2B, s0  }
0xbe: {  	[sflag:s0] =	ssyncadd.remote.s32 $0x1  }
0xbf: {  	_ =	sfence.sel $0xFFFF  }
0xc0: {  	[dreg:$0x0] =	wrdreg $0xFFFFFFFF;
	(pc) =	sbr.abs _section_cstart, $3  }
0xc1: {  	[dreg:$0x1] =	wrdreg $0xFFFFFFFF  }
0xc2: {  	_ =	task.clear_ibuf [dreg:s7], $0x2FFFF;
	_ =	strace $0x9FFFFFFF  }
0xc3: {  	(tm) =	ssettm $0x7FFFFFFF  }
tec
execute0_lowered:
.L_overlay_start_1:
0x0: {  	(tag) =	ssettag $0x1  }
0x1: {  	s0 =	srdreg.scid;
	s4 =	rddreg [dreg:$0x0]  }
0x2: {  	s3 =	stileid.u32;
	s5 =	rddreg [dreg:$0x1]  }
0x3: {  	s2 =	simm.s32 $0x0;
	s16 =	simm.s32 $0x6;
	s20 =	simm.s32 $0x6720  }
0x4: {  	s29 =	simm.s32 $0x5D20;
	s31 =	simm.s32 $0x6220;
	s17 =	simm.s32 $0x2  }
0x5: {  	s18 =	simm.s32 $0x3;
	s19 =	simm.s32 $0x4;
	s30 =	simm.s32 $0x0  }
0x6: {  	s0 =	sand.u32 $0x1, s0;
	s1 =	sshll.u32 s3, $0x1;
	s7 =	smul.u32 $0x2800, s3  }
0x7: {  	[smem:$0x7FF] =	sst s2;
	s10 =	smul.u32 $0x50, s3;
	s12 =	sadd.s32 $0x16000, s4  }
0x8: {  	s14 =	sadd.s32 $0x27200, s4;
	p0 =	sne.s32 s3, $0x0;
	s1 =	sor.u32 s0, s1  }
0x9: {  	s8 =	smul.u32 $0x28000, s0;
	s11 =	ssub.s32 $0x2, s0;
	p1 =	sne.s32 s0, $0x0  }
0xa: {  	s0 =	simm.s32 $0x1;
	s6 =	smul.u32 $0x4E2, s1;
	s1 =	rddreg [dreg:$0x2]  }
0xb: {  	_ =	strace $0x8000004A;
	[dreg:$0x4] =	wrdreg s12;
	s21 =	sshrl.u32 s11, $0x1  }
0xc: {  	s23 =	sshrl.u32 s7, $0x3;
	s9 =	sadd.s32 s7, s8;
	s15 =	ssub.s32 s11, s21  }
0xd: {  	s5 =	sadd.s32 s5, s23;
	s28 =	sshrl.u32 s8, $0x3;
	s12 =	sadd.s32 s7, s1  }
0xe: {  	s21 =	simm.s32 $0x9420;
	s23 =	simm.s32 $0x4E20;
	s6 =	sadd.s32 s6, s4  }
0xf: {  	s9 =	sshrl.u32 s9, $0x3;
	[dreg:$0x9] =	wrdreg s5;
	s11 =	sadd.s32 s14, s28  }
0x10: {  	s13 =	sadd.s32 s9, s4;
	s4 =	sadd.s32 s10, s4;
	s22 =	sadd.s32 $0x2400, s6  }
0x11: {  	s6 =	sadd.s32 $0xC200, s6;
	s26 =	sadd.s32 s14, s9;
	[dreg:$0x5] =	wrdreg s22  }
0x12: {  	s14 =	smax.u32 s15, $0x1;
	s15 =	sshrl.u32 @!p0 s1, $0x3;
	[dreg:$0x6] =	wrdreg s6  }
0x13: {  	s24 =	sadd.s32 $0x26600, s4;
	s25 =	sadd.s32 $0x26C00, s4;
	[dreg:$0xa] =	wrdreg s26  }
0x14: {  	s4 =	sadd.s32 $0x25000, s4;
	s13 =	sadd.s32 $0x1B000, s13;
	[dreg:$0x7] =	wrdreg s24  }
0x15: {  	s22 =	simm.s32 $0x50;
	s26 =	simm.s32 $0x5820;
	[dreg:$0x8] =	wrdreg s25  }
0x16: {  	[dreg:$0xb] =	wrdreg s4;
	s24 =	simm.s32 $0x5320;
	s25 =	simm.s32 $0x5  }
.LBB2_1:
0x17: {  	s3 =	simm.s32 @!p0 $0x1C06;
	s4 =	rddreg [dreg:$0x4]  }
0x18: {  	[spmem:s15], [sflag:s3] =	dma.local @!p0 [hbm:s4], $0x5000  }
0x19: {  	s3 =	simm.s32 @!p0 $0x6  }
0x1a: {  	_ =	swait.ge @!p0 [sflag:s3], $0x5000  }
0x1b: {  	[sflag:s3] =	ssyncset.done @!p0 $0x0  }
0x1c: {  	s10 =	rddreg [dreg:$0x5];
	[sflag:s3] =	ssyncadd.s32 @!p0 $0xFFFFB000  }
0x1d: {  	[tilespmem:s2], [sflag:$0x6] =	stream.linear.gather [hbm4b:s10+s2], $0x2710, $0x38;
	[tilespmem:$0xBEA0] =	vst v63  }
0x1e: {  	_ =	swait.ge [sflag:s16], $0x2710  }
0x1f: {  	[sflag:s16] =	ssyncset.done $0x0  }
0x20: {  	s5 =	simm.s32 $0x2710;
	s4 =	rddreg [dreg:$0x6];
	[sflag:s16] =	ssyncadd.s32 $0xFFFFD8F0  }
0x21: {  	[tilespmem:s5], [sflag:$0x6] =	stream.linear.gather [hbm4b:s4+s2], $0x2710, $0x38;
	[tilespmem:$0xBEA0] =	vst v63  }
0x22: {  	_ =	swait.ge [sflag:s16], $0x2710  }
0x23: {  	[sflag:s16] =	ssyncset.done $0x0  }
0x24: {  	s7 =	simm.s32 $0x8F20;
	s6 =	rddreg [dreg:$0x7];
	[sflag:s16] =	ssyncadd.s32 $0xFFFFD8F0  }
0x25: {  	[tilespmem:s7], [sflag:$0x6] =	stream.linear.gather [hbm4b:s6+s2], $0x280, $0x38;
	[tilespmem:$0xBEA0] =	vst v63  }
0x26: {  	_ =	swait.ge [sflag:s16], $0x280  }
0x27: {  	[sflag:s16] =	ssyncset.done $0x0  }
0x28: {  	s9 =	simm.s32 $0x91A0;
	s8 =	rddreg [dreg:$0x8];
	[sflag:s16] =	ssyncadd.s32 $0xFFFFFD80  }
0x29: {  	[tilespmem:s9], [sflag:$0x6] =	stream.linear.gather [hbm4b:s8+s2], $0x280, $0x38;
	[tilespmem:$0xBEA0] =	vst v63  }
0x2a: {  	_ =	swait.ge [sflag:s16], $0x280  }
0x2b: {  	[sflag:s16] =	ssyncset.done $0x0  }
0x2c: {  	s10 =	rddreg [dreg:$0x9];
	[sflag:s16] =	ssyncadd.s32 $0xFFFFFD80  }
0x2d: {  	[tilespmem:s20], [sflag:$0x6] =	stream.linear.gather [hbm4b:s10+s2], $0x2800, $0x38;
	[tilespmem:$0xBEA0] =	vst v63  }
0x2e: {  	_ =	swait.ge [sflag:s16], $0x2800  }
0x2f: {  	[sflag:s16] =	ssyncset.done $0x0  }
0x30: {  	s4 =	simm.s32 $0x0;
	[sflag:s16] =	ssyncadd.s32 $0xFFFFD800  }
0x31: {  	v0 =	vld [tilespmem:s4+$0x91A0]  }
0x32: {  	v1 =	vld [tilespmem:s4+$0x8F20];
	_ =	sdelay $0x2  }
0x33: {  	s28 =	simm.s32 $0x10  }
0x34: {  	v2 =	vld [tilespmem:s28+$0x91A0]  }
0x35: {  	v0 =	vadd.f32 v0, v1;
	v1 =	vld [tilespmem:s28+$0x8F20];
	_ =	sdelay $0x1  }
0x36: {  	v0 =	vadd.f32 $1.000000000e+00, v0;
	_ =	sdelay $0x1  }
0x37: {  	s3 =	simm.s32 $0x20;
	v3 =	vshra.s32 v0, $0x1;
	v4 =	vmul.f32 $5.000000000e-01, v0  }
0x38: {  	v5 =	vld [tilespmem:s3+$0x8F20];
	v0 =	vsub.s32 $0x5F3759DF, v3;
	v1 =	vadd.f32 v2, v1  }
0x39: {  	v3 =	vld [tilespmem:s3+$0x91A0];
	v2 =	vmul.f32 v0, v4  }
0x3a: {  	v1 =	vadd.f32 $1.000000000e+00, v1  }
0x3b: {  	v2 =	vmul.f32 v0, v2  }
0x3c: {  	s5 =	simm.s32 $0x30;
	v6 =	vshra.s32 v1, $0x1;
	v8 =	vmul.f32 $5.000000000e-01, v1  }
0x3d: {  	v7 =	vld [tilespmem:s5+$0x8F20];
	v1 =	vsub.f32 $1.500000000e+00, v2;
	v2 =	vsub.s32 $0x5F3759DF, v6  }
0x3e: {  	v6 =	vld [tilespmem:s5+$0x91A0];
	v3 =	vadd.f32 v3, v5;
	v5 =	vmul.f32 v2, v8  }
0x3f: {  	s6 =	simm.s32 $0x40;
	v1 =	vmul.f32 v0, v1  }
0x40: {  	v10 =	vld [tilespmem:s6+$0x91A0];
	v0 =	vadd.f32 $1.000000000e+00, v3;
	v3 =	vmul.f32 v2, v5  }
0x41: {  	v11 =	vld [tilespmem:s6+$0x8F20];
	v5 =	vmul.f32 v1, v4  }
0x42: {  	v9 =	vshra.s32 v0, $0x1;
	v0 =	vmul.f32 $5.000000000e-01, v0;
	v3 =	vsub.f32 $1.500000000e+00, v3  }
0x43: {  	v9 =	vsub.s32 $0x5F3759DF, v9;
	v6 =	vadd.f32 v6, v7;
	v5 =	vmul.f32 v5, v1  }
0x44: {  	v7 =	vmul.f32 v9, v0;
	v2 =	vmul.f32 v2, v3  }
0x45: {  	v3 =	vsub.f32 $1.500000000e+00, v5;
	v5 =	vadd.f32 $1.000000000e+00, v6  }
0x46: {  	v10 =	vadd.f32 v10, v11;
	v6 =	vmul.f32 v9, v7;
	v7 =	vmul.f32 v2, v8  }
0x47: {  	v3 =	vmul.f32 v3, v1;
	v12 =	vshra.s32 v5, $0x1;
	v1 =	vmul.f32 $5.000000000e-01, v5  }
0x48: {  	s7 =	simm.s32 $0x50;
	v6 =	vsub.f32 $1.500000000e+00, v6;
	v5 =	vsub.s32 $0x5F3759DF, v12;
	v7 =	vmul.f32 v7, v2  }
0x49: {  	v13 =	vld [tilespmem:s7+$0x8F20];
	v12 =	vmul.f32 v3, v4;
	v11 =	vmul.f32 v5, v1  }
0x4a: {  	v10 =	vadd.f32 $1.000000000e+00, v10;
	v4 =	vmul.f32 v9, v6;
	v9 =	vld [tilespmem:s7+$0x91A0];
	v6 =	vsub.f32 $1.500000000e+00, v7  }
0x4b: {  	v7 =	vmul.f32 v12, v3;
	v11 =	vmul.f32 v5, v11  }
0x4c: {  	v15 =	vshra.s32 v10, $0x1;
	v14 =	vmul.f32 v4, v0;
	v2 =	vmul.f32 v6, v2  }
0x4d: {  	v6 =	vmul.f32 $5.000000000e-01, v10;
	v7 =	vsub.f32 $1.500000000e+00, v7;
	v12 =	vsub.f32 $1.500000000e+00, v11  }
0x4e: {  	s8 =	simm.s32 $0x60;
	s9 =	simm.s32 $0x1C0;
	v11 =	vsub.s32 $0x5F3759DF, v15;
	v10 =	vmul.f32 v14, v4;
	v8 =	vmul.f32 v2, v8  }
.LBB2_2:
0x4f: {  	s10 =	sshra.s32 s9, $0x2;
	p2 =	sne.s32 s9, $0x9C0;
	s9 =	sadd.s32 $0x40, s9;
	v14 =	vadd.f32 v9, v13;
	v9 =	vld [tilespmem:s8+$0x91A0];
	v15 =	vmul.f32 v11, v6;
	v12 =	vmul.f32 v5, v12;
	v16 =	vmovc v6  }
.Ltmp0:
0x50: {  	v5 =	vmovc v11;
	v13 =	vld [tilespmem:s8+$0x8F20];
	v6 =	vsub.f32 $1.500000000e+00, v10;
	v8 =	vmul.f32 v8, v2;
	v10 =	vmul.f32 v7, v3;
	v3 =	vmovc v2;
	(pc) =	sbr.rel @p2 .LBB2_2-.Ltmp0, $4  }
0x51: {  	v11 =	vadd.f32 $1.000000000e+00, v14;
	v14 =	vmul.f32 v5, v15;
	v15 =	vmul.f32 v12, v1  }
0x52: {  	v2 =	vmul.f32 v6, v4;
	v7 =	vsub.f32 $1.500000000e+00, v8;
	[tilespmem:s4+$0x9420] =	vst v10;
	v4 =	vmov v12;
	s4 =	smov.u32 s28;
	s28 =	smov.u32 s3;
	s3 =	smov.u32 s5  }
0x53: {  	s5 =	smov.u32 s6;
	s6 =	smov.u32 s7;
	s7 =	smov.u32 s8;
	v8 =	vshra.s32 v11, $0x1;
	v6 =	vmul.f32 $5.000000000e-01, v11;
	v12 =	vsub.f32 $1.500000000e+00, v14  }
0x54: {  	s8 =	smov.u32 s10;
	v10 =	vmul.f32 v15, v4;
	v11 =	vsub.s32 $0x5F3759DF, v8;
	v8 =	vmul.f32 v2, v0;
	v0 =	vmovc v1;
	v1 =	vmovc v16  }
0x55: {  	v14 =	vld [tilespmem:s8+$0x91A0]  }
0x56: {  	v15 =	vld [tilespmem:s8+$0x8F20];
	_ =	sdelay $0x3  }
0x57: {  	v9 =	vadd.f32 v9, v13  }
0x58: {  	v48 =	vadd.f32 v14, v15  }
0x59: {  	v9 =	vadd.f32 $1.000000000e+00, v9  }
0x5a: {  	v13 =	vadd.f32 $1.000000000e+00, v48  }
0x5b: {  	v49 =	vmul.f32 v11, v6;
	v50 =	vshra.s32 v9, $0x1;
	v9 =	vmul.f32 $5.000000000e-01, v9  }
0x5c: {  	v15 =	vsub.s32 $0x5F3759DF, v50;
	v16 =	vshra.s32 v13, $0x1;
	v13 =	vmul.f32 $5.000000000e-01, v13  }
0x5d: {  	v17 =	vmul.f32 v15, v9;
	v16 =	vsub.s32 $0x5F3759DF, v16  }
0x5e: {  	v14 =	vmul.f32 v11, v49;
	v18 =	vmul.f32 v16, v13  }
0x5f: {  	v17 =	vmul.f32 v15, v17  }
0x60: {  	v5 =	vmul.f32 v5, v12;
	v14 =	vsub.f32 $1.500000000e+00, v14;
	v51 =	vmul.f32 v16, v18  }
0x61: {  	v3 =	vmul.f32 v7, v3;
	v10 =	vsub.f32 $1.500000000e+00, v10;
	v53 =	vsub.f32 $1.500000000e+00, v17  }
0x62: {  	v54 =	vmul.f32 v5, v1;
	v52 =	vmul.f32 v11, v14;
	v12 =	vsub.f32 $1.500000000e+00, v51  }
0x63: {  	v4 =	vmul.f32 v10, v4;
	v14 =	vmul.f32 v15, v53  }
0x64: {  	v55 =	vmul.f32 v52, v6;
	v12 =	vmul.f32 v16, v12  }
0x65: {  	v7 =	vmul.f32 v54, v5;
	v56 =	vmul.f32 v14, v9  }
0x66: {  	v15 =	vmul.f32 v55, v52;
	v57 =	vmul.f32 v12, v13  }
0x67: {  	v7 =	vsub.f32 $1.500000000e+00, v7;
	v16 =	vmul.f32 v56, v14  }
0x68: {  	v0 =	vmul.f32 v4, v0;
	v15 =	vsub.f32 $1.500000000e+00, v15;
	v10 =	vmul.f32 v57, v12  }
0x69: {  	v8 =	vmul.f32 v8, v2;
	v5 =	vmul.f32 v7, v5;
	v59 =	vsub.f32 $1.500000000e+00, v16  }
0x6a: {  	v0 =	vmul.f32 v0, v4;
	v58 =	vmul.f32 v15, v52;
	v10 =	vsub.f32 $1.500000000e+00, v10  }
0x6b: {  	v1 =	vmul.f32 v5, v1;
	v11 =	vmul.f32 v59, v14  }
0x6c: {  	v60 =	vmul.f32 v58, v6;
	v10 =	vmul.f32 v10, v12  }
0x6d: {  	v8 =	vsub.f32 $1.500000000e+00, v8;
	v1 =	vmul.f32 v1, v5;
	v9 =	vmul.f32 v11, v9  }
0x6e: {  	v0 =	vsub.f32 $1.500000000e+00, v0;
	v6 =	vmul.f32 v60, v58;
	v12 =	vmul.f32 v10, v13  }
0x6f: {  	v2 =	vmul.f32 v8, v2;
	v1 =	vsub.f32 $1.500000000e+00, v1;
	v61 =	vmul.f32 v9, v11  }
0x70: {  	[tilespmem:s4+$0x9420] =	vst v3;
	v0 =	vmul.f32 v0, v4;
	v3 =	vsub.f32 $1.500000000e+00, v6;
	v62 =	vmul.f32 v12, v10  }
0x71: {  	s10 =	simm.s32 $0x0;
	[tilespmem:s28+$0x9420] =	vst v2;
	v1 =	vmul.f32 v1, v5;
	v2 =	vsub.f32 $1.500000000e+00, v61  }
0x72: {  	v63 =	vmov s10;
	[tilespmem:s3+$0x9420] =	vst v0;
	v0 =	vmul.f32 v3, v58;
	v3 =	vsub.f32 $1.500000000e+00, v62  }
0x73: {  	[tilespmem:s5+$0x9420] =	vst v1;
	v1 =	vmul.f32 v2, v11  }
0x74: {  	[tilespmem:s6+$0x9420] =	vst v0;
	v0 =	vmul.f32 v3, v10  }
0x75: {  	[tilespmem:s7+$0x9420] =	vst v1  }
0x76: {  	[tilespmem:s8+$0x9420] =	vst v0  }
0x77: {  	s3 =	simm.s32 $0x6720;
	v0 =	vld.idx.msk [tilespmem:v63+s21+$0x0], $0xffff  }
0x78: {  	v2 =	vld [tilespmem:s3+$0x0];
	_ =	sdelay $0x1  }
0x79: {  	s28 =	simm.s32 $0x1  }
0x7a: {  	s4 =	simm.s32 $0x2;
	v1 =	vmov s28  }
.LBB2_4:
0x7b: {  	p2 =	sne.s32 s4, $0x27F  }
0x7c: {  	v0 =	vmul.f32 v0, v2;
	_ =	sdelay $0x1  }
0x7d: {  	[tilespmem:s3+$0x0] =	vst v0  }
.Ltmp1:
0x7e: {  	s3 =	sadd.s32 $0x10, s3;
	v0 =	vld.idx.msk [tilespmem:v1+s21+$0x0], $0xffff;
	(pc) =	sbr.rel @p2 .LBB2_4-.Ltmp1, $2  }
0x7f: {  	v2 =	vld [tilespmem:s3+$0x0];
	_ =	sdelay $0x2  }
0x80: {  	v1 =	vmov s4;
	s4 =	sadd.s32 $0x1, s4  }
0x81: {  	_ = 	snop  }
0x82: {  	v0 =	vmul.f32 v0, v2;
	_ =	sdelay $0x1  }
0x83: {  	[tilespmem:s3+$0x0] =	vst v0  }
0x84: {  	s5 =	sadd.s32 $0x10, s3;
	v0 =	vld.idx.msk [tilespmem:v1+s21+$0x0], $0xffff  }
0x85: {  	v63 =	vld [tilespmem:s5+$0x0];
	_ =	sdelay $0x4  }
0x86: {  	v0 =	vmul.f32 v0, v63;
	_ =	sdelay $0x1  }
0x87: {  	s6 =	rddreg [dreg:$0xa];
	[tilespmem:s5+$0x0] =	vst v0  }
0x88: {  	[hbm4b:s6+s2] =	stream.linear.scatter [tilespmem:s20], [sflag:$0x6], $0x2800, $0x38;
	[tilespmem:$0xBEA0] =	vst v63  }
0x89: {  	_ =	swait.ge [sflag:s16], $0x2800  }
0x8a: {  	s4 =	simm.s32 @!p1 $0x9420;
	[sflag:s16] =	ssyncset.done $0x0  }
0x8b: {  	s3 =	simm.s32 @!p1 $0x0;
	s5 =	rddreg [dreg:$0xb];
	[sflag:s16] =	ssyncadd.s32 $0xFFFFD800  }
0x8c: {  	[hbm4b:s5+s3] =	stream.linear.scatter @!p1 [tilespmem:s4], [sflag:$0x6], $0x280, $0x38;
	[tilespmem:$0xBEA0] =	vst v63  }
0x8d: {  	s3 =	simm.s32 @!p1 $0x6  }
0x8e: {  	_ =	swait.ge @!p1 [sflag:s3], $0x280  }
0x8f: {  	[sflag:s3] =	ssyncset.done @!p1 $0x0  }
0x90: {  	[sflag:s3] =	ssyncadd.s32 @!p1 $0xFFFFFD80  }
0x91: {  	s7 =	simm.s32 $0x0;
	[bflag:$0x0] =	sbarrier.arrive $0xFFFF  }
0x92: {  	[tilespmem:s23], [sflag:$0x1] =	stream.indirect.gather [hbm4b:s11+s22], $0x10, s7, s22, $0xb8;
	[tilespmem:$0xBEA0] =	vst v63  }
0x93: {  	_ = 	snop  }
0x94: {  	[tilespmem:s24], [sflag:$0x2] =	stream.indirect.gather [hbm4b:s11+s22], $0x10, s22, s22, $0xb8;
	[tilespmem:$0xBEA0] =	vst v63  }
0x95: {  	s8 =	simm.s32 $0xA0  }
0x96: {  	[tilespmem:s26], [sflag:$0x3] =	stream.indirect.gather [hbm4b:s11+s22], $0x10, s8, s22, $0xb8;
	[tilespmem:$0xBEA0] =	vst v63  }
0x97: {  	s9 =	simm.s32 $0xF0  }
0x98: {  	[tilespmem:s29], [sflag:$0x4] =	stream.indirect.gather [hbm4b:s11+s22], $0x10, s9, s22, $0xb8;
	[tilespmem:$0xBEA0] =	vst v63  }
0x99: {  	s10 =	simm.s32 $0x140  }
0x9a: {  	[tilespmem:s31], [sflag:$0x5] =	stream.indirect.gather [hbm4b:s11+s22], $0x10, s10, s22, $0xb8;
	[tilespmem:$0xBEA0] =	vst v63  }
0x9b: {  	_ =	swait.ge [sflag:s0], $0x500  }
0x9c: {  	[sflag:s0] =	ssyncset.done $0x0  }
0x9d: {  	s28 =	simm.s32 $0x2710;
	[sflag:s0] =	ssyncadd.s32 $0xFFFFFB00  }
0x9e: {  	[spmem:s1] =	stream.indirect.scatter.add.f32 [tilespmem:s23], [sflag:$0x6], $0x10, s28, s22, $0xb8;
	[tilespmem:$0xBEA0] =	vst v63  }
0x9f: {  	_ =	swait.ge [sflag:s16], $0x500  }
0xa0: {  	[sflag:s16] =	ssyncset.done $0x0  }
0xa1: {  	s4 =	simm.s32 $0x190;
	[sflag:s16] =	ssyncadd.s32 $0xFFFFFB00  }
0xa2: {  	[tilespmem:s23], [sflag:$0x1] =	stream.indirect.gather [hbm4b:s11+s22], $0x10, s4, s22, $0xb8;
	[tilespmem:$0xBEA0] =	vst v63  }
0xa3: {  	_ =	swait.ge [sflag:s17], $0x500  }
0xa4: {  	[sflag:s17] =	ssyncset.done $0x0  }
0xa5: {  	s5 =	simm.s32 $0x2760;
	[sflag:s17] =	ssyncadd.s32 $0xFFFFFB00  }
0xa6: {  	[spmem:s1] =	stream.indirect.scatter.add.f32 [tilespmem:s24], [sflag:$0x6], $0x10, s5, s22, $0xb8;
	[tilespmem:$0xBEA0] =	vst v63  }
0xa7: {  	_ =	swait.ge [sflag:s16], $0x500  }
0xa8: {  	[sflag:s16] =	ssyncset.done $0x0  }
0xa9: {  	s6 =	simm.s32 $0x1E0;
	[sflag:s16] =	ssyncadd.s32 $0xFFFFFB00  }
0xaa: {  	[tilespmem:s24], [sflag:$0x2] =	stream.indirect.gather [hbm4b:s11+s22], $0x10, s6, s22, $0xb8;
	[tilespmem:$0xBEA0] =	vst v63  }
0xab: {  	_ =	swait.ge [sflag:s18], $0x500  }
0xac: {  	[sflag:s18] =	ssyncset.done $0x0  }
0xad: {  	s7 =	simm.s32 $0x27B0;
	[sflag:s18] =	ssyncadd.s32 $0xFFFFFB00  }
0xae: {  	[spmem:s1] =	stream.indirect.scatter.add.f32 [tilespmem:s26], [sflag:$0x6], $0x10, s7, s22, $0xb8;
	[tilespmem:$0xBEA0] =	vst v63  }
0xaf: {  	_ =	swait.ge [sflag:s16], $0x500  }
0xb0: {  	[sflag:s16] =	ssyncset.done $0x0  }
0xb1: {  	s8 =	simm.s32 $0x230;
	[sflag:s16] =	ssyncadd.s32 $0xFFFFFB00  }
0xb2: {  	[tilespmem:s26], [sflag:$0x3] =	stream.indirect.gather [hbm4b:s11+s22], $0x10, s8, s22, $0xb8;
	[tilespmem:$0xBEA0] =	vst v63  }
0xb3: {  	_ =	swait.ge [sflag:s19], $0x500  }
0xb4: {  	[sflag:s19] =	ssyncset.done $0x0  }
0xb5: {  	s9 =	simm.s32 $0x2800;
	[sflag:s19] =	ssyncadd.s32 $0xFFFFFB00  }
0xb6: {  	[spmem:s1] =	stream.indirect.scatter.add.f32 [tilespmem:s29], [sflag:$0x6], $0x10, s9, s22, $0xb8;
	[tilespmem:$0xBEA0] =	vst v63  }
0xb7: {  	_ =	swait.ge [sflag:s16], $0x500  }
0xb8: {  	[sflag:s16] =	ssyncset.done $0x0  }
0xb9: {  	s10 =	simm.s32 $0x280;
	[sflag:s16] =	ssyncadd.s32 $0xFFFFFB00  }
0xba: {  	[tilespmem:s29], [sflag:$0x4] =	stream.indirect.gather [hbm4b:s11+s22], $0x10, s10, s22, $0xb8;
	[tilespmem:$0xBEA0] =	vst v63  }
0xbb: {  	_ =	swait.ge [sflag:s25], $0x500  }
0xbc: {  	[sflag:s25] =	ssyncset.done $0x0  }
0xbd: {  	s28 =	simm.s32 $0x2850;
	[sflag:s25] =	ssyncadd.s32 $0xFFFFFB00  }
0xbe: {  	[spmem:s1] =	stream.indirect.scatter.add.f32 [tilespmem:s31], [sflag:$0x6], $0x10, s28, s22, $0xb8;
	[tilespmem:$0xBEA0] =	vst v63  }
0xbf: {  	_ =	swait.ge [sflag:s16], $0x500  }
0xc0: {  	[sflag:s16] =	ssyncset.done $0x0  }
0xc1: {  	s3 =	simm.s32 $0x640;
	s4 =	simm.s32 $0x2D0;
	[sflag:s16] =	ssyncadd.s32 $0xFFFFFB00  }
.LBB2_6:
0xc2: {  	[tilespmem:s31], [sflag:$0x5] =	stream.indirect.gather [hbm4b:s11+s22], $0x10, s4, s22, $0xb8;
	[tilespmem:$0xBEA0] =	vst v63  }
0xc3: {  	s4 =	smov.u32 s3  }
0xc4: {  	p2 =	sne.s32 s3, $0x8FC0;
	s3 =	sadd.s32 $0x640, s3;
	_ =	swait.ge [sflag:s0], $0x500  }
0xc5: {  	s4 =	sshra.s32 s4, $0x2;
	[sflag:s0] =	ssyncset.done $0x0  }
0xc6: {  	s5 =	sadd.s32 $0x2710, s4;
	[sflag:s0] =	ssyncadd.s32 $0xFFFFFB00  }
0xc7: {  	[spmem:s1] =	stream.indirect.scatter.add.f32 [tilespmem:s23], [sflag:$0x6], $0x10, s5, s22, $0xb8;
	[tilespmem:$0xBEA0] =	vst v63  }
0xc8: {  	_ =	swait.ge [sflag:s16], $0x500  }
0xc9: {  	[sflag:s16] =	ssyncset.done $0x0  }
0xca: {  	s5 =	sadd.s32 $0x190, s4;
	[sflag:s16] =	ssyncadd.s32 $0xFFFFFB00  }
0xcb: {  	[tilespmem:s23], [sflag:$0x1] =	stream.indirect.gather [hbm4b:s11+s22], $0x10, s5, s22, $0xb8;
	[tilespmem:$0xBEA0] =	vst v63  }
0xcc: {  	_ =	swait.ge [sflag:s17], $0x500  }
0xcd: {  	[sflag:s17] =	ssyncset.done $0x0  }
0xce: {  	s5 =	sadd.s32 $0x2760, s4;
	[sflag:s17] =	ssyncadd.s32 $0xFFFFFB00  }
0xcf: {  	[spmem:s1] =	stream.indirect.scatter.add.f32 [tilespmem:s24], [sflag:$0x6], $0x10, s5, s22, $0xb8;
	[tilespmem:$0xBEA0] =	vst v63  }
0xd0: {  	_ =	swait.ge [sflag:s16], $0x500  }
0xd1: {  	[sflag:s16] =	ssyncset.done $0x0  }
0xd2: {  	s5 =	sadd.s32 $0x1E0, s4;
	[sflag:s16] =	ssyncadd.s32 $0xFFFFFB00  }
0xd3: {  	[tilespmem:s24], [sflag:$0x2] =	stream.indirect.gather [hbm4b:s11+s22], $0x10, s5, s22, $0xb8;
	[tilespmem:$0xBEA0] =	vst v63  }
0xd4: {  	_ =	swait.ge [sflag:s18], $0x500  }
0xd5: {  	[sflag:s18] =	ssyncset.done $0x0  }
0xd6: {  	s5 =	sadd.s32 $0x27B0, s4;
	[sflag:s18] =	ssyncadd.s32 $0xFFFFFB00  }
0xd7: {  	[spmem:s1] =	stream.indirect.scatter.add.f32 [tilespmem:s26], [sflag:$0x6], $0x10, s5, s22, $0xb8;
	[tilespmem:$0xBEA0] =	vst v63  }
0xd8: {  	_ =	swait.ge [sflag:s16], $0x500  }
0xd9: {  	[sflag:s16] =	ssyncset.done $0x0  }
0xda: {  	s5 =	sadd.s32 $0x230, s4;
	[sflag:s16] =	ssyncadd.s32 $0xFFFFFB00  }
0xdb: {  	[tilespmem:s26], [sflag:$0x3] =	stream.indirect.gather [hbm4b:s11+s22], $0x10, s5, s22, $0xb8;
	[tilespmem:$0xBEA0] =	vst v63  }
0xdc: {  	_ =	swait.ge [sflag:s19], $0x500  }
0xdd: {  	[sflag:s19] =	ssyncset.done $0x0  }
0xde: {  	s5 =	sadd.s32 $0x2800, s4;
	[sflag:s19] =	ssyncadd.s32 $0xFFFFFB00  }
0xdf: {  	[spmem:s1] =	stream.indirect.scatter.add.f32 [tilespmem:s29], [sflag:$0x6], $0x10, s5, s22, $0xb8;
	[tilespmem:$0xBEA0] =	vst v63  }
0xe0: {  	_ =	swait.ge [sflag:s16], $0x500  }
0xe1: {  	[sflag:s16] =	ssyncset.done $0x0  }
0xe2: {  	s5 =	sadd.s32 $0x280, s4;
	[sflag:s16] =	ssyncadd.s32 $0xFFFFFB00  }
0xe3: {  	[tilespmem:s29], [sflag:$0x4] =	stream.indirect.gather [hbm4b:s11+s22], $0x10, s5, s22, $0xb8;
	[tilespmem:$0xBEA0] =	vst v63  }
0xe4: {  	_ =	swait.ge [sflag:s25], $0x500  }
0xe5: {  	[sflag:s25] =	ssyncset.done $0x0  }
.Ltmp2:
0xe6: {  	s5 =	sadd.s32 $0x2850, s4;
	[sflag:s25] =	ssyncadd.s32 $0xFFFFFB00;
	(pc) =	sbr.rel @p2 .LBB2_6-.Ltmp2, $4  }
0xe7: {  	[spmem:s1] =	stream.indirect.scatter.add.f32 [tilespmem:s31], [sflag:$0x6], $0x10, s5, s22, $0xb8;
	[tilespmem:$0xBEA0] =	vst v63  }
0xe8: {  	_ =	swait.ge [sflag:s16], $0x500  }
0xe9: {  	[sflag:s16] =	ssyncset.done $0x0  }
0xea: {  	s4 =	sadd.s32 $0x2D0, s4;
	[sflag:s16] =	ssyncadd.s32 $0xFFFFFB00  }
0xeb: {  	[tilespmem:s31], [sflag:$0x5] =	stream.indirect.gather [hbm4b:s11+s22], $0x10, s4, s22, $0xb8;
	[tilespmem:$0xBEA0] =	vst v63  }
0xec: {  	_ =	swait.ge [sflag:s0], $0x500  }
0xed: {  	[sflag:s0] =	ssyncset.done $0x0  }
0xee: {  	s3 =	simm.s32 $0x4C90;
	[sflag:s0] =	ssyncadd.s32 $0xFFFFFB00  }
0xef: {  	[spmem:s1] =	stream.indirect.scatter.add.f32 [tilespmem:s23], [sflag:$0x6], $0x10, s3, s22, $0xb8;
	[tilespmem:$0xBEA0] =	vst v63  }
0xf0: {  	_ =	swait.ge [sflag:s16], $0x500  }
0xf1: {  	[sflag:s16] =	ssyncset.done $0x0  }
0xf2: {  	[sflag:s16] =	ssyncadd.s32 $0xFFFFFB00  }
0xf3: {  	_ =	swait.ge [sflag:s17], $0x500  }
0xf4: {  	[sflag:s17] =	ssyncset.done $0x0  }
0xf5: {  	s8 =	simm.s32 $0x4CE0;
	[sflag:s17] =	ssyncadd.s32 $0xFFFFFB00  }
0xf6: {  	[spmem:s1] =	stream.indirect.scatter.add.f32 [tilespmem:s24], [sflag:$0x6], $0x10, s8, s22, $0xb8;
	[tilespmem:$0xBEA0] =	vst v63  }
0xf7: {  	_ =	swait.ge [sflag:s16], $0x500  }
0xf8: {  	[sflag:s16] =	ssyncset.done $0x0  }
0xf9: {  	[sflag:s16] =	ssyncadd.s32 $0xFFFFFB00  }
0xfa: {  	_ =	swait.ge [sflag:s18], $0x500  }
0xfb: {  	[sflag:s18] =	ssyncset.done $0x0  }
0xfc: {  	s9 =	simm.s32 $0x4D30;
	[sflag:s18] =	ssyncadd.s32 $0xFFFFFB00  }
0xfd: {  	[spmem:s1] =	stream.indirect.scatter.add.f32 [tilespmem:s26], [sflag:$0x6], $0x10, s9, s22, $0xb8;
	[tilespmem:$0xBEA0] =	vst v63  }
0xfe: {  	_ =	swait.ge [sflag:s16], $0x500  }
0xff: {  	[sflag:s16] =	ssyncset.done $0x0  }
0x100: {  	[sflag:s16] =	ssyncadd.s32 $0xFFFFFB00  }
0x101: {  	_ =	swait.ge [sflag:s19], $0x500  }
0x102: {  	[sflag:s19] =	ssyncset.done $0x0  }
0x103: {  	s10 =	simm.s32 $0x4D80;
	[sflag:s19] =	ssyncadd.s32 $0xFFFFFB00  }
0x104: {  	[spmem:s1] =	stream.indirect.scatter.add.f32 [tilespmem:s29], [sflag:$0x6], $0x10, s10, s22, $0xb8;
	[tilespmem:$0xBEA0] =	vst v63  }
0x105: {  	_ =	swait.ge [sflag:s16], $0x500  }
0x106: {  	[sflag:s16] =	ssyncset.done $0x0  }
0x107: {  	[sflag:s16] =	ssyncadd.s32 $0xFFFFFB00  }
0x108: {  	_ =	swait.ge [sflag:s25], $0x500  }
0x109: {  	[sflag:s25] =	ssyncset.done $0x0  }
0x10a: {  	s28 =	simm.s32 $0x4DD0;
	[sflag:s25] =	ssyncadd.s32 $0xFFFFFB00  }
0x10b: {  	[spmem:s1] =	stream.indirect.scatter.add.f32 [tilespmem:s31], [sflag:$0x6], $0x10, s28, s22, $0xb8;
	[tilespmem:$0xBEA0] =	vst v63  }
0x10c: {  	_ =	swait.ge [sflag:s16], $0x500  }
0x10d: {  	[sflag:s16] =	ssyncset.done $0x0  }
0x10e: {  	[sflag:s16] =	ssyncadd.s32 $0xFFFFFB00  }
0x10f: {  	[bflag:$0x0] =	sbarrier.arrive $0xFFFF  }
0x110: {  	[tilespmem:s20], [sflag:$0x6] =	stream.linear.gather [spmem:s12], $0x2800, $0x38;
	[tilespmem:$0xBEA0] =	vst v63  }
0x111: {  	s30 =	sadd.s32 $0x1, s30;
	_ =	swait.ge [sflag:s16], $0x2800  }
0x112: {  	p2 =	sne.s32 s30, s14;
	[sflag:s16] =	ssyncset.done $0x0  }
.Ltmp3:
0x113: {  	[sflag:s16] =	ssyncadd.s32 $0xFFFFD800;
	(pc) =	sbr.rel @p2 .LBB2_1-.Ltmp3, $4  }
0x114: {  	[hbm4b:s13+s2] =	stream.linear.scatter [tilespmem:s20], [sflag:$0x6], $0x2800, $0x38;
	[tilespmem:$0xBEA0] =	vst v63  }
0x115: {  	_ =	swait.ge [sflag:s16], $0x2800  }
0x116: {  	[sflag:s16] =	ssyncset.done $0x0  }
0x117: {  	[sflag:s16] =	ssyncadd.s32 $0xFFFFD800  }
0x118: {  	_ =	sfence.sel $0x180000  }
0x119: {  	[bflag:$0x0] =	sbarrier.arrive $0xFFFF  }
0x11a: {  	_ =	strace $0x9000004A  }
0x11b: {  	[bflag:$0x2] =	sbarrier.arrive $0xFFFF  }
0x11c: {  	s0 =	rddreg [dreg:$0x3]  }
0x11d: {  	s0 =	sadd.s32 @!p0 $0x100000, s0  }
0x11e: {  	[sflag:s0] =	ssyncadd.tile.s32 @!p0 $0x1;
	_ =	shalt  }
.Lfunc_end2:
_tile_overlayer_lowered:
.L_overlay_start_2:
0x11f: {  	(tag) =	ssettag $0x2  }
0x120: {  	s0 =	rddreg [dreg:$0x0];
	s2 =	stileid.u32  }
0x121: {  	s1 =	rddreg [dreg:$0x1];
	p0 =	sne.s32 s2, $0x0  }
0x122: {  	s3 =	rddreg [dreg:$0x2];
	[bflag:$0x3] =	sbarrier.arrive $0xFFFF;
	s2 =	simm.s32 @!p0 $0x1C06  }
0x123: {  	[timem:s3], [sflag:s2] =	dma.local @!p0 [hbm:s0], s1  }
0x124: {  	s0 =	simm.s32 @!p0 $0x6  }
0x125: {  	_ =	swait.ge @!p0 [sflag:s0], s1  }
0x126: {  	s1 =	ssub.s32 @!p0 $0x0, s1;
	[sflag:s0] =	ssyncset.done @!p0 $0x0  }
0x127: {  	[sflag:s0] =	ssyncadd.s32 @!p0 s1  }
0x128: {  	[bflag:$0x3] =	sbarrier.arrive $0xFFFF  }
0x129: {  	_ =	shalt  }

// kernel: kernel.13.cloned.1.call-start
scs
__scs_entry_jumppad:
0x0: {  	(pc) =	sbr.rel $0x88, $3  }
0x1: {  	(tag) =	ssettag $0x0;
	lr =	simm.s32 $0x1  }
0x2: {  	[smem:$0x3F9B] =	sst lr;
	_ =	strace $0xD0000000  }
0x3: {  	_ = 	snop  }
0x4: {  	_ = 	snop  }
0x5: {  	_ = 	snop  }
0x6: {  	_ = 	snop  }
0x7: {  	_ = 	snop  }
__scs_overlays_trampoline_lowered:
0x8: {  	[smem:$0x3FAA] =	sst s0  }
0x9: {  	[smem:$0x3FAB] =	sst s1  }
0xa: {  	[smem:$0x3FAC] =	sst s2  }
0xb: {  	[smem:$0x3FAD] =	sst s3  }
0xc: {  	[smem:$0x3FAE] =	sst s4  }
0xd: {  	[smem:$0x3FAF] =	sst s5  }
0xe: {  	[smem:$0x3FB0] =	sst s6  }
0xf: {  	[smem:$0x3FB1] =	sst s7  }
0x10: {  	[smem:$0x3FB2] =	sst s8  }
0x11: {  	[smem:$0x3FB3] =	sst s9;
	s0 =	simm.s32 @!p0 $0x0  }
0x12: {  	s1 =	sld [smem:$0x3F99];
	s0 =	simm.s32 @p0 $0x1  }
0x13: {  	[smem:$0x3FB4] =	sst s0;
	s0 =	simm.s32 @!p1 $0x0  }
0x14: {  	s2 =	sld [smem:$0x3F98];
	s0 =	simm.s32 @p1 $0x1  }
0x15: {  	[smem:$0x3FB5] =	sst s0;
	s0 =	simm.s32 @!p2 $0x0  }
0x16: {  	s3 =	sld [smem:$0x3FDB];
	s0 =	simm.s32 @p2 $0x1  }
0x17: {  	s4 =	simm.s32 $0x1BF5;
	[smem:$0x3FB7] =	sst s0  }
0x18: {  	s0 =	sld [smem:$0x3F9A];
	_ =	swait.ge [sflag:s4], $0x0  }
0x19: {  	s7 =	sld [smem:$0x3F9B]  }
0x1a: {  	s8 =	sadd.s32 $0xFFFFE003, lr  }
0x1b: {  	s9 =	sadd.s32 $0xFFFFFEF7, lr;
	s5 =	simm.s32 $0xFFFFFFFF;
	p2 =	slt.u32 s8, $0xFFFFF086  }
0x1c: {  	p1 =	slt.u32 s9, $0xF7A;
	s5 =	simm.s32 @!p2 $0x0  }
0x1d: {  	s5 =	simm.s32 @p1 $0x1;
	p0 =	seq.s32 s7, s2  }
0x1e: {  	s7 =	smul.u32 @!p0 $0xF7A, s2;
	p2 =	seq.s32 @!p0 s5, $0x0  }
0x1f: {  	s9 =	smul.u32 $0xF7A, s1;
	s8 =	simm.s32 @!p0 $0x1BF5;
	p2 =	por !p2, p0  }
0x20: {  	[sflag:s8] =	ssyncset.s32 @!p0 $0xFFFFF086;
	s6 =	sadd.s32 @!p0 s3, s7;
	s7 =	simm.s32 @!p0 $0x108  }
0x21: {  	s3 =	sadd.s32 s3, s9;
	s6 =	sadd.s32 @!p0 $0x88, s6;
	s7 =	simm.s32 @p2 $0x1082  }
0x22: {  	[simem:s7], [sflag:s8] =	dma.local @!p0 [hbm:s6], $0xF7A  }
0x23: {  	s9 =	sor.u32 $0xD0000000, s2;
	s6 =	simm.s32 $0x108;
	_ =	swait.ge @!p0 [sflag:s8], $0x0  }
0x24: {  	s3 =	sadd.s32 $0x88, s3;
	s6 =	simm.s32 @!p1 $0x1082;
	[sflag:s4] =	ssyncset.s32 $0xFFFFF086  }
0x25: {  	[simem:s6], [sflag:s4] =	dma.local [hbm:s3], $0xF7A  }
0x26: {  	[smem:$0x3F9B] =	sst s1;
	(tag) =	ssettag s2;
	_ =	strace s9  }
0x27: {  	s1 =	sld [smem:$0x3FAB]  }
0x28: {  	s2 =	sld [smem:$0x3FAC]  }
0x29: {  	s4 =	sld [smem:$0x3FAE]  }
0x2a: {  	p0 =	seq.s32 s5, $0x0;
	s5 =	sld [smem:$0x3FAF]  }
0x2b: {  	s6 =	sld [smem:$0x3FB0]  }
0x2c: {  	s7 =	sld [smem:$0x3FB1]  }
0x2d: {  	s3 =	simm.s32 $0x108;
	s8 =	sld [smem:$0x3FB2]  }
0x2e: {  	s3 =	simm.s32 @!p0 $0x1082;
	s9 =	sld [smem:$0x3FB3]  }
0x2f: {  	lr =	sadd.s32 s0, s3;
	s0 =	sld [smem:$0x3FAA]  }
0x30: {  	s3 =	sld [smem:$0x3FAD]  }
0x31: {  	[smem:$0x3FB6] =	sst s10  }
0x32: {  	s10 =	sld [smem:$0x3FB4];
	_ =	sdelay $0x3  }
0x33: {  	p0 =	seq.s32 s10, $0x1;
	s10 =	sld [smem:$0x3FB6];
	_ =	sdelay $0x3  }
0x34: {  	[smem:$0x3FB6] =	sst s10  }
0x35: {  	s10 =	sld [smem:$0x3FB5];
	_ =	sdelay $0x3  }
0x36: {  	p1 =	seq.s32 s10, $0x1;
	s10 =	sld [smem:$0x3FB6];
	_ =	sdelay $0x3  }
0x37: {  	[smem:$0x3FB6] =	sst s10  }
0x38: {  	s10 =	sld [smem:$0x3FB7]  }
0x39: {  	_ = 	snop;
	(pc) =	sbr.ind lr, $3  }
0x3a: {  	_ = 	snop  }
0x3b: {  	_ = 	snop  }
0x3c: {  	p2 =	seq.s32 s10, $0x1;
	s10 =	sld [smem:$0x3FB6]  }
0x3d: {  	_ =	shalt  }
0x3e: {  	_ =	shalt  }
0x3f: {  	_ =	shalt  }
0x40: {  	_ =	shalt  }
0x41: {  	_ =	shalt  }
0x42: {  	_ =	shalt  }
0x43: {  	_ =	shalt  }
0x44: {  	_ =	shalt  }
0x45: {  	_ =	shalt  }
0x46: {  	_ =	shalt  }
0x47: {  	_ =	shalt  }
0x48: {  	_ =	shalt  }
0x49: {  	_ =	shalt  }
0x4a: {  	_ =	shalt  }
0x4b: {  	_ =	shalt  }
0x4c: {  	_ =	shalt  }
0x4d: {  	_ =	shalt  }
0x4e: {  	_ =	shalt  }
0x4f: {  	_ =	shalt  }
0x50: {  	_ =	shalt  }
0x51: {  	_ =	shalt  }
0x52: {  	_ =	shalt  }
0x53: {  	_ =	shalt  }
0x54: {  	_ =	shalt  }
0x55: {  	_ =	shalt  }
0x56: {  	_ =	shalt  }
0x57: {  	_ =	shalt  }
0x58: {  	_ =	shalt  }
0x59: {  	_ =	shalt  }
0x5a: {  	_ =	shalt  }
0x5b: {  	_ =	shalt  }
0x5c: {  	_ =	shalt  }
0x5d: {  	_ =	shalt  }
0x5e: {  	_ =	shalt  }
0x5f: {  	_ =	shalt  }
0x60: {  	_ =	shalt  }
0x61: {  	_ =	shalt  }
0x62: {  	_ =	shalt  }
0x63: {  	_ =	shalt  }
0x64: {  	_ =	shalt  }
0x65: {  	_ =	shalt  }
0x66: {  	_ =	shalt  }
0x67: {  	_ =	shalt  }
0x68: {  	_ =	shalt  }
0x69: {  	_ =	shalt  }
0x6a: {  	_ =	shalt  }
0x6b: {  	_ =	shalt  }
0x6c: {  	_ =	shalt  }
0x6d: {  	_ =	shalt  }
0x6e: {  	_ =	shalt  }
0x6f: {  	_ =	shalt  }
0x70: {  	_ =	shalt  }
0x71: {  	_ =	shalt  }
0x72: {  	_ =	shalt  }
0x73: {  	_ =	shalt  }
0x74: {  	_ =	shalt  }
0x75: {  	_ =	shalt  }
0x76: {  	_ =	shalt  }
0x77: {  	_ =	shalt  }
0x78: {  	_ =	shalt  }
0x79: {  	_ =	shalt  }
0x7a: {  	_ =	shalt  }
0x7b: {  	_ =	shalt  }
0x7c: {  	_ =	shalt  }
0x7d: {  	_ =	shalt  }
0x7e: {  	_ =	shalt  }
0x7f: {  	_ =	shalt  }
0x80: {  	_ =	shalt  }
0x81: {  	_ =	shalt  }
0x82: {  	_ =	shalt  }
0x83: {  	_ =	shalt  }
0x84: {  	_ =	shalt  }
0x85: {  	_ =	shalt  }
0x86: {  	_ =	shalt  }
0x87: {  	_ =	shalt  }
.Lfunc_end0:
.L_simem_size_0:
called_computation.2_lowered:
.L_overlay_start_0:
0x88: {  	s2 =	sld [smem:$0x3FD9]  }
0x89: {  	s3 =	sld [smem:$0x3FFE];
	_ =	sdelay $0x1  }
0x8a: {  	s1 =	srdreg.scid  }
0x8b: {  	s0 =	sand.u32 $0x1, s1  }
0x8c: {  	s17 =	sshll.u32 s0, $0xA;
	s2 =	sadd.s32 s3, s2  }
0x8d: {  	s2 =	sadd.s32 s2, s17  }
0x8e: {  	[smem:$0x3FC2] =	sst s2  }
0x8f: {  	_ = 	snop  }
0x90: {  	s2 =	sld [smem:$0x3FC6]  }
0x91: {  	s18 =	sld [smem:$0x3FD0];
	(tm) =	ssettm $0x1  }
0x92: {  	s4 =	sld [smem:$0x3FFB];
	_ =	sdelay $0x3  }
0x93: {  	_ =	strace s4  }
0x94: {  	s4 =	sld [smem:$0x3FFC];
	_ =	sdelay $0x3  }
0x95: {  	_ =	strace s4  }
0x96: {  	s4 =	sld [smem:$0x3FFD];
	_ =	sdelay $0x3  }
0x97: {  	_ =	strace s4  }
0x98: {  	_ =	strace $0x8FFFFFFF  }
0x99: {  	s19 =	sld [smem:$0x3FDB];
	_ =	sdelay $0x1  }
0x9a: {  	s5 =	simm.s32 $_scs_section_size  }
0x9b: {  	s6 =	simm.s32 $_size__tile_overlayer_lowered;
	s7 =	simm.s32 $_tile_overlayer_lowered  }
0x9c: {  	s22 =	simm.s32 $0x1BFF;
	s21 =	sshll.u32 s7, $0x1;
	s4 =	sadd.s32 s5, s19  }
0x9d: {  	s8 =	simm.s32 $0x0;
	s20 =	sshll.u32 s6, $0x1;
	s6 =	sadd.s32 s21, s4  }
0x9e: {  	[timem:s8], [sflag:s22] =	dma.local [hbm:s6], s20  }
0x9f: {  	_ =	swait.ge [sflag:s22], s20  }
0xa0: {  	s5 =	ssub.s32 $0x0, s20;
	[sflag:s22] =	ssyncset.done $0x0  }
0xa1: {  	[sflag:s22] =	ssyncadd.s32 s5;
	_ =	sdelay $0x1  }
0xa2: {  	s23 =	simm.s32 $0x1B8B  }
0xa3: {  	_ =	swait.ge [sflag:s23], $0x1  }
0xa4: {  	[sflag:s23] =	ssyncset.done $0x0  }
0xa5: {  	s25 =	simm.s32 $0x1B8E;
	s24 =	sld [smem:$0x3FFE];
	[sflag:s23] =	ssyncadd.s32 $0xFFFFFFFF  }
0xa6: {  	s26 =	simm.s32 $execute0_lowered;
	[smem:$0x3FD2] =	sst s25  }
0xa7: {  	s6 =	sshll.u32 s26, $0x1;
	_ =	strace $0x8000004C;
	[dreg:$0x1] =	wrdreg $0xFFFFFFFF  }
0xa8: {  	s28 =	simm.s32 $_size_execute0_lowered;
	s4 =	sadd.s32 s4, s6;
	[dreg:$0x0] =	wrdreg $0x0  }
0xa9: {  	s6 =	sshll.u32 s28, $0x1;
	[dreg:$0x2] =	wrdreg s4  }
0xaa: {  	[dreg:$0x3] =	wrdreg s6  }
0xab: {  	[dreg:$0x4] =	wrdreg $0xC0  }
0xac: {  	_ =	task [dreg:s8], $0x5FFFF  }
0xad: {  	[dreg:$0x1] =	wrdreg $0xFFFFFFFF  }
0xae: {  	[dreg:$0x0] =	wrdreg $0x60  }
0xaf: {  	[dreg:$0x2] =	wrdreg s24  }
0xb0: {  	[dreg:$0x3] =	wrdreg s2  }
0xb1: {  	[dreg:$0x4] =	wrdreg s18  }
0xb2: {  	[dreg:$0x5] =	wrdreg $0xE1B00  }
0xb3: {  	[dreg:$0x6] =	wrdreg $0x9  }
0xb4: {  	_ =	task.clear_ibuf [dreg:s8], $0x7FFFF;
	_ =	strace $0x9000004C  }
0xb5: {  	s29 =	simm.s32 $0x9;
	_ =	strace $0x8000004E  }
0xb6: {  	_ =	swait.ge [sflag:s29], $0x1  }
0xb7: {  	[sflag:s29] =	ssyncadd.s32 $0xFFFFFFFF  }
0xb8: {  	_ =	strace $0x9000004E  }
0xb9: {  	_ =	sfence  }
0xba: {  	s30 =	sld [smem:$0x0];
	_ =	sdelay $0x2  }
0xbb: {  	s31 =	sshll.u32 s1, $0xD;
	s1 =	sshrl.u32 s1, $0x2  }
0xbc: {  	s3 =	sand.u32 $0x4000, s31;
	s1 =	sadd.s32 s1, s30  }
0xbd: {  	s0 =	sor.u32 s3, s0;
	s1 =	sshll.u32 s1, $0x11  }
0xbe: {  	s0 =	sor.u32 s1, s0  }
0xbf: {  	s0 =	sadd.s32 $0x8F2B, s0  }
0xc0: {  	[sflag:s0] =	ssyncadd.remote.s32 $0x1  }
0xc1: {  	_ =	sfence.sel $0xFFFF  }
0xc2: {  	[dreg:$0x0] =	wrdreg $0xFFFFFFFF;
	(pc) =	sbr.abs _section_cstart, $3  }
0xc3: {  	[dreg:$0x1] =	wrdreg $0xFFFFFFFF  }
0xc4: {  	_ =	task.clear_ibuf [dreg:s8], $0x2FFFF;
	_ =	strace $0x9FFFFFFF  }
0xc5: {  	(tm) =	ssettm $0x7FFFFFFF  }
tec
execute0_lowered:
.L_overlay_start_1:
0x0: {  	(tag) =	ssettag $0x1  }
0x1: {  	s0 =	rddreg [dreg:$0x0];
	s1 =	srdreg.scid  }
0x2: {  	s4 =	stileid.u32;
	s5 =	rddreg [dreg:$0x2];
	s17 =	simm.s32 $0x6  }
0x3: {  	s19 =	simm.s32 $0xDF20;
	s21 =	simm.s32 $0x6720;
	s22 =	simm.s32 $0x50  }
0x4: {  	s23 =	simm.s32 $0x4E20;
	s29 =	simm.s32 $0x5D20;
	s31 =	simm.s32 $0x6220  }
0x5: {  	s18 =	simm.s32 $0x3;
	s20 =	simm.s32 $0x4;
	s30 =	simm.s32 $0x0  }
0x6: {  	s1 =	sand.u32 $0x1, s1;
	s2 =	sshll.u32 s4, $0x1;
	s13 =	smul.u32 $0x2800, s4  }
0x7: {  	s9 =	smul.u32 $0x50, s4;
	s25 =	sadd.s32 $0x16000, s0;
	p0 =	sne.s32 s4, $0x0  }
0x8: {  	s3 =	sor.u32 s1, s2;
	s2 =	rddreg [dreg:$0x3];
	s10 =	smul.u32 $0x28000, s1  }
0x9: {  	s1 =	ssub.s32 $0x2, s1;
	s6 =	smul.u32 $0x4E2, s3;
	s3 =	simm.s32 $0x0  }
0xa: {  	s7 =	sshrl.u32 s13, $0x3;
	s15 =	sadd.s32 s9, s0;
	s24 =	sshrl.u32 s1, $0x1  }
0xb: {  	s16 =	sshrl.u32 @!p0 s2, $0x3;
	[smem:$0x7FF] =	sst s3;
	s8 =	sadd.s32 s13, s10  }
0xc: {  	s11 =	sadd.s32 s7, s0;
	s1 =	ssub.s32 s1, s24;
	s28 =	sshrl.u32 s10, $0x3  }
0xd: {  	s10 =	sadd.s32 $0x25000, s15;
	s13 =	sadd.s32 s13, s2;
	s24 =	simm.s32 $0x5320  }
0xe: {  	_ =	strace $0x8000004D;
	s6 =	sadd.s32 s6, s0;
	s14 =	sshrl.u32 s8, $0x3  }
0xf: {  	[dreg:$0x5] =	wrdreg s25;
	s7 =	sadd.s32 $0x1B000, s11;
	s8 =	sadd.s32 $0x20000, s11  }
0x10: {  	s15 =	smax.u32 s1, $0x1;
	s1 =	simm.s32 $0x1;
	s26 =	sadd.s32 $0x2400, s6  }
0x11: {  	s25 =	simm.s32 $0x5;
	s6 =	sadd.s32 $0xC200, s6;
	[dreg:$0x6] =	wrdreg s26  }
0x12: {  	s12 =	sadd.s32 s14, s0;
	s0 =	sadd.s32 $0x31200, s0;
	[dreg:$0x7] =	wrdreg s6  }
0x13: {  	s9 =	sadd.s32 $0x27200, s12;
	s11 =	sadd.s32 s0, s14;
	s12 =	sadd.s32 s0, s28  }
0x14: {  	s14 =	sadd.s32 s5, s14;
	s26 =	simm.s32 $0x5820;
	s0 =	simm.s32 $0x2  }
.LBB2_1:
0x15: {  	s4 =	simm.s32 @!p0 $0x1C06;
	s5 =	rddreg [dreg:$0x5]  }
0x16: {  	[spmem:s16], [sflag:s4] =	dma.local @!p0 [hbm:s5], $0x5000  }
0x17: {  	s4 =	simm.s32 @!p0 $0x6  }
0x18: {  	_ =	swait.ge @!p0 [sflag:s4], $0x5000  }
0x19: {  	[sflag:s4] =	ssyncset.done @!p0 $0x0  }
0x1a: {  	s6 =	rddreg [dreg:$0x6];
	[sflag:s4] =	ssyncadd.s32 @!p0 $0xFFFFB000  }
0x1b: {  	[tilespmem:s3], [sflag:$0x6] =	stream.linear.gather [hbm4b:s6+s3], $0x2710, $0x38;
	[tilespmem:$0x109B0] =	vst v63  }
0x1c: {  	_ =	swait.ge [sflag:s17], $0x2710  }
0x1d: {  	[sflag:s17] =	ssyncset.done $0x0  }
0x1e: {  	s6 =	simm.s32 $0x2710;
	s5 =	rddreg [dreg:$0x7];
	[sflag:s17] =	ssyncadd.s32 $0xFFFFD8F0  }
0x1f: {  	[tilespmem:s6], [sflag:$0x6] =	stream.linear.gather [hbm4b:s5+s3], $0x2710, $0x38;
	[tilespmem:$0x109B0] =	vst v63  }
0x20: {  	_ =	swait.ge [sflag:s17], $0x2710  }
0x21: {  	[sflag:s17] =	ssyncset.done $0x0  }
0x22: {  	s5 =	simm.s32 $0x8F20;
	[sflag:s17] =	ssyncadd.s32 $0xFFFFD8F0  }
0x23: {  	[tilespmem:s5], [sflag:$0x6] =	stream.linear.gather [hbm4b:s7+s3], $0x2800, $0x38;
	[tilespmem:$0x109B0] =	vst v63  }
0x24: {  	_ =	swait.ge [sflag:s17], $0x2800  }
0x25: {  	[sflag:s17] =	ssyncset.done $0x0  }
0x26: {  	s4 =	simm.s32 $0xB720;
	[sflag:s17] =	ssyncadd.s32 $0xFFFFD800  }
0x27: {  	[tilespmem:s4], [sflag:$0x6] =	stream.linear.gather [hbm4b:s8+s3], $0x2800, $0x38;
	[tilespmem:$0x109B0] =	vst v63  }
0x28: {  	_ =	swait.ge [sflag:s17], $0x2800  }
0x29: {  	[sflag:s17] =	ssyncset.done $0x0  }
0x2a: {  	[sflag:s17] =	ssyncadd.s32 $0xFFFFD800  }
0x2b: {  	[tilespmem:s21], [sflag:$0x6] =	stream.linear.gather [hbm4b:s9+s3], $0x2800, $0x38;
	[tilespmem:$0x109B0] =	vst v63  }
0x2c: {  	_ =	swait.ge [sflag:s17], $0x2800  }
0x2d: {  	[sflag:s17] =	ssyncset.done $0x0  }
0x2e: {  	[sflag:s17] =	ssyncadd.s32 $0xFFFFD800  }
0x2f: {  	[tilespmem:s19], [sflag:$0x6] =	stream.linear.gather [hbm4b:s10+s3], $0x280, $0x38;
	[tilespmem:$0x109B0] =	vst v63  }
0x30: {  	_ =	swait.ge [sflag:s17], $0x280  }
0x31: {  	[sflag:s17] =	ssyncset.done $0x0  }
0x32: {  	[sflag:s17] =	ssyncadd.s32 $0xFFFFFD80  }
0x33: {  	s28 =	simm.s32 $0xE1A0;
	s6 =	rddreg [dreg:$0x1]  }
0x34: {  	[tilespmem:s28], [sflag:$0x6] =	stream.linear.gather [hbm4b:s6+s3], $0x10, $0x38;
	[tilespmem:$0x109B0] =	vst v63  }
0x35: {  	_ =	swait.ge [sflag:s17], $0x10  }
0x36: {  	[sflag:s17] =	ssyncset.done $0x0  }
0x37: {  	[sflag:s17] =	ssyncadd.s32 $0xFFFFFFF0  }
0x38: {  	v0 =	vmov s3;
	v1 =	vld [tilespmem:s5+$0x0]  }
0x39: {  	v2 =	vld [tilespmem:s4+$0x0];
	_ =	sdelay $0x1  }
0x3a: {  	v3 =	vld [tilespmem:s21+$0x0];
	_ =	sdelay $0x1  }
0x3b: {  	v4 =	vld.idx.msk [tilespmem:v0+s19+$0x0], $0xffff  }
0x3c: {  	v1 =	vadd.f32 v2, v1  }
0x3d: {  	v0 =	vld [tilespmem:$0xE1A0]  }
0x3e: {  	v1 =	vadd.f32 v3, v1;
	_ =	sdelay $0x1  }
0x3f: {  	v1 =	vmul.f32 v1, v4;
	_ =	sdelay $0x1  }
0x40: {  	v1 =	vadd.f32 v1, v0;
	_ =	sdelay $0x1  }
0x41: {  	v1 =	vmax.f32 v1, $0.0e+00  }
0x42: {  	v2 =	vmul.f32 v1, v4  }
0x43: {  	s6 =	simm.s32 $0x1  }
0x44: {  	s28 =	simm.s32 $0x6720;
	s5 =	simm.s32 $0x2;
	v1 =	vmov s6;
	s6 =	simm.s32 $0x8F30;
	[tilespmem:s21+$0x0] =	vst v2  }
.LBB2_2:
0x45: {  	p1 =	sne.s32 s5, $0x27F;
	v2 =	vld [tilespmem:s6+$0x0];
	s4 =	sadd.s32 $0x10, s4  }
0x46: {  	v3 =	vld [tilespmem:s4+$0x0]  }
0x47: {  	s28 =	sadd.s32 $0x10, s28  }
0x48: {  	v4 =	vld [tilespmem:s28+$0x0]  }
0x49: {  	v1 =	vld.idx.msk [tilespmem:v1+s19+$0x0], $0xffff;
	_ =	sdelay $0x1  }
0x4a: {  	v2 =	vadd.f32 v3, v2;
	_ =	sdelay $0x1  }
0x4b: {  	v2 =	vadd.f32 v4, v2;
	_ =	sdelay $0x1  }
0x4c: {  	v2 =	vmul.f32 v2, v1;
	_ =	sdelay $0x1  }
0x4d: {  	v2 =	vadd.f32 v2, v0  }
.Ltmp0:
0x4e: {  	(pc) =	sbr.rel @p1 .LBB2_2-.Ltmp0, $3  }
0x4f: {  	v2 =	vmax.f32 v2, $0.0e+00  }
0x50: {  	v2 =	vmul.f32 v2, v1;
	_ =	sdelay $0x1  }
0x51: {  	s6 =	sadd.s32 $0x10, s6;
	v1 =	vmov s5;
	s5 =	sadd.s32 $0x1, s5;
	[tilespmem:s28+$0x0] =	vst v2  }
0x52: {  	v2 =	vld [tilespmem:s6+$0x0];
	s4 =	sadd.s32 $0x10, s4  }
0x53: {  	v3 =	vld [tilespmem:s4+$0x0]  }
0x54: {  	s5 =	sadd.s32 $0x10, s28  }
0x55: {  	v4 =	vld [tilespmem:s5+$0x0];
	_ =	sdelay $0x1  }
0x56: {  	v1 =	vld.idx.msk [tilespmem:v1+s19+$0x0], $0xffff  }
0x57: {  	v2 =	vadd.f32 v3, v2;
	_ =	sdelay $0x1  }
0x58: {  	v2 =	vadd.f32 v4, v2;
	_ =	sdelay $0x1  }
0x59: {  	v2 =	vmul.f32 v2, v1;
	_ =	sdelay $0x1  }
0x5a: {  	v0 =	vadd.f32 v2, v0;
	_ =	sdelay $0x1  }
0x5b: {  	v0 =	vmax.f32 v0, $0.0e+00  }
0x5c: {  	v0 =	vmul.f32 v0, v1;
	_ =	sdelay $0x1  }
0x5d: {  	s6 =	simm.s32 $0x0;
	[tilespmem:s5+$0x0] =	vst v0  }
0x5e: {  	[hbm4b:s11+s6] =	stream.linear.scatter [tilespmem:s21], [sflag:$0x6], $0x2800, $0x38;
	[tilespmem:$0x109B0] =	vst v63  }
0x5f: {  	_ =	swait.ge [sflag:s17], $0x2800  }
0x60: {  	[sflag:s17] =	ssyncset.done $0x0  }
0x61: {  	[sflag:s17] =	ssyncadd.s32 $0xFFFFD800  }
0x62: {  	[bflag:$0x0] =	sbarrier.arrive $0xFFFF  }
0x63: {  	[tilespmem:s23], [sflag:$0x1] =	stream.indirect.gather [hbm4b:s12+s22], $0x10, s6, s22, $0xb8;
	[tilespmem:$0x109B0] =	vst v63  }
0x64: {  	_ = 	snop  }
0x65: {  	[tilespmem:s24], [sflag:$0x2] =	stream.indirect.gather [hbm4b:s12+s22], $0x10, s22, s22, $0xb8;
	[tilespmem:$0x109B0] =	vst v63  }
0x66: {  	s5 =	simm.s32 $0xA0  }
0x67: {  	[tilespmem:s26], [sflag:$0x3] =	stream.indirect.gather [hbm4b:s12+s22], $0x10, s5, s22, $0xb8;
	[tilespmem:$0x109B0] =	vst v63  }
0x68: {  	s6 =	simm.s32 $0xF0  }
0x69: {  	[tilespmem:s29], [sflag:$0x4] =	stream.indirect.gather [hbm4b:s12+s22], $0x10, s6, s22, $0xb8;
	[tilespmem:$0x109B0] =	vst v63  }
0x6a: {  	s5 =	simm.s32 $0x140  }
0x6b: {  	[tilespmem:s31], [sflag:$0x5] =	stream.indirect.gather [hbm4b:s12+s22], $0x10, s5, s22, $0xb8;
	[tilespmem:$0x109B0] =	vst v63  }
0x6c: {  	_ =	swait.ge [sflag:s1], $0x500  }
0x6d: {  	[sflag:s1] =	ssyncset.done $0x0  }
0x6e: {  	s6 =	simm.s32 $0x2710;
	[sflag:s1] =	ssyncadd.s32 $0xFFFFFB00  }
0x6f: {  	[spmem:s2] =	stream.indirect.scatter.add.f32 [tilespmem:s23], [sflag:$0x6], $0x10, s6, s22, $0xb8;
	[tilespmem:$0x109B0] =	vst v63  }
0x70: {  	_ =	swait.ge [sflag:s17], $0x500  }
0x71: {  	[sflag:s17] =	ssyncset.done $0x0  }
0x72: {  	s5 =	simm.s32 $0x190;
	[sflag:s17] =	ssyncadd.s32 $0xFFFFFB00  }
0x73: {  	[tilespmem:s23], [sflag:$0x1] =	stream.indirect.gather [hbm4b:s12+s22], $0x10, s5, s22, $0xb8;
	[tilespmem:$0x109B0] =	vst v63  }
0x74: {  	_ =	swait.ge [sflag:s0], $0x500  }
0x75: {  	[sflag:s0] =	ssyncset.done $0x0  }
0x76: {  	s6 =	simm.s32 $0x2760;
	[sflag:s0] =	ssyncadd.s32 $0xFFFFFB00  }
0x77: {  	[spmem:s2] =	stream.indirect.scatter.add.f32 [tilespmem:s24], [sflag:$0x6], $0x10, s6, s22, $0xb8;
	[tilespmem:$0x109B0] =	vst v63  }
0x78: {  	_ =	swait.ge [sflag:s17], $0x500  }
0x79: {  	[sflag:s17] =	ssyncset.done $0x0  }
0x7a: {  	s5 =	simm.s32 $0x1E0;
	[sflag:s17] =	ssyncadd.s32 $0xFFFFFB00  }
0x7b: {  	[tilespmem:s24], [sflag:$0x2] =	stream.indirect.gather [hbm4b:s12+s22], $0x10, s5, s22, $0xb8;
	[tilespmem:$0x109B0] =	vst v63  }
0x7c: {  	_ =	swait.ge [sflag:s18], $0x500  }
0x7d: {  	[sflag:s18] =	ssyncset.done $0x0  }
0x7e: {  	s6 =	simm.s32 $0x27B0;
	[sflag:s18] =	ssyncadd.s32 $0xFFFFFB00  }
0x7f: {  	[spmem:s2] =	stream.indirect.scatter.add.f32 [tilespmem:s26], [sflag:$0x6], $0x10, s6, s22, $0xb8;
	[tilespmem:$0x109B0] =	vst v63  }
0x80: {  	_ =	swait.ge [sflag:s17], $0x500  }
0x81: {  	[sflag:s17] =	ssyncset.done $0x0  }
0x82: {  	s5 =	simm.s32 $0x230;
	[sflag:s17] =	ssyncadd.s32 $0xFFFFFB00  }
0x83: {  	[tilespmem:s26], [sflag:$0x3] =	stream.indirect.gather [hbm4b:s12+s22], $0x10, s5, s22, $0xb8;
	[tilespmem:$0x109B0] =	vst v63  }
0x84: {  	_ =	swait.ge [sflag:s20], $0x500  }
0x85: {  	[sflag:s20] =	ssyncset.done $0x0  }
0x86: {  	s6 =	simm.s32 $0x2800;
	[sflag:s20] =	ssyncadd.s32 $0xFFFFFB00  }
0x87: {  	[spmem:s2] =	stream.indirect.scatter.add.f32 [tilespmem:s29], [sflag:$0x6], $0x10, s6, s22, $0xb8;
	[tilespmem:$0x109B0] =	vst v63  }
0x88: {  	_ =	swait.ge [sflag:s17], $0x500  }
0x89: {  	[sflag:s17] =	ssyncset.done $0x0  }
0x8a: {  	s5 =	simm.s32 $0x280;
	[sflag:s17] =	ssyncadd.s32 $0xFFFFFB00  }
0x8b: {  	[tilespmem:s29], [sflag:$0x4] =	stream.indirect.gather [hbm4b:s12+s22], $0x10, s5, s22, $0xb8;
	[tilespmem:$0x109B0] =	vst v63  }
0x8c: {  	_ =	swait.ge [sflag:s25], $0x500  }
0x8d: {  	[sflag:s25] =	ssyncset.done $0x0  }
0x8e: {  	s6 =	simm.s32 $0x2850;
	[sflag:s25] =	ssyncadd.s32 $0xFFFFFB00  }
0x8f: {  	[spmem:s2] =	stream.indirect.scatter.add.f32 [tilespmem:s31], [sflag:$0x6], $0x10, s6, s22, $0xb8;
	[tilespmem:$0x109B0] =	vst v63  }
0x90: {  	_ =	swait.ge [sflag:s17], $0x500  }
0x91: {  	[sflag:s17] =	ssyncset.done $0x0  }
0x92: {  	s28 =	simm.s32 $0x640;
	s4 =	simm.s32 $0x2D0;
	[sflag:s17] =	ssyncadd.s32 $0xFFFFFB00  }
.LBB2_4:
0x93: {  	[tilespmem:s31], [sflag:$0x5] =	stream.indirect.gather [hbm4b:s12+s22], $0x10, s4, s22, $0xb8;
	[tilespmem:$0x109B0] =	vst v63  }
0x94: {  	s4 =	smov.u32 s28  }
0x95: {  	p1 =	sne.s32 s28, $0x8FC0;
	s28 =	sadd.s32 $0x640, s28;
	_ =	swait.ge [sflag:s1], $0x500  }
0x96: {  	s4 =	sshra.s32 s4, $0x2;
	[sflag:s1] =	ssyncset.done $0x0  }
0x97: {  	s5 =	sadd.s32 $0x2710, s4;
	[sflag:s1] =	ssyncadd.s32 $0xFFFFFB00  }
0x98: {  	[spmem:s2] =	stream.indirect.scatter.add.f32 [tilespmem:s23], [sflag:$0x6], $0x10, s5, s22, $0xb8;
	[tilespmem:$0x109B0] =	vst v63  }
0x99: {  	_ =	swait.ge [sflag:s17], $0x500  }
0x9a: {  	[sflag:s17] =	ssyncset.done $0x0  }
0x9b: {  	s5 =	sadd.s32 $0x190, s4;
	[sflag:s17] =	ssyncadd.s32 $0xFFFFFB00  }
0x9c: {  	[tilespmem:s23], [sflag:$0x1] =	stream.indirect.gather [hbm4b:s12+s22], $0x10, s5, s22, $0xb8;
	[tilespmem:$0x109B0] =	vst v63  }
0x9d: {  	_ =	swait.ge [sflag:s0], $0x500  }
0x9e: {  	[sflag:s0] =	ssyncset.done $0x0  }
0x9f: {  	s5 =	sadd.s32 $0x2760, s4;
	[sflag:s0] =	ssyncadd.s32 $0xFFFFFB00  }
0xa0: {  	[spmem:s2] =	stream.indirect.scatter.add.f32 [tilespmem:s24], [sflag:$0x6], $0x10, s5, s22, $0xb8;
	[tilespmem:$0x109B0] =	vst v63  }
0xa1: {  	_ =	swait.ge [sflag:s17], $0x500  }
0xa2: {  	[sflag:s17] =	ssyncset.done $0x0  }
0xa3: {  	s5 =	sadd.s32 $0x1E0, s4;
	[sflag:s17] =	ssyncadd.s32 $0xFFFFFB00  }
0xa4: {  	[tilespmem:s24], [sflag:$0x2] =	stream.indirect.gather [hbm4b:s12+s22], $0x10, s5, s22, $0xb8;
	[tilespmem:$0x109B0] =	vst v63  }
0xa5: {  	_ =	swait.ge [sflag:s18], $0x500  }
0xa6: {  	[sflag:s18] =	ssyncset.done $0x0  }
0xa7: {  	s5 =	sadd.s32 $0x27B0, s4;
	[sflag:s18] =	ssyncadd.s32 $0xFFFFFB00  }
0xa8: {  	[spmem:s2] =	stream.indirect.scatter.add.f32 [tilespmem:s26], [sflag:$0x6], $0x10, s5, s22, $0xb8;
	[tilespmem:$0x109B0] =	vst v63  }
0xa9: {  	_ =	swait.ge [sflag:s17], $0x500  }
0xaa: {  	[sflag:s17] =	ssyncset.done $0x0  }
0xab: {  	s5 =	sadd.s32 $0x230, s4;
	[sflag:s17] =	ssyncadd.s32 $0xFFFFFB00  }
0xac: {  	[tilespmem:s26], [sflag:$0x3] =	stream.indirect.gather [hbm4b:s12+s22], $0x10, s5, s22, $0xb8;
	[tilespmem:$0x109B0] =	vst v63  }
0xad: {  	_ =	swait.ge [sflag:s20], $0x500  }
0xae: {  	[sflag:s20] =	ssyncset.done $0x0  }
0xaf: {  	s5 =	sadd.s32 $0x2800, s4;
	[sflag:s20] =	ssyncadd.s32 $0xFFFFFB00  }
0xb0: {  	[spmem:s2] =	stream.indirect.scatter.add.f32 [tilespmem:s29], [sflag:$0x6], $0x10, s5, s22, $0xb8;
	[tilespmem:$0x109B0] =	vst v63  }
0xb1: {  	_ =	swait.ge [sflag:s17], $0x500  }
0xb2: {  	[sflag:s17] =	ssyncset.done $0x0  }
0xb3: {  	s5 =	sadd.s32 $0x280, s4;
	[sflag:s17] =	ssyncadd.s32 $0xFFFFFB00  }
0xb4: {  	[tilespmem:s29], [sflag:$0x4] =	stream.indirect.gather [hbm4b:s12+s22], $0x10, s5, s22, $0xb8;
	[tilespmem:$0x109B0] =	vst v63  }
0xb5: {  	_ =	swait.ge [sflag:s25], $0x500  }
0xb6: {  	[sflag:s25] =	ssyncset.done $0x0  }
.Ltmp1:
0xb7: {  	s5 =	sadd.s32 $0x2850, s4;
	[sflag:s25] =	ssyncadd.s32 $0xFFFFFB00;
	(pc) =	sbr.rel @p1 .LBB2_4-.Ltmp1, $4  }
0xb8: {  	[spmem:s2] =	stream.indirect.scatter.add.f32 [tilespmem:s31], [sflag:$0x6], $0x10, s5, s22, $0xb8;
	[tilespmem:$0x109B0] =	vst v63  }
0xb9: {  	_ =	swait.ge [sflag:s17], $0x500  }
0xba: {  	[sflag:s17] =	ssyncset.done $0x0  }
0xbb: {  	s4 =	sadd.s32 $0x2D0, s4;
	[sflag:s17] =	ssyncadd.s32 $0xFFFFFB00  }
0xbc: {  	[tilespmem:s31], [sflag:$0x5] =	stream.indirect.gather [hbm4b:s12+s22], $0x10, s4, s22, $0xb8;
	[tilespmem:$0x109B0] =	vst v63  }
0xbd: {  	_ =	swait.ge [sflag:s1], $0x500  }
0xbe: {  	[sflag:s1] =	ssyncset.done $0x0  }
0xbf: {  	s6 =	simm.s32 $0x4C90;
	[sflag:s1] =	ssyncadd.s32 $0xFFFFFB00  }
0xc0: {  	[spmem:s2] =	stream.indirect.scatter.add.f32 [tilespmem:s23], [sflag:$0x6], $0x10, s6, s22, $0xb8;
	[tilespmem:$0x109B0] =	vst v63  }
0xc1: {  	_ =	swait.ge [sflag:s17], $0x500  }
0xc2: {  	[sflag:s17] =	ssyncset.done $0x0  }
0xc3: {  	[sflag:s17] =	ssyncadd.s32 $0xFFFFFB00  }
0xc4: {  	_ =	swait.ge [sflag:s0], $0x500  }
0xc5: {  	[sflag:s0] =	ssyncset.done $0x0  }
0xc6: {  	s28 =	simm.s32 $0x4CE0;
	[sflag:s0] =	ssyncadd.s32 $0xFFFFFB00  }
0xc7: {  	[spmem:s2] =	stream.indirect.scatter.add.f32 [tilespmem:s24], [sflag:$0x6], $0x10, s28, s22, $0xb8;
	[tilespmem:$0x109B0] =	vst v63  }
0xc8: {  	_ =	swait.ge [sflag:s17], $0x500  }
0xc9: {  	[sflag:s17] =	ssyncset.done $0x0  }
0xca: {  	[sflag:s17] =	ssyncadd.s32 $0xFFFFFB00  }
0xcb: {  	_ =	swait.ge [sflag:s18], $0x500  }
0xcc: {  	[sflag:s18] =	ssyncset.done $0x0  }
0xcd: {  	s5 =	simm.s32 $0x4D30;
	[sflag:s18] =	ssyncadd.s32 $0xFFFFFB00  }
0xce: {  	[spmem:s2] =	stream.indirect.scatter.add.f32 [tilespmem:s26], [sflag:$0x6], $0x10, s5, s22, $0xb8;
	[tilespmem:$0x109B0] =	vst v63  }
0xcf: {  	_ =	swait.ge [sflag:s17], $0x500  }
0xd0: {  	[sflag:s17] =	ssyncset.done $0x0  }
0xd1: {  	[sflag:s17] =	ssyncadd.s32 $0xFFFFFB00  }
0xd2: {  	_ =	swait.ge [sflag:s20], $0x500  }
0xd3: {  	[sflag:s20] =	ssyncset.done $0x0  }
0xd4: {  	s6 =	simm.s32 $0x4D80;
	[sflag:s20] =	ssyncadd.s32 $0xFFFFFB00  }
0xd5: {  	[spmem:s2] =	stream.indirect.scatter.add.f32 [tilespmem:s29], [sflag:$0x6], $0x10, s6, s22, $0xb8;
	[tilespmem:$0x109B0] =	vst v63  }
0xd6: {  	_ =	swait.ge [sflag:s17], $0x500  }
0xd7: {  	[sflag:s17] =	ssyncset.done $0x0  }
0xd8: {  	[sflag:s17] =	ssyncadd.s32 $0xFFFFFB00  }
0xd9: {  	_ =	swait.ge [sflag:s25], $0x500  }
0xda: {  	[sflag:s25] =	ssyncset.done $0x0  }
0xdb: {  	s28 =	simm.s32 $0x4DD0;
	[sflag:s25] =	ssyncadd.s32 $0xFFFFFB00  }
0xdc: {  	[spmem:s2] =	stream.indirect.scatter.add.f32 [tilespmem:s31], [sflag:$0x6], $0x10, s28, s22, $0xb8;
	[tilespmem:$0x109B0] =	vst v63  }
0xdd: {  	_ =	swait.ge [sflag:s17], $0x500  }
0xde: {  	[sflag:s17] =	ssyncset.done $0x0  }
0xdf: {  	[sflag:s17] =	ssyncadd.s32 $0xFFFFFB00  }
0xe0: {  	[bflag:$0x0] =	sbarrier.arrive $0xFFFF  }
0xe1: {  	[tilespmem:s21], [sflag:$0x6] =	stream.linear.gather [spmem:s13], $0x2800, $0x38;
	[tilespmem:$0x109B0] =	vst v63  }
0xe2: {  	s30 =	sadd.s32 $0x1, s30;
	_ =	swait.ge [sflag:s17], $0x2800  }
0xe3: {  	p1 =	sne.s32 s30, s15;
	[sflag:s17] =	ssyncset.done $0x0  }
.Ltmp2:
0xe4: {  	[sflag:s17] =	ssyncadd.s32 $0xFFFFD800;
	(pc) =	sbr.rel @p1 .LBB2_1-.Ltmp2, $4  }
0xe5: {  	[hbm4b:s14+s3] =	stream.linear.scatter [tilespmem:s21], [sflag:$0x6], $0x2800, $0x38;
	[tilespmem:$0x109B0] =	vst v63  }
0xe6: {  	_ =	swait.ge [sflag:s17], $0x2800  }
0xe7: {  	[sflag:s17] =	ssyncset.done $0x0  }
0xe8: {  	[sflag:s17] =	ssyncadd.s32 $0xFFFFD800  }
0xe9: {  	_ =	sfence.sel $0x180000  }
0xea: {  	[bflag:$0x0] =	sbarrier.arrive $0xFFFF  }
0xeb: {  	_ =	strace $0x9000004D  }
0xec: {  	[bflag:$0x2] =	sbarrier.arrive $0xFFFF  }
0xed: {  	s0 =	rddreg [dreg:$0x4]  }
0xee: {  	s0 =	sadd.s32 @!p0 $0x100000, s0  }
0xef: {  	[sflag:s0] =	ssyncadd.tile.s32 @!p0 $0x1;
	_ =	shalt  }
.Lfunc_end2:
_tile_overlayer_lowered:
.L_overlay_start_2:
0xf0: {  	(tag) =	ssettag $0x2  }
0xf1: {  	s0 =	rddreg [dreg:$0x0];
	s2 =	stileid.u32  }
0xf2: {  	s1 =	rddreg [dreg:$0x1];
	p0 =	sne.s32 s2, $0x0  }
0xf3: {  	s3 =	rddreg [dreg:$0x2];
	[bflag:$0x3] =	sbarrier.arrive $0xFFFF;
	s2 =	simm.s32 @!p0 $0x1C06  }
0xf4: {  	[timem:s3], [sflag:s2] =	dma.local @!p0 [hbm:s0], s1  }
0xf5: {  	s0 =	simm.s32 @!p0 $0x6  }
0xf6: {  	_ =	swait.ge @!p0 [sflag:s0], s1  }
0xf7: {  	s1 =	ssub.s32 @!p0 $0x0, s1;
	[sflag:s0] =	ssyncset.done @!p0 $0x0  }
0xf8: {  	[sflag:s0] =	ssyncadd.s32 @!p0 s1  }
0xf9: {  	[bflag:$0x3] =	sbarrier.arrive $0xFFFF  }
0xfa: {  	_ =	shalt  }

// kernel: kernel.7.cloned.1.call-start
scs
__scs_entry_jumppad:
0x0: {  	(pc) =	sbr.rel $0x88, $3  }
0x1: {  	(tag) =	ssettag $0x0;
	lr =	simm.s32 $0x1  }
0x2: {  	[smem:$0x3F9B] =	sst lr;
	_ =	strace $0xD0000000  }
0x3: {  	_ = 	snop  }
0x4: {  	_ = 	snop  }
0x5: {  	_ = 	snop  }
0x6: {  	_ = 	snop  }
0x7: {  	_ = 	snop  }
__scs_overlays_trampoline_lowered:
0x8: {  	[smem:$0x3FAA] =	sst s0  }
0x9: {  	[smem:$0x3FAB] =	sst s1  }
0xa: {  	[smem:$0x3FAC] =	sst s2  }
0xb: {  	[smem:$0x3FAD] =	sst s3  }
0xc: {  	[smem:$0x3FAE] =	sst s4  }
0xd: {  	[smem:$0x3FAF] =	sst s5  }
0xe: {  	[smem:$0x3FB0] =	sst s6  }
0xf: {  	[smem:$0x3FB1] =	sst s7  }
0x10: {  	[smem:$0x3FB2] =	sst s8  }
0x11: {  	[smem:$0x3FB3] =	sst s9;
	s0 =	simm.s32 @!p0 $0x0  }
0x12: {  	s1 =	sld [smem:$0x3F99];
	s0 =	simm.s32 @p0 $0x1  }
0x13: {  	[smem:$0x3FB4] =	sst s0;
	s0 =	simm.s32 @!p1 $0x0  }
0x14: {  	s2 =	sld [smem:$0x3F98];
	s0 =	simm.s32 @p1 $0x1  }
0x15: {  	[smem:$0x3FB5] =	sst s0;
	s0 =	simm.s32 @!p2 $0x0  }
0x16: {  	s3 =	sld [smem:$0x3FDB];
	s0 =	simm.s32 @p2 $0x1  }
0x17: {  	s4 =	simm.s32 $0x1BF5;
	[smem:$0x3FB7] =	sst s0  }
0x18: {  	s0 =	sld [smem:$0x3F9A];
	_ =	swait.ge [sflag:s4], $0x0  }
0x19: {  	s7 =	sld [smem:$0x3F9B]  }
0x1a: {  	s8 =	sadd.s32 $0xFFFFE003, lr  }
0x1b: {  	s9 =	sadd.s32 $0xFFFFFEF7, lr;
	s5 =	simm.s32 $0xFFFFFFFF;
	p2 =	slt.u32 s8, $0xFFFFF086  }
0x1c: {  	p1 =	slt.u32 s9, $0xF7A;
	s5 =	simm.s32 @!p2 $0x0  }
0x1d: {  	s5 =	simm.s32 @p1 $0x1;
	p0 =	seq.s32 s7, s2  }
0x1e: {  	s7 =	smul.u32 @!p0 $0xF7A, s2;
	p2 =	seq.s32 @!p0 s5, $0x0  }
0x1f: {  	s9 =	smul.u32 $0xF7A, s1;
	s8 =	simm.s32 @!p0 $0x1BF5;
	p2 =	por !p2, p0  }
0x20: {  	[sflag:s8] =	ssyncset.s32 @!p0 $0xFFFFF086;
	s6 =	sadd.s32 @!p0 s3, s7;
	s7 =	simm.s32 @!p0 $0x108  }
0x21: {  	s3 =	sadd.s32 s3, s9;
	s6 =	sadd.s32 @!p0 $0x88, s6;
	s7 =	simm.s32 @p2 $0x1082  }
0x22: {  	[simem:s7], [sflag:s8] =	dma.local @!p0 [hbm:s6], $0xF7A  }
0x23: {  	s9 =	sor.u32 $0xD0000000, s2;
	s6 =	simm.s32 $0x108;
	_ =	swait.ge @!p0 [sflag:s8], $0x0  }
0x24: {  	s3 =	sadd.s32 $0x88, s3;
	s6 =	simm.s32 @!p1 $0x1082;
	[sflag:s4] =	ssyncset.s32 $0xFFFFF086  }
0x25: {  	[simem:s6], [sflag:s4] =	dma.local [hbm:s3], $0xF7A  }
0x26: {  	[smem:$0x3F9B] =	sst s1;
	(tag) =	ssettag s2;
	_ =	strace s9  }
0x27: {  	s1 =	sld [smem:$0x3FAB]  }
0x28: {  	s2 =	sld [smem:$0x3FAC]  }
0x29: {  	s4 =	sld [smem:$0x3FAE]  }
0x2a: {  	p0 =	seq.s32 s5, $0x0;
	s5 =	sld [smem:$0x3FAF]  }
0x2b: {  	s6 =	sld [smem:$0x3FB0]  }
0x2c: {  	s7 =	sld [smem:$0x3FB1]  }
0x2d: {  	s3 =	simm.s32 $0x108;
	s8 =	sld [smem:$0x3FB2]  }
0x2e: {  	s3 =	simm.s32 @!p0 $0x1082;
	s9 =	sld [smem:$0x3FB3]  }
0x2f: {  	lr =	sadd.s32 s0, s3;
	s0 =	sld [smem:$0x3FAA]  }
0x30: {  	s3 =	sld [smem:$0x3FAD]  }
0x31: {  	[smem:$0x3FB6] =	sst s10  }
0x32: {  	s10 =	sld [smem:$0x3FB4];
	_ =	sdelay $0x3  }
0x33: {  	p0 =	seq.s32 s10, $0x1;
	s10 =	sld [smem:$0x3FB6];
	_ =	sdelay $0x3  }
0x34: {  	[smem:$0x3FB6] =	sst s10  }
0x35: {  	s10 =	sld [smem:$0x3FB5];
	_ =	sdelay $0x3  }
0x36: {  	p1 =	seq.s32 s10, $0x1;
	s10 =	sld [smem:$0x3FB6];
	_ =	sdelay $0x3  }
0x37: {  	[smem:$0x3FB6] =	sst s10  }
0x38: {  	s10 =	sld [smem:$0x3FB7]  }
0x39: {  	_ = 	snop;
	(pc) =	sbr.ind lr, $3  }
0x3a: {  	_ = 	snop  }
0x3b: {  	_ = 	snop  }
0x3c: {  	p2 =	seq.s32 s10, $0x1;
	s10 =	sld [smem:$0x3FB6]  }
0x3d: {  	_ =	shalt  }
0x3e: {  	_ =	shalt  }
0x3f: {  	_ =	shalt  }
0x40: {  	_ =	shalt  }
0x41: {  	_ =	shalt  }
0x42: {  	_ =	shalt  }
0x43: {  	_ =	shalt  }
0x44: {  	_ =	shalt  }
0x45: {  	_ =	shalt  }
0x46: {  	_ =	shalt  }
0x47: {  	_ =	shalt  }
0x48: {  	_ =	shalt  }
0x49: {  	_ =	shalt  }
0x4a: {  	_ =	shalt  }
0x4b: {  	_ =	shalt  }
0x4c: {  	_ =	shalt  }
0x4d: {  	_ =	shalt  }
0x4e: {  	_ =	shalt  }
0x4f: {  	_ =	shalt  }
0x50: {  	_ =	shalt  }
0x51: {  	_ =	shalt  }
0x52: {  	_ =	shalt  }
0x53: {  	_ =	shalt  }
0x54: {  	_ =	shalt  }
0x55: {  	_ =	shalt  }
0x56: {  	_ =	shalt  }
0x57: {  	_ =	shalt  }
0x58: {  	_ =	shalt  }
0x59: {  	_ =	shalt  }
0x5a: {  	_ =	shalt  }
0x5b: {  	_ =	shalt  }
0x5c: {  	_ =	shalt  }
0x5d: {  	_ =	shalt  }
0x5e: {  	_ =	shalt  }
0x5f: {  	_ =	shalt  }
0x60: {  	_ =	shalt  }
0x61: {  	_ =	shalt  }
0x62: {  	_ =	shalt  }
0x63: {  	_ =	shalt  }
0x64: {  	_ =	shalt  }
0x65: {  	_ =	shalt  }
0x66: {  	_ =	shalt  }
0x67: {  	_ =	shalt  }
0x68: {  	_ =	shalt  }
0x69: {  	_ =	shalt  }
0x6a: {  	_ =	shalt  }
0x6b: {  	_ =	shalt  }
0x6c: {  	_ =	shalt  }
0x6d: {  	_ =	shalt  }
0x6e: {  	_ =	shalt  }
0x6f: {  	_ =	shalt  }
0x70: {  	_ =	shalt  }
0x71: {  	_ =	shalt  }
0x72: {  	_ =	shalt  }
0x73: {  	_ =	shalt  }
0x74: {  	_ =	shalt  }
0x75: {  	_ =	shalt  }
0x76: {  	_ =	shalt  }
0x77: {  	_ =	shalt  }
0x78: {  	_ =	shalt  }
0x79: {  	_ =	shalt  }
0x7a: {  	_ =	shalt  }
0x7b: {  	_ =	shalt  }
0x7c: {  	_ =	shalt  }
0x7d: {  	_ =	shalt  }
0x7e: {  	_ =	shalt  }
0x7f: {  	_ =	shalt  }
0x80: {  	_ =	shalt  }
0x81: {  	_ =	shalt  }
0x82: {  	_ =	shalt  }
0x83: {  	_ =	shalt  }
0x84: {  	_ =	shalt  }
0x85: {  	_ =	shalt  }
0x86: {  	_ =	shalt  }
0x87: {  	_ =	shalt  }
.Lfunc_end0:
.L_simem_size_0:
called_computation_lowered:
.L_overlay_start_0:
0x88: {  	s2 =	sld [smem:$0x3FD9]  }
0x89: {  	s3 =	sld [smem:$0x3FFE];
	_ =	sdelay $0x1  }
0x8a: {  	s1 =	srdreg.scid  }
0x8b: {  	s0 =	sand.u32 $0x1, s1  }
0x8c: {  	s16 =	sshll.u32 s0, $0xA;
	s2 =	sadd.s32 s3, s2  }
0x8d: {  	s2 =	sadd.s32 s2, s16  }
0x8e: {  	[smem:$0x3FC2] =	sst s2  }
0x8f: {  	_ = 	snop  }
0x90: {  	(tm) =	ssettm $0x1  }
0x91: {  	s17 =	sld [smem:$0x3FFB];
	_ =	sdelay $0x3  }
0x92: {  	_ =	strace s17  }
0x93: {  	s2 =	sld [smem:$0x3FFC];
	_ =	sdelay $0x3  }
0x94: {  	_ =	strace s2  }
0x95: {  	s2 =	sld [smem:$0x3FFD];
	_ =	sdelay $0x3  }
0x96: {  	_ =	strace s2  }
0x97: {  	_ =	strace $0x8FFFFFFF  }
0x98: {  	s18 =	sld [smem:$0x3FDB];
	_ =	sdelay $0x1  }
0x99: {  	s19 =	simm.s32 $_scs_section_size  }
0x9a: {  	s4 =	simm.s32 $_size__tile_overlayer_lowered;
	s5 =	simm.s32 $_tile_overlayer_lowered  }
0x9b: {  	s22 =	simm.s32 $0x1BFF;
	s21 =	sshll.u32 s5, $0x1;
	s2 =	sadd.s32 s19, s18  }
0x9c: {  	s6 =	simm.s32 $0x0;
	s20 =	sshll.u32 s4, $0x1;
	s4 =	sadd.s32 s21, s2  }
0x9d: {  	[timem:s6], [sflag:s22] =	dma.local [hbm:s4], s20  }
0x9e: {  	_ =	swait.ge [sflag:s22], s20  }
0x9f: {  	s3 =	ssub.s32 $0x0, s20;
	[sflag:s22] =	ssyncset.done $0x0  }
0xa0: {  	[sflag:s22] =	ssyncadd.s32 s3;
	_ =	sdelay $0x1  }
0xa1: {  	s23 =	simm.s32 $0x1B8B  }
0xa2: {  	_ =	swait.ge [sflag:s23], $0x1  }
0xa3: {  	[sflag:s23] =	ssyncset.done $0x0  }
0xa4: {  	s25 =	simm.s32 $0x1B8E;
	s24 =	sld [smem:$0x3FFE];
	[sflag:s23] =	ssyncadd.s32 $0xFFFFFFFF  }
0xa5: {  	s26 =	simm.s32 $execute0_lowered;
	[smem:$0x3FD2] =	sst s25  }
0xa6: {  	s4 =	sshll.u32 s26, $0x1;
	_ =	strace $0x80000046;
	[dreg:$0x1] =	wrdreg $0xFFFFFFFF  }
0xa7: {  	s28 =	simm.s32 $_size_execute0_lowered;
	s2 =	sadd.s32 s2, s4;
	[dreg:$0x0] =	wrdreg $0x0  }
0xa8: {  	s4 =	sshll.u32 s28, $0x1;
	[dreg:$0x2] =	wrdreg s2  }
0xa9: {  	[dreg:$0x3] =	wrdreg s4  }
0xaa: {  	[dreg:$0x4] =	wrdreg $0xC0  }
0xab: {  	_ =	task [dreg:s6], $0x5FFFF  }
0xac: {  	[dreg:$0x1] =	wrdreg $0xFFFFFFFF  }
0xad: {  	[dreg:$0x0] =	wrdreg $0x60  }
0xae: {  	[dreg:$0x2] =	wrdreg s24  }
0xaf: {  	[dreg:$0x3] =	wrdreg $0x43000  }
0xb0: {  	[dreg:$0x4] =	wrdreg $0x9  }
0xb1: {  	_ =	task.clear_ibuf [dreg:s6], $0x5FFFF;
	_ =	strace $0x90000046  }
0xb2: {  	s29 =	simm.s32 $0x9;
	_ =	strace $0x80000048  }
0xb3: {  	_ =	swait.ge [sflag:s29], $0x1  }
0xb4: {  	[sflag:s29] =	ssyncadd.s32 $0xFFFFFFFF  }
0xb5: {  	_ =	strace $0x90000048  }
0xb6: {  	_ =	sfence  }
0xb7: {  	s30 =	sld [smem:$0x0];
	_ =	sdelay $0x2  }
0xb8: {  	s31 =	sshll.u32 s1, $0xD;
	s1 =	sshrl.u32 s1, $0x2  }
0xb9: {  	s3 =	sand.u32 $0x4000, s31;
	s1 =	sadd.s32 s1, s30  }
0xba: {  	s0 =	sor.u32 s3, s0;
	s1 =	sshll.u32 s1, $0x11  }
0xbb: {  	s0 =	sor.u32 s1, s0  }
0xbc: {  	s0 =	sadd.s32 $0x8F2B, s0  }
0xbd: {  	[sflag:s0] =	ssyncadd.remote.s32 $0x1  }
0xbe: {  	_ =	sfence.sel $0xFFFF  }
0xbf: {  	[dreg:$0x0] =	wrdreg $0xFFFFFFFF;
	(pc) =	sbr.abs _section_cstart, $3  }
0xc0: {  	[dreg:$0x1] =	wrdreg $0xFFFFFFFF  }
0xc1: {  	_ =	task.clear_ibuf [dreg:s6], $0x2FFFF;
	_ =	strace $0x9FFFFFFF  }
0xc2: {  	(tm) =	ssettm $0x7FFFFFFF  }
0xc3: {  	_ =	shalt  }
tec
execute0_lowered:
.L_overlay_start_1:
0x0: {  	(tag) =	ssettag $0x1  }
0x1: {  	s6 =	rddreg [dreg:$0x0]  }
0x2: {  	s1 =	rddreg [dreg:$0x1]  }
0x3: {  	s3 =	srdreg.scid;
	s0 =	rddreg [dreg:$0x2];
	s2 =	simm.s32 $0x0  }
0x4: {  	s8 =	stileid.u32;
	s11 =	simm.s32 $0x4000;
	s12 =	simm.s32 $0x1  }
0x5: {  	s13 =	simm.s32 $0x4080;
	s14 =	simm.s32 $0x0;
	s4 =	sand.u32 $0x1, s3  }
0x6: {  	[smem:$0x7FF] =	sst s2;
	s31 =	sshll.u32 s8, $0xC;
	s10 =	smul.u32 $0x280, s8  }
0x7: {  	s3 =	sshll.u32 s4, $0xB;
	_ =	strace $0x80000047;
	s7 =	ssub.s32 $0x2, s4  }
0x8: {  	p0 =	seq.s32 s4, $0x1;
	s5 =	sadd.s32 s3, s6;
	s9 =	sshrl.u32 s7, $0x1  }
0x9: {  	s3 =	sadd.s32 $0x26000, s6;
	s7 =	ssub.s32 s7, s9;
	s5 =	sadd.s32 s31, s5  }
0xa: {  	s9 =	simm.s32 $0x26C00;
	s4 =	sadd.s32 $0x16000, s5;
	s5 =	sadd.s32 s10, s1  }
0xb: {  	s9 =	simm.s32 @!p0 $0x26600;
	s10 =	sshrl.u32 s10, $0x3;
	p0 =	sne.s32 s8, $0x0  }
0xc: {  	s9 =	sadd.s32 s9, s6;
	s6 =	smax.u32 s7, $0x1;
	s8 =	sshrl.u32 @!p0 s1, $0x3  }
0xd: {  	v0 =	vimm.f32 $1.000000000e+00;
	s7 =	sadd.s32 s9, s10;
	s9 =	simm.s32 $0x2;
	s10 =	simm.s32 $0x50  }
.LBB2_1:
0xe: {  	s15 =	simm.s32 @!p0 $0x1C02  }
0xf: {  	[spmem:s8], [sflag:s15] =	dma.local @!p0 [hbm:s3], $0x500  }
0x10: {  	s15 =	simm.s32 @!p0 $0x2  }
0x11: {  	_ =	swait.ge @!p0 [sflag:s15], $0x500  }
0x12: {  	[sflag:s15] =	ssyncset.done @!p0 $0x0  }
0x13: {  	[sflag:s15] =	ssyncadd.s32 @!p0 $0xFFFFFB00  }
0x14: {  	[tilespmem:$0x4000] =	vst v0  }
0x15: {  	[tilespmem:$0x4010] =	vst v0  }
0x16: {  	[tilespmem:$0x4020] =	vst v0  }
0x17: {  	[tilespmem:$0x4030] =	vst v0  }
0x18: {  	[tilespmem:$0x4040] =	vst v0  }
0x19: {  	[tilespmem:s2], [sflag:$0x2] =	stream.linear.gather [hbm4b:s4+s2], $0x3E80, $0x38;
	[tilespmem:$0x4580] =	vst v63  }
0x1a: {  	_ =	swait.ge [sflag:s9], $0x3E80  }
0x1b: {  	[sflag:s9] =	ssyncset.done $0x0  }
0x1c: {  	[sflag:s9] =	ssyncadd.s32 $0xFFFFC180  }
0x1d: {  	s15 =	simm.s32 $0x0;
	[bflag:$0x0] =	sbarrier.arrive $0xFFFF  }
.LBB2_2:
0x1e: {  	p1 =	sne.s32 s15, $0xF800  }
.Ltmp0:
0x1f: {  	_ = 	snop;
	(pc) =	sbr.rel @p1 .LBB2_2-.Ltmp0, $3  }
0x20: {  	_ =	sdelay $0x1  }
0x21: {  	s16 =	sshra.s32 s15, $0x2;
	s15 =	sadd.s32 $0x200, s15  }
0x22: {  	[spmem:s1] =	stream.indirect.scatter.add.f32 [tilespmem:s11], [sflag:$0x1], $0x1, s16, s10, $0xb8;
	[tilespmem:$0x4580] =	vst v63  }
0x23: {  	_ =	swait.ge [sflag:s12], $0x50  }
0x24: {  	s15 =	simm.s32 $0x7C;
	[sflag:s12] =	ssyncset.done $0x0  }
.LBB2_4:
0x25: {  	p1 =	sne.s32 s15, $0x1;
	s15 =	sadd.s32 $0xFFFFFFFF, s15;
	[sflag:s12] =	ssyncadd.s32 $0xFFFFFFB0  }
.Ltmp1:
0x26: {  	(pc) =	sbr.rel @p1 .LBB2_4-.Ltmp1, $3  }
0x27: {  	_ =	sdelay $0x1  }
0x28: {  	_ =	swait.ge [sflag:s12], $0x50  }
0x29: {  	[sflag:s12] =	ssyncset.done $0x0  }
0x2a: {  	[sflag:s12] =	ssyncadd.s32 $0xFFFFFFB0  }
0x2b: {  	[bflag:$0x0] =	sbarrier.arrive $0xFFFF  }
0x2c: {  	[tilespmem:s13], [sflag:$0x2] =	stream.linear.gather [spmem:s5], $0x280, $0x38;
	[tilespmem:$0x4580] =	vst v63  }
0x2d: {  	s14 =	sadd.s32 $0x1, s14;
	_ =	swait.ge [sflag:s9], $0x280  }
0x2e: {  	p1 =	sne.s32 s14, s6;
	[sflag:s9] =	ssyncset.done $0x0  }
.Ltmp2:
0x2f: {  	[sflag:s9] =	ssyncadd.s32 $0xFFFFFD80;
	(pc) =	sbr.rel @p1 .LBB2_1-.Ltmp2, $4  }
0x30: {  	[hbm4b:s7+s2] =	stream.linear.scatter [tilespmem:s13], [sflag:$0x2], $0x280, $0x38;
	[tilespmem:$0x4580] =	vst v63  }
0x31: {  	_ =	swait.ge [sflag:s9], $0x280  }
0x32: {  	[sflag:s9] =	ssyncset.done $0x0  }
0x33: {  	[sflag:s9] =	ssyncadd.s32 $0xFFFFFD80  }
0x34: {  	_ =	sfence.sel $0x180000  }
0x35: {  	[bflag:$0x0] =	sbarrier.arrive $0xFFFF  }
0x36: {  	_ =	strace $0x90000047  }
0x37: {  	s0 =	sadd.s32 @!p0 $0x100000, s0;
	[bflag:$0x2] =	sbarrier.arrive $0xFFFF  }
0x38: {  	[sflag:s0] =	ssyncadd.tile.s32 @!p0 $0x1;
	_ =	shalt  }
.Lfunc_end2:
_tile_overlayer_lowered:
.L_overlay_start_2:
0x39: {  	(tag) =	ssettag $0x2  }
0x3a: {  	s0 =	rddreg [dreg:$0x0];
	s2 =	stileid.u32  }
0x3b: {  	s1 =	rddreg [dreg:$0x1];
	p0 =	sne.s32 s2, $0x0  }
0x3c: {  	s3 =	rddreg [dreg:$0x2];
	[bflag:$0x3] =	sbarrier.arrive $0xFFFF;
	s2 =	simm.s32 @!p0 $0x1C02  }
0x3d: {  	[timem:s3], [sflag:s2] =	dma.local @!p0 [hbm:s0], s1  }
0x3e: {  	s0 =	simm.s32 @!p0 $0x2  }
0x3f: {  	_ =	swait.ge @!p0 [sflag:s0], s1  }
0x40: {  	s1 =	ssub.s32 @!p0 $0x0, s1;
	[sflag:s0] =	ssyncset.done @!p0 $0x0  }
0x41: {  	[sflag:s0] =	ssyncadd.s32 @!p0 s1  }
0x42: {  	[bflag:$0x3] =	sbarrier.arrive $0xFFFF  }
0x43: {  	_ =	shalt  }

</sc_bundles>
